<compile_context>
chip_gen: v7x
topology: tpu7x:2x2x1
jax: 0.10.2.dev20260603
libtpu: 0.0.44.dev20260713+nightly
codegen_flags: <defaults>
</compile_context>

<pallas_src>
import math

import jax
import jax.numpy as jnp
from jax import lax
from jax.experimental import pallas as pl
from jax.experimental.pallas import tpu as pltpu
from jax.experimental.pallas import tpu_sc as plsc

D_MODEL = 64
SCALE = math.sqrt(D_MODEL)

_NC = 2
_NS = 16
_NW = _NC * _NS

_RCHUNK = 256
_NBUF = 2


def _emb_body(table_hbm, xt_hbm, out_hbm, idx_v, *scratch):
    n_cols = xt_hbm.shape[0]
    rows = scratch[0:_NBUF]
    trows = scratch[_NBUF:2 * _NBUF]
    gsem = scratch[2 * _NBUF:3 * _NBUF]
    ssem = scratch[3 * _NBUF:4 * _NBUF]

    wid = lax.axis_index("s") * _NC + lax.axis_index("c")
    rpw = idx_v.shape[1]
    r0 = wid * rpw
    pltpu.sync_copy(xt_hbm.at[:, pl.ds(r0, rpw)], idx_v)

    halves = rpw // _RCHUNK
    nchunk = n_cols * halves

    def start_gather(t, b):
        c = t // halves
        h = t % halves
        pltpu.async_copy(
            table_hbm.at[idx_v.at[c, pl.ds(h * _RCHUNK, _RCHUNK)]],
            rows[b], gsem[b],
        )

    def wait_gather(t, b):
        c = t // halves
        h = t % halves
        pltpu.make_async_copy(
            table_hbm.at[idx_v.at[c, pl.ds(h * _RCHUNK, _RCHUNK)]],
            rows[b], gsem[b],
        ).wait()

    def out_slice(t):
        c = t // halves
        h = t % halves
        rt = (r0 + h * _RCHUNK) // 128
        return out_hbm.at[c, :, pl.ds(rt, _RCHUNK // 128)]

    def tr_slice(b):
        return trows[b].at[:, :, pl.ds(0, 8), pl.ds(0, 128)]

    def start_scatter(t, b):
        pltpu.async_copy(tr_slice(b), out_slice(t), ssem[b])

    def wait_scatter(t, b):
        pltpu.make_async_copy(tr_slice(b), out_slice(t), ssem[b]).wait()

    iota = lax.iota(jnp.int32, 16)
    jt_c = [2 * k + iota // 8 for k in range(D_MODEL // 16)]
    js_c = iota % 8

    def transpose_scale(b):
        src, dst = rows[b], trows[b]

        @plsc.parallel_loop(0, 128, 1, unroll=2)
        def tok_body(tl):
            rl_v = jnp.full((16,), tl, dtype=jnp.int32)
            for rt in range(_RCHUNK // 128):
                rt_v = jnp.full((16,), rt, dtype=jnp.int32)
                t = rt * 128 + tl
                for k in range(D_MODEL // 16):
                    v = src[t, pl.ds(16 * k, 16)]
                    plsc.store_scatter(
                        dst, [jt_c[k], rt_v, js_c, rl_v], v * SCALE
                    )

    for b in range(_NBUF):
        start_gather(b, b)

    def group(g, carry):
        t0 = g * _NBUF
        for b in range(_NBUF):
            wait_gather(t0 + b, b)
            transpose_scale(b)
            start_scatter(t0 + b, b)
        for b in range(_NBUF):
            wait_scatter(t0 + b, b)
            start_gather(t0 + b + _NBUF, b)
        return carry

    ngroups = nchunk // _NBUF
    lax.fori_loop(0, ngroups - 1, group, 0)

    t0 = (ngroups - 1) * _NBUF
    for b in range(_NBUF):
        wait_gather(t0 + b, b)
        transpose_scale(b)
        start_scatter(t0 + b, b)
    for b in range(_NBUF):
        wait_scatter(t0 + b, b)


@jax.jit
def kernel(x, table):
    n_rows, n_cols = x.shape
    rpw = n_rows // _NW
    nrt = n_rows // 128
    xt = x.astype(jnp.int32).T

    mesh = plsc.VectorSubcoreMesh(core_axis_name="c", subcore_axis_name="s")
    scratch = (
        [pltpu.VMEM((n_cols, rpw), jnp.int32)]
        + [pltpu.VMEM((_RCHUNK, D_MODEL), jnp.float32) for _ in range(_NBUF)]
        + [
            pltpu.VMEM((8, _RCHUNK // 128, 12, 129), jnp.float32)
            for _ in range(_NBUF)
        ]
        + [pltpu.SemaphoreType.DMA for _ in range(2 * _NBUF)]
    )
    fn = pl.kernel(
        _emb_body,
        out_type=jax.ShapeDtypeStruct((n_cols, 8, nrt, 8, 128), jnp.float32),
        mesh=mesh,
        scratch_types=scratch,
        compiler_params=pltpu.CompilerParams(
            use_tc_tiling_on_sc=False, needs_layout_passes=False
        ),
    )
    o5 = fn(table, xt)
    out_t = o5.transpose(0, 1, 3, 2, 4).reshape(n_cols, D_MODEL, n_rows)
    return out_t.transpose(2, 0, 1)

# --- scband reference (transcript-rebuilt; emitter-appended) ---
"""Pipeline reference for scband-token-embedding-36532991820388 (READ-ONLY COPY).

The authoritative reference and input builder live on the scoring server;
editing this copy changes nothing except your own understanding.
"""

import jax, jax.numpy as jnp
import numpy as np
import math

D_MODEL = 64
VOCAB = 1000000

def setup_inputs(seed: int = 0) -> dict:
    key = jax.random.key(seed)
    k1, k2 = jax.random.split(key)
    x = jax.random.randint(k1, (16384, 50), 0, VOCAB, dtype=jnp.int64)
    table = jax.random.normal(k2, (VOCAB, D_MODEL), dtype=jnp.float32)
    return {"x": x, "table": table}

def reference(x, table):
    # TokenEmbedding.forward: embedding(x) * sqrt(d_model)
    emb = jnp.take(table, x, axis=0)
    return emb * math.sqrt(D_MODEL)

if __name__ == "__main__":
    import jax
    _d = setup_inputs()
    print(jax.jit(kernel)(*tuple(_d.values())))

</pallas_src>

<mosaic_0001>
#map = affine_map<(d0, d1) -> (0, 0)>
#map1 = affine_map<(d0, d1) -> (0, 0, 0, 0, 0)>
module attributes {stable_mosaic.version = 14 : i64} {
  func.func @_emb_body(%arg0: i32, %arg1: i32, %arg2: memref<1000000x64xf32, #tpu.memory_space<hbm>>, %arg3: memref<50x16384xi32, #tpu.memory_space<hbm>>, %arg4: memref<50x8x128x8x128xf32, #tpu.memory_space<hbm>>, %arg5: memref<50x512xi32, #tpu.memory_space<vmem>>, %arg6: memref<256x64xf32, #tpu.memory_space<vmem>>, %arg7: memref<256x64xf32, #tpu.memory_space<vmem>>, %arg8: memref<8x2x12x129xf32, #tpu.memory_space<vmem>>, %arg9: memref<8x2x12x129xf32, #tpu.memory_space<vmem>>, %arg10: memref<!tpu.dma_semaphore, #tpu.memory_space<semaphore_mem>>, %arg11: memref<!tpu.dma_semaphore, #tpu.memory_space<semaphore_mem>>, %arg12: memref<!tpu.dma_semaphore, #tpu.memory_space<semaphore_mem>>, %arg13: memref<!tpu.dma_semaphore, #tpu.memory_space<semaphore_mem>>) attributes {dimension_semantics = [#tpu.dimension_semantics<core_parallel>, #tpu.dimension_semantics<subcore_parallel>], iteration_bounds = array<i64: 2, 16>, scalar_prefetch = 0 : i64, scratch_operands = 9 : i64, tpu.core_type = #tpu.core_type<sc_vector_subcore>, window_params = [{transform_indices = #map}, {transform_indices = #map}, {transform_indices = #map1}]} {
    %mul3A = arith.constant 2 : i32
    %mul3A_0 = arith.muli %arg1, %mul3A : i32
    %add3A = arith.addi %mul3A_0, %arg0 : i32
    %mul3A_1 = arith.constant 512 : i32
    %mul3A_2 = arith.muli %add3A, %mul3A_1 : i32
    "tpu.region"() ({
      %run_scoped3A = tpu.sem_alloc : memref<!tpu.dma_semaphore, #tpu.memory_space<semaphore_mem>>
      %dma_start3A_375 = arith.constant 0 : i32
      %dma_start3A_376 = tpu.memref_slice %arg3[%dma_start3A_375, %mul3A_2] : memref<50x16384xi32, #tpu.memory_space<hbm>> -> memref<50x512xi32, #tpu.memory_space<hbm>>
      %dma_start3A_377 = arith.constant 0 : i32
      %dma_start3A_378 = tpu.memref_slice %arg3[%dma_start3A_377, %mul3A_2] : memref<50x16384xi32, #tpu.memory_space<hbm>> -> memref<50x512xi32, #tpu.memory_space<hbm>>
      tpu.enqueue_dma source(%dma_start3A_378 : memref<50x512xi32, #tpu.memory_space<hbm>>) target(%arg5 : memref<50x512xi32, #tpu.memory_space<vmem>>) target_semaphore(%run_scoped3A : memref<!tpu.dma_semaphore, #tpu.memory_space<semaphore_mem>>)
      %dma_wait3A_379 = arith.constant 0 : i32
      %dma_wait3A_380 = tpu.memref_slice %arg3[%dma_wait3A_379, %mul3A_2] : memref<50x16384xi32, #tpu.memory_space<hbm>> -> memref<50x512xi32, #tpu.memory_space<hbm>>
      %dma_wait3A_381 = arith.constant 0 : i32
      %dma_wait3A_382 = tpu.memref_slice %arg3[%dma_wait3A_381, %mul3A_2] : memref<50x16384xi32, #tpu.memory_space<hbm>> -> memref<50x512xi32, #tpu.memory_space<hbm>>
      tpu.wait_dma2 semaphore(%run_scoped3A : memref<!tpu.dma_semaphore, #tpu.memory_space<semaphore_mem>>) src(%dma_wait3A_382 : memref<50x512xi32, #tpu.memory_space<hbm>>) dst(%arg5 : memref<50x512xi32, #tpu.memory_space<vmem>>)
      tpu.yield
    }) : () -> ()
    %iota3A = tpu.iota {dimensions = array<i32: 0>} : vector<16xi32>
    %jit3A = arith.constant 8 : i32
    %div3A = vector.broadcast %jit3A : i32 to vector<16xi32>
    %div3A_3 = arith.divsi %iota3A, %div3A : vector<16xi32>
    %sign3A = arith.constant 0 : i32
    %sign3A_4 = vector.broadcast %sign3A : i32 to vector<16xi32>
    %sign3A_5 = arith.cmpi sgt, %iota3A, %sign3A_4 : vector<16xi32>
    %sign3A_6 = arith.extui %sign3A_5 : vector<16xi1> to vector<16xi32>
    %sign3A_7 = arith.constant 0 : i32
    %sign3A_8 = vector.broadcast %sign3A_7 : i32 to vector<16xi32>
    %sign3A_9 = arith.cmpi slt, %iota3A, %sign3A_8 : vector<16xi32>
    %sign3A_10 = arith.extui %sign3A_9 : vector<16xi1> to vector<16xi32>
    %sign3A_11 = arith.subi %sign3A_6, %sign3A_10 : vector<16xi32>
    %sign3A_12 = arith.constant 0 : i32
    %sign3A_13 = arith.cmpi sgt, %jit3A, %sign3A_12 : i32
    %sign3A_14 = arith.extui %sign3A_13 : i1 to i32
    %sign3A_15 = arith.constant 0 : i32
    %sign3A_16 = arith.cmpi slt, %jit3A, %sign3A_15 : i32
    %sign3A_17 = arith.extui %sign3A_16 : i1 to i32
    %sign3A_18 = arith.subi %sign3A_14, %sign3A_17 : i32
    %ne3A = vector.broadcast %sign3A_18 : i32 to vector<16xi32>
    %ne3A_19 = arith.cmpi ne, %sign3A_11, %ne3A : vector<16xi32>
    %rem3A = vector.broadcast %jit3A : i32 to vector<16xi32>
    %rem3A_20 = arith.remsi %iota3A, %rem3A : vector<16xi32>
    %ne3A_21 = arith.constant 0 : i32
    %ne3A_22 = vector.broadcast %ne3A_21 : i32 to vector<16xi32>
    %ne3A_23 = arith.cmpi ne, %rem3A_20, %ne3A_22 : vector<16xi32>
    %and3A = arith.andi %ne3A_19, %ne3A_23 : vector<16xi1>
    %sub3A = arith.constant 1 : i32
    %sub3A_24 = vector.broadcast %sub3A : i32 to vector<16xi32>
    %sub3A_25 = arith.subi %div3A_3, %sub3A_24 : vector<16xi32>
    %select_n3A = arith.select %and3A, %sub3A_25, %div3A_3 : vector<16xi1>, vector<16xi32>
    %add3A_26 = arith.constant 0 : i32
    %add3A_27 = vector.broadcast %add3A_26 : i32 to vector<16xi32>
    %add3A_28 = arith.addi %add3A_27, %select_n3A : vector<16xi32>
    %jit3A_29 = arith.constant 8 : i32
    %div3A_30 = vector.broadcast %jit3A_29 : i32 to vector<16xi32>
    %div3A_31 = arith.divsi %iota3A, %div3A_30 : vector<16xi32>
    %sign3A_32 = arith.constant 0 : i32
    %sign3A_33 = vector.broadcast %sign3A_32 : i32 to vector<16xi32>
    %sign3A_34 = arith.cmpi sgt, %iota3A, %sign3A_33 : vector<16xi32>
    %sign3A_35 = arith.extui %sign3A_34 : vector<16xi1> to vector<16xi32>
    %sign3A_36 = arith.constant 0 : i32
    %sign3A_37 = vector.broadcast %sign3A_36 : i32 to vector<16xi32>
    %sign3A_38 = arith.cmpi slt, %iota3A, %sign3A_37 : vector<16xi32>
    %sign3A_39 = arith.extui %sign3A_38 : vector<16xi1> to vector<16xi32>
    %sign3A_40 = arith.subi %sign3A_35, %sign3A_39 : vector<16xi32>
    %sign3A_41 = arith.constant 0 : i32
    %sign3A_42 = arith.cmpi sgt, %jit3A_29, %sign3A_41 : i32
    %sign3A_43 = arith.extui %sign3A_42 : i1 to i32
    %sign3A_44 = arith.constant 0 : i32
    %sign3A_45 = arith.cmpi slt, %jit3A_29, %sign3A_44 : i32
    %sign3A_46 = arith.extui %sign3A_45 : i1 to i32
    %sign3A_47 = arith.subi %sign3A_43, %sign3A_46 : i32
    %ne3A_48 = vector.broadcast %sign3A_47 : i32 to vector<16xi32>
    %ne3A_49 = arith.cmpi ne, %sign3A_40, %ne3A_48 : vector<16xi32>
    %rem3A_50 = vector.broadcast %jit3A_29 : i32 to vector<16xi32>
    %rem3A_51 = arith.remsi %iota3A, %rem3A_50 : vector<16xi32>
    %ne3A_52 = arith.constant 0 : i32
    %ne3A_53 = vector.broadcast %ne3A_52 : i32 to vector<16xi32>
    %ne3A_54 = arith.cmpi ne, %rem3A_51, %ne3A_53 : vector<16xi32>
    %and3A_55 = arith.andi %ne3A_49, %ne3A_54 : vector<16xi1>
    %sub3A_56 = arith.constant 1 : i32
    %sub3A_57 = vector.broadcast %sub3A_56 : i32 to vector<16xi32>
    %sub3A_58 = arith.subi %div3A_31, %sub3A_57 : vector<16xi32>
    %select_n3A_59 = arith.select %and3A_55, %sub3A_58, %div3A_31 : vector<16xi1>, vector<16xi32>
    %add3A_60 = arith.constant 2 : i32
    %add3A_61 = vector.broadcast %add3A_60 : i32 to vector<16xi32>
    %add3A_62 = arith.addi %add3A_61, %select_n3A_59 : vector<16xi32>
    %jit3A_63 = arith.constant 8 : i32
    %div3A_64 = vector.broadcast %jit3A_63 : i32 to vector<16xi32>
    %div3A_65 = arith.divsi %iota3A, %div3A_64 : vector<16xi32>
    %sign3A_66 = arith.constant 0 : i32
    %sign3A_67 = vector.broadcast %sign3A_66 : i32 to vector<16xi32>
    %sign3A_68 = arith.cmpi sgt, %iota3A, %sign3A_67 : vector<16xi32>
    %sign3A_69 = arith.extui %sign3A_68 : vector<16xi1> to vector<16xi32>
    %sign3A_70 = arith.constant 0 : i32
    %sign3A_71 = vector.broadcast %sign3A_70 : i32 to vector<16xi32>
    %sign3A_72 = arith.cmpi slt, %iota3A, %sign3A_71 : vector<16xi32>
    %sign3A_73 = arith.extui %sign3A_72 : vector<16xi1> to vector<16xi32>
    %sign3A_74 = arith.subi %sign3A_69, %sign3A_73 : vector<16xi32>
    %sign3A_75 = arith.constant 0 : i32
    %sign3A_76 = arith.cmpi sgt, %jit3A_63, %sign3A_75 : i32
    %sign3A_77 = arith.extui %sign3A_76 : i1 to i32
    %sign3A_78 = arith.constant 0 : i32
    %sign3A_79 = arith.cmpi slt, %jit3A_63, %sign3A_78 : i32
    %sign3A_80 = arith.extui %sign3A_79 : i1 to i32
    %sign3A_81 = arith.subi %sign3A_77, %sign3A_80 : i32
    %ne3A_82 = vector.broadcast %sign3A_81 : i32 to vector<16xi32>
    %ne3A_83 = arith.cmpi ne, %sign3A_74, %ne3A_82 : vector<16xi32>
    %rem3A_84 = vector.broadcast %jit3A_63 : i32 to vector<16xi32>
    %rem3A_85 = arith.remsi %iota3A, %rem3A_84 : vector<16xi32>
    %ne3A_86 = arith.constant 0 : i32
    %ne3A_87 = vector.broadcast %ne3A_86 : i32 to vector<16xi32>
    %ne3A_88 = arith.cmpi ne, %rem3A_85, %ne3A_87 : vector<16xi32>
    %and3A_89 = arith.andi %ne3A_83, %ne3A_88 : vector<16xi1>
    %sub3A_90 = arith.constant 1 : i32
    %sub3A_91 = vector.broadcast %sub3A_90 : i32 to vector<16xi32>
    %sub3A_92 = arith.subi %div3A_65, %sub3A_91 : vector<16xi32>
    %select_n3A_93 = arith.select %and3A_89, %sub3A_92, %div3A_65 : vector<16xi1>, vector<16xi32>
    %add3A_94 = arith.constant 4 : i32
    %add3A_95 = vector.broadcast %add3A_94 : i32 to vector<16xi32>
    %add3A_96 = arith.addi %add3A_95, %select_n3A_93 : vector<16xi32>
    %jit3A_97 = arith.constant 8 : i32
    %div3A_98 = vector.broadcast %jit3A_97 : i32 to vector<16xi32>
    %div3A_99 = arith.divsi %iota3A, %div3A_98 : vector<16xi32>
    %sign3A_100 = arith.constant 0 : i32
    %sign3A_101 = vector.broadcast %sign3A_100 : i32 to vector<16xi32>
    %sign3A_102 = arith.cmpi sgt, %iota3A, %sign3A_101 : vector<16xi32>
    %sign3A_103 = arith.extui %sign3A_102 : vector<16xi1> to vector<16xi32>
    %sign3A_104 = arith.constant 0 : i32
    %sign3A_105 = vector.broadcast %sign3A_104 : i32 to vector<16xi32>
    %sign3A_106 = arith.cmpi slt, %iota3A, %sign3A_105 : vector<16xi32>
    %sign3A_107 = arith.extui %sign3A_106 : vector<16xi1> to vector<16xi32>
    %sign3A_108 = arith.subi %sign3A_103, %sign3A_107 : vector<16xi32>
    %sign3A_109 = arith.constant 0 : i32
    %sign3A_110 = arith.cmpi sgt, %jit3A_97, %sign3A_109 : i32
    %sign3A_111 = arith.extui %sign3A_110 : i1 to i32
    %sign3A_112 = arith.constant 0 : i32
    %sign3A_113 = arith.cmpi slt, %jit3A_97, %sign3A_112 : i32
    %sign3A_114 = arith.extui %sign3A_113 : i1 to i32
    %sign3A_115 = arith.subi %sign3A_111, %sign3A_114 : i32
    %ne3A_116 = vector.broadcast %sign3A_115 : i32 to vector<16xi32>
    %ne3A_117 = arith.cmpi ne, %sign3A_108, %ne3A_116 : vector<16xi32>
    %rem3A_118 = vector.broadcast %jit3A_97 : i32 to vector<16xi32>
    %rem3A_119 = arith.remsi %iota3A, %rem3A_118 : vector<16xi32>
    %ne3A_120 = arith.constant 0 : i32
    %ne3A_121 = vector.broadcast %ne3A_120 : i32 to vector<16xi32>
    %ne3A_122 = arith.cmpi ne, %rem3A_119, %ne3A_121 : vector<16xi32>
    %and3A_123 = arith.andi %ne3A_117, %ne3A_122 : vector<16xi1>
    %sub3A_124 = arith.constant 1 : i32
    %sub3A_125 = vector.broadcast %sub3A_124 : i32 to vector<16xi32>
    %sub3A_126 = arith.subi %div3A_99, %sub3A_125 : vector<16xi32>
    %select_n3A_127 = arith.select %and3A_123, %sub3A_126, %div3A_99 : vector<16xi1>, vector<16xi32>
    %add3A_128 = arith.constant 6 : i32
    %add3A_129 = vector.broadcast %add3A_128 : i32 to vector<16xi32>
    %add3A_130 = arith.addi %add3A_129, %select_n3A_127 : vector<16xi32>
    %jit3A_131 = arith.constant 8 : i32
    %eq3A = arith.constant 0 : i32
    %eq3A_132 = arith.cmpi eq, %jit3A_131, %eq3A : i32
    %jit3A_133 = arith.constant 1 : i32
    %select_n3A_134 = arith.select %eq3A_132, %jit3A_133, %jit3A_131 : i32
    %rem3A_135 = vector.broadcast %select_n3A_134 : i32 to vector<16xi32>
    %rem3A_136 = arith.remsi %iota3A, %rem3A_135 : vector<16xi32>
    %ne3A_137 = arith.constant 0 : i32
    %ne3A_138 = vector.broadcast %ne3A_137 : i32 to vector<16xi32>
    %ne3A_139 = arith.cmpi ne, %rem3A_136, %ne3A_138 : vector<16xi32>
    %lt3A = arith.constant 0 : i32
    %lt3A_140 = vector.broadcast %lt3A : i32 to vector<16xi32>
    %lt3A_141 = arith.cmpi slt, %rem3A_136, %lt3A_140 : vector<16xi32>
    %lt3A_142 = arith.constant 0 : i32
    %lt3A_143 = arith.cmpi slt, %select_n3A_134, %lt3A_142 : i32
    %ne3A_144 = vector.broadcast %lt3A_143 : i1 to vector<16xi1>
    %ne3A_145 = vector.broadcast %ne3A_144 : vector<16xi1> to vector<16xi1>
    %ne3A_146 = arith.xori %lt3A_141, %ne3A_145 : vector<16xi1>
    %and3A_147 = arith.andi %ne3A_146, %ne3A_139 : vector<16xi1>
    %add3A_148 = vector.broadcast %select_n3A_134 : i32 to vector<16xi32>
    %add3A_149 = arith.addi %rem3A_136, %add3A_148 : vector<16xi32>
    %select_n3A_150 = arith.select %and3A_147, %add3A_149, %rem3A_136 : vector<16xi1>, vector<16xi32>
    %dma_start3A = arith.constant 0 : i32
    %dma_start3A_151 = arith.constant 0 : i32
    %dma_start3A_152 = tpu.memref_slice %arg5[%dma_start3A, %dma_start3A_151] : memref<50x512xi32, #tpu.memory_space<vmem>> -> memref<1x256xi32, #tpu.memory_space<vmem>>
    %dma_start3A_153 = tpu.memref_squeeze %dma_start3A_152 : memref<1x256xi32, #tpu.memory_space<vmem>> -> memref<256xi32, #tpu.memory_space<vmem>>
    %dma_start3A_154 = arith.constant 0 : i32
    %dma_start3A_155 = arith.constant 0 : i32
    %dma_start3A_156 = tpu.memref_slice %arg2[%dma_start3A_154, %dma_start3A_155] : memref<1000000x64xf32, #tpu.memory_space<hbm>> -> memref<1000000x64xf32, #tpu.memory_space<hbm>>
    tpu.enqueue_indirect_dma source(%dma_start3A_156 : memref<1000000x64xf32, #tpu.memory_space<hbm>>) target(%arg6 : memref<256x64xf32, #tpu.memory_space<vmem>>) offsets(%dma_start3A_153 : memref<256xi32, #tpu.memory_space<vmem>>) semaphore(%arg10 : memref<!tpu.dma_semaphore, #tpu.memory_space<semaphore_mem>>)
    %dma_start3A_157 = arith.constant 0 : i32
    %dma_start3A_158 = arith.constant 256 : i32
    %dma_start3A_159 = tpu.memref_slice %arg5[%dma_start3A_157, %dma_start3A_158] : memref<50x512xi32, #tpu.memory_space<vmem>> -> memref<1x256xi32, #tpu.memory_space<vmem>>
    %dma_start3A_160 = tpu.memref_squeeze %dma_start3A_159 : memref<1x256xi32, #tpu.memory_space<vmem>> -> memref<256xi32, #tpu.memory_space<vmem>>
    %dma_start3A_161 = arith.constant 0 : i32
    %dma_start3A_162 = arith.constant 0 : i32
    %dma_start3A_163 = tpu.memref_slice %arg2[%dma_start3A_161, %dma_start3A_162] : memref<1000000x64xf32, #tpu.memory_space<hbm>> -> memref<1000000x64xf32, #tpu.memory_space<hbm>>
    tpu.enqueue_indirect_dma source(%dma_start3A_163 : memref<1000000x64xf32, #tpu.memory_space<hbm>>) target(%arg7 : memref<256x64xf32, #tpu.memory_space<vmem>>) offsets(%dma_start3A_160 : memref<256xi32, #tpu.memory_space<vmem>>) semaphore(%arg11 : memref<!tpu.dma_semaphore, #tpu.memory_space<semaphore_mem>>)
    %scan3A = arith.constant 0 : i32
    %scan3A_164 = arith.constant 0 : i32
    %scan3A_165 = arith.constant 49 : i32
    %scan3A_166 = arith.addi %scan3A_164, %scan3A_165 : i32
    %scan3A_167 = arith.constant 1 : i32
    scf.for %scan3A_375 = %scan3A_164 to %scan3A_166 step %scan3A_167  : i32 {
      %mul3A_376 = arith.constant 2 : i32
      %mul3A_377 = arith.muli %scan3A_375, %mul3A_376 : i32
      %add3A_378 = arith.constant 0 : i32
      %add3A_379 = arith.addi %mul3A_377, %add3A_378 : i32
      %jit3A_380 = arith.constant 2 : i32
      %div3A_381 = arith.divsi %add3A_379, %jit3A_380 : i32
      %sign3A_382 = arith.constant 0 : i32
      %sign3A_383 = arith.cmpi sgt, %add3A_379, %sign3A_382 : i32
      %sign3A_384 = arith.extui %sign3A_383 : i1 to i32
      %sign3A_385 = arith.constant 0 : i32
      %sign3A_386 = arith.cmpi slt, %add3A_379, %sign3A_385 : i32
      %sign3A_387 = arith.extui %sign3A_386 : i1 to i32
      %sign3A_388 = arith.subi %sign3A_384, %sign3A_387 : i32
      %sign3A_389 = arith.constant 0 : i32
      %sign3A_390 = arith.cmpi sgt, %jit3A_380, %sign3A_389 : i32
      %sign3A_391 = arith.extui %sign3A_390 : i1 to i32
      %sign3A_392 = arith.constant 0 : i32
      %sign3A_393 = arith.cmpi slt, %jit3A_380, %sign3A_392 : i32
      %sign3A_394 = arith.extui %sign3A_393 : i1 to i32
      %sign3A_395 = arith.subi %sign3A_391, %sign3A_394 : i32
      %ne3A_396 = arith.cmpi ne, %sign3A_388, %sign3A_395 : i32
      %rem3A_397 = arith.remsi %add3A_379, %jit3A_380 : i32
      %ne3A_398 = arith.constant 0 : i32
      %ne3A_399 = arith.cmpi ne, %rem3A_397, %ne3A_398 : i32
      %and3A_400 = arith.andi %ne3A_396, %ne3A_399 : i1
      %sub3A_401 = arith.constant 1 : i32
      %sub3A_402 = arith.subi %div3A_381, %sub3A_401 : i32
      %select_n3A_403 = arith.select %and3A_400, %sub3A_402, %div3A_381 : i32
      %jit3A_404 = arith.constant 2 : i32
      %eq3A_405 = arith.constant 0 : i32
      %eq3A_406 = arith.cmpi eq, %jit3A_404, %eq3A_405 : i32
      %jit3A_407 = arith.constant 1 : i32
      %select_n3A_408 = arith.select %eq3A_406, %jit3A_407, %jit3A_404 : i32
      %rem3A_409 = arith.remsi %add3A_379, %select_n3A_408 : i32
      %ne3A_410 = arith.constant 0 : i32
      %ne3A_411 = arith.cmpi ne, %rem3A_409, %ne3A_410 : i32
      %lt3A_412 = arith.constant 0 : i32
      %lt3A_413 = arith.cmpi slt, %rem3A_409, %lt3A_412 : i32
      %lt3A_414 = arith.constant 0 : i32
      %lt3A_415 = arith.cmpi slt, %select_n3A_408, %lt3A_414 : i32
      %ne3A_416 = arith.xori %lt3A_413, %lt3A_415 : i1
      %and3A_417 = arith.andi %ne3A_416, %ne3A_411 : i1
      %add3A_418 = arith.addi %rem3A_409, %select_n3A_408 : i32
      %select_n3A_419 = arith.select %and3A_417, %add3A_418, %rem3A_409 : i32
      %mul3A_420 = arith.constant 256 : i32
      %mul3A_421 = arith.muli %select_n3A_419, %mul3A_420 : i32
      %dma_wait3A_422 = tpu.memref_slice %arg5[%select_n3A_403, %mul3A_421] : memref<50x512xi32, #tpu.memory_space<vmem>> -> memref<1x256xi32, #tpu.memory_space<vmem>>
      %dma_wait3A_423 = tpu.memref_squeeze %dma_wait3A_422 : memref<1x256xi32, #tpu.memory_space<vmem>> -> memref<256xi32, #tpu.memory_space<vmem>>
      %dma_wait3A_424 = arith.constant 0 : i32
      %dma_wait3A_425 = arith.constant 0 : i32
      %dma_wait3A_426 = tpu.memref_slice %arg2[%dma_wait3A_424, %dma_wait3A_425] : memref<1000000x64xf32, #tpu.memory_space<hbm>> -> memref<1000000x64xf32, #tpu.memory_space<hbm>>
      tpu.wait_indirect_dma semaphore(%arg10 : memref<!tpu.dma_semaphore, #tpu.memory_space<semaphore_mem>>) src(%dma_wait3A_426 : memref<1000000x64xf32, #tpu.memory_space<hbm>>) dst(%arg6 : memref<256x64xf32, #tpu.memory_space<vmem>>)
      %parallel_loop3A_427 = arith.constant 0 : i32
      %parallel_loop3A_428 = arith.constant 128 : i32
      %parallel_loop3A_429 = arith.constant 1 : i32
      scf.for %parallel_loop3A_940 = %parallel_loop3A_427 to %parallel_loop3A_428 step %parallel_loop3A_429  : i32 {
        %parallel_loop3A_941 = vector.broadcast %parallel_loop3A_940 : i32 to vector<16xi32>
        %parallel_loop3A_942 = arith.constant 0 : i32
        %parallel_loop3A_943 = vector.broadcast %parallel_loop3A_942 : i32 to vector<16xi32>
        %parallel_loop3A_944 = arith.constant 0 : i32
        %parallel_loop3A_945 = arith.addi %parallel_loop3A_944, %parallel_loop3A_940 : i32
        %parallel_loop3A_946 = arith.index_cast %parallel_loop3A_945 : i32 to index
        %parallel_loop3A_947 = arith.constant 0 : index
        %parallel_loop3A_948 = tpu.vector_load %arg6[%parallel_loop3A_946, %parallel_loop3A_947] {strides = array<i32>} : memref<256x64xf32, #tpu.memory_space<vmem>>, vector<16xf32>,
        %parallel_loop3A_949 = arith.constant 8.000000e+00 : f32
        %parallel_loop3A_950 = vector.broadcast %parallel_loop3A_949 : f32 to vector<16xf32>
        %parallel_loop3A_951 = arith.mulf %parallel_loop3A_948, %parallel_loop3A_950 : vector<16xf32>
        tpu.vector_store_idx %arg8[%add3A_28, %parallel_loop3A_943, %select_n3A_150, %parallel_loop3A_941], %parallel_loop3A_951 : memref<8x2x12x129xf32, #tpu.memory_space<vmem>>[vector<16xi32>, vector<16xi32>, vector<16xi32>, vector<16xi32>], vector<16xf32>,
        %parallel_loop3A_952 = arith.index_cast %parallel_loop3A_945 : i32 to index
        %parallel_loop3A_953 = arith.constant 16 : index
        %parallel_loop3A_954 = tpu.vector_load %arg6[%parallel_loop3A_952, %parallel_loop3A_953] {strides = array<i32>} : memref<256x64xf32, #tpu.memory_space<vmem>>, vector<16xf32>,
        %parallel_loop3A_955 = arith.constant 8.000000e+00 : f32
        %parallel_loop3A_956 = vector.broadcast %parallel_loop3A_955 : f32 to vector<16xf32>
        %parallel_loop3A_957 = arith.mulf %parallel_loop3A_954, %parallel_loop3A_956 : vector<16xf32>
        tpu.vector_store_idx %arg8[%add3A_62, %parallel_loop3A_943, %select_n3A_150, %parallel_loop3A_941], %parallel_loop3A_957 : memref<8x2x12x129xf32, #tpu.memory_space<vmem>>[vector<16xi32>, vector<16xi32>, vector<16xi32>, vector<16xi32>], vector<16xf32>,
        %parallel_loop3A_958 = arith.index_cast %parallel_loop3A_945 : i32 to index
        %parallel_loop3A_959 = arith.constant 32 : index
        %parallel_loop3A_960 = tpu.vector_load %arg6[%parallel_loop3A_958, %parallel_loop3A_959] {strides = array<i32>} : memref<256x64xf32, #tpu.memory_space<vmem>>, vector<16xf32>,
        %parallel_loop3A_961 = arith.constant 8.000000e+00 : f32
        %parallel_loop3A_962 = vector.broadcast %parallel_loop3A_961 : f32 to vector<16xf32>
        %parallel_loop3A_963 = arith.mulf %parallel_loop3A_960, %parallel_loop3A_962 : vector<16xf32>
        tpu.vector_store_idx %arg8[%add3A_96, %parallel_loop3A_943, %select_n3A_150, %parallel_loop3A_941], %parallel_loop3A_963 : memref<8x2x12x129xf32, #tpu.memory_space<vmem>>[vector<16xi32>, vector<16xi32>, vector<16xi32>, vector<16xi32>], vector<16xf32>,
        %parallel_loop3A_964 = arith.index_cast %parallel_loop3A_945 : i32 to index
        %parallel_loop3A_965 = arith.constant 48 : index
        %parallel_loop3A_966 = tpu.vector_load %arg6[%parallel_loop3A_964, %parallel_loop3A_965] {strides = array<i32>} : memref<256x64xf32, #tpu.memory_space<vmem>>, vector<16xf32>,
        %parallel_loop3A_967 = arith.constant 8.000000e+00 : f32
        %parallel_loop3A_968 = vector.broadcast %parallel_loop3A_967 : f32 to vector<16xf32>
        %parallel_loop3A_969 = arith.mulf %parallel_loop3A_966, %parallel_loop3A_968 : vector<16xf32>
        tpu.vector_store_idx %arg8[%add3A_130, %parallel_loop3A_943, %select_n3A_150, %parallel_loop3A_941], %parallel_loop3A_969 : memref<8x2x12x129xf32, #tpu.memory_space<vmem>>[vector<16xi32>, vector<16xi32>, vector<16xi32>, vector<16xi32>], vector<16xf32>,
        %parallel_loop3A_970 = arith.constant 1 : i32
        %parallel_loop3A_971 = vector.broadcast %parallel_loop3A_970 : i32 to vector<16xi32>
        %parallel_loop3A_972 = arith.constant 128 : i32
        %parallel_loop3A_973 = arith.addi %parallel_loop3A_972, %parallel_loop3A_940 : i32
        %parallel_loop3A_974 = arith.index_cast %parallel_loop3A_973 : i32 to index
        %parallel_loop3A_975 = arith.constant 0 : index
        %parallel_loop3A_976 = tpu.vector_load %arg6[%parallel_loop3A_974, %parallel_loop3A_975] {strides = array<i32>} : memref<256x64xf32, #tpu.memory_space<vmem>>, vector<16xf32>,
        %parallel_loop3A_977 = arith.constant 8.000000e+00 : f32
        %parallel_loop3A_978 = vector.broadcast %parallel_loop3A_977 : f32 to vector<16xf32>
        %parallel_loop3A_979 = arith.mulf %parallel_loop3A_976, %parallel_loop3A_978 : vector<16xf32>
        tpu.vector_store_idx %arg8[%add3A_28, %parallel_loop3A_971, %select_n3A_150, %parallel_loop3A_941], %parallel_loop3A_979 : memref<8x2x12x129xf32, #tpu.memory_space<vmem>>[vector<16xi32>, vector<16xi32>, vector<16xi32>, vector<16xi32>], vector<16xf32>,
        %parallel_loop3A_980 = arith.index_cast %parallel_loop3A_973 : i32 to index
        %parallel_loop3A_981 = arith.constant 16 : index
        %parallel_loop3A_982 = tpu.vector_load %arg6[%parallel_loop3A_980, %parallel_loop3A_981] {strides = array<i32>} : memref<256x64xf32, #tpu.memory_space<vmem>>, vector<16xf32>,
        %parallel_loop3A_983 = arith.constant 8.000000e+00 : f32
        %parallel_loop3A_984 = vector.broadcast %parallel_loop3A_983 : f32 to vector<16xf32>
        %parallel_loop3A_985 = arith.mulf %parallel_loop3A_982, %parallel_loop3A_984 : vector<16xf32>
        tpu.vector_store_idx %arg8[%add3A_62, %parallel_loop3A_971, %select_n3A_150, %parallel_loop3A_941], %parallel_loop3A_985 : memref<8x2x12x129xf32, #tpu.memory_space<vmem>>[vector<16xi32>, vector<16xi32>, vector<16xi32>, vector<16xi32>], vector<16xf32>,
        %parallel_loop3A_986 = arith.index_cast %parallel_loop3A_973 : i32 to index
        %parallel_loop3A_987 = arith.constant 32 : index
        %parallel_loop3A_988 = tpu.vector_load %arg6[%parallel_loop3A_986, %parallel_loop3A_987] {strides = array<i32>} : memref<256x64xf32, #tpu.memory_space<vmem>>, vector<16xf32>,
        %parallel_loop3A_989 = arith.constant 8.000000e+00 : f32
        %parallel_loop3A_990 = vector.broadcast %parallel_loop3A_989 : f32 to vector<16xf32>
        %parallel_loop3A_991 = arith.mulf %parallel_loop3A_988, %parallel_loop3A_990 : vector<16xf32>
        tpu.vector_store_idx %arg8[%add3A_96, %parallel_loop3A_971, %select_n3A_150, %parallel_loop3A_941], %parallel_loop3A_991 : memref<8x2x12x129xf32, #tpu.memory_space<vmem>>[vector<16xi32>, vector<16xi32>, vector<16xi32>, vector<16xi32>], vector<16xf32>,
        %parallel_loop3A_992 = arith.index_cast %parallel_loop3A_973 : i32 to index
        %parallel_loop3A_993 = arith.constant 48 : index
        %parallel_loop3A_994 = tpu.vector_load %arg6[%parallel_loop3A_992, %parallel_loop3A_993] {strides = array<i32>} : memref<256x64xf32, #tpu.memory_space<vmem>>, vector<16xf32>,
        %parallel_loop3A_995 = arith.constant 8.000000e+00 : f32
        %parallel_loop3A_996 = vector.broadcast %parallel_loop3A_995 : f32 to vector<16xf32>
        %parallel_loop3A_997 = arith.mulf %parallel_loop3A_994, %parallel_loop3A_996 : vector<16xf32>
        tpu.vector_store_idx %arg8[%add3A_130, %parallel_loop3A_971, %select_n3A_150, %parallel_loop3A_941], %parallel_loop3A_997 : memref<8x2x12x129xf32, #tpu.memory_space<vmem>>[vector<16xi32>, vector<16xi32>, vector<16xi32>, vector<16xi32>], vector<16xf32>,
      } {sc.loop_unroll_factor = 2 : i64, sc.parallel_access}
      %add3A_430 = arith.constant 0 : i32
      %add3A_431 = arith.addi %mul3A_377, %add3A_430 : i32
      %jit3A_432 = arith.constant 2 : i32
      %div3A_433 = arith.divsi %add3A_431, %jit3A_432 : i32
      %sign3A_434 = arith.constant 0 : i32
      %sign3A_435 = arith.cmpi sgt, %add3A_431, %sign3A_434 : i32
      %sign3A_436 = arith.extui %sign3A_435 : i1 to i32
      %sign3A_437 = arith.constant 0 : i32
      %sign3A_438 = arith.cmpi slt, %add3A_431, %sign3A_437 : i32
      %sign3A_439 = arith.extui %sign3A_438 : i1 to i32
      %sign3A_440 = arith.subi %sign3A_436, %sign3A_439 : i32
      %sign3A_441 = arith.constant 0 : i32
      %sign3A_442 = arith.cmpi sgt, %jit3A_432, %sign3A_441 : i32
      %sign3A_443 = arith.extui %sign3A_442 : i1 to i32
      %sign3A_444 = arith.constant 0 : i32
      %sign3A_445 = arith.cmpi slt, %jit3A_432, %sign3A_444 : i32
      %sign3A_446 = arith.extui %sign3A_445 : i1 to i32
      %sign3A_447 = arith.subi %sign3A_443, %sign3A_446 : i32
      %ne3A_448 = arith.cmpi ne, %sign3A_440, %sign3A_447 : i32
      %rem3A_449 = arith.remsi %add3A_431, %jit3A_432 : i32
      %ne3A_450 = arith.constant 0 : i32
      %ne3A_451 = arith.cmpi ne, %rem3A_449, %ne3A_450 : i32
      %and3A_452 = arith.andi %ne3A_448, %ne3A_451 : i1
      %sub3A_453 = arith.constant 1 : i32
      %sub3A_454 = arith.subi %div3A_433, %sub3A_453 : i32
      %select_n3A_455 = arith.select %and3A_452, %sub3A_454, %div3A_433 : i32
      %jit3A_456 = arith.constant 2 : i32
      %eq3A_457 = arith.constant 0 : i32
      %eq3A_458 = arith.cmpi eq, %jit3A_456, %eq3A_457 : i32
      %jit3A_459 = arith.constant 1 : i32
      %select_n3A_460 = arith.select %eq3A_458, %jit3A_459, %jit3A_456 : i32
      %rem3A_461 = arith.remsi %add3A_431, %select_n3A_460 : i32
      %ne3A_462 = arith.constant 0 : i32
      %ne3A_463 = arith.cmpi ne, %rem3A_461, %ne3A_462 : i32
      %lt3A_464 = arith.constant 0 : i32
      %lt3A_465 = arith.cmpi slt, %rem3A_461, %lt3A_464 : i32
      %lt3A_466 = arith.constant 0 : i32
      %lt3A_467 = arith.cmpi slt, %select_n3A_460, %lt3A_466 : i32
      %ne3A_468 = arith.xori %lt3A_465, %lt3A_467 : i1
      %and3A_469 = arith.andi %ne3A_468, %ne3A_463 : i1
      %add3A_470 = arith.addi %rem3A_461, %select_n3A_460 : i32
      %select_n3A_471 = arith.select %and3A_469, %add3A_470, %rem3A_461 : i32
      %mul3A_472 = arith.constant 256 : i32
      %mul3A_473 = arith.muli %select_n3A_471, %mul3A_472 : i32
      %add3A_474 = arith.addi %mul3A_2, %mul3A_473 : i32
      %jit3A_475 = arith.constant 128 : i32
      %div3A_476 = arith.divsi %add3A_474, %jit3A_475 : i32
      %sign3A_477 = arith.constant 0 : i32
      %sign3A_478 = arith.cmpi sgt, %add3A_474, %sign3A_477 : i32
      %sign3A_479 = arith.extui %sign3A_478 : i1 to i32
      %sign3A_480 = arith.constant 0 : i32
      %sign3A_481 = arith.cmpi slt, %add3A_474, %sign3A_480 : i32
      %sign3A_482 = arith.extui %sign3A_481 : i1 to i32
      %sign3A_483 = arith.subi %sign3A_479, %sign3A_482 : i32
      %sign3A_484 = arith.constant 0 : i32
      %sign3A_485 = arith.cmpi sgt, %jit3A_475, %sign3A_484 : i32
      %sign3A_486 = arith.extui %sign3A_485 : i1 to i32
      %sign3A_487 = arith.constant 0 : i32
      %sign3A_488 = arith.cmpi slt, %jit3A_475, %sign3A_487 : i32
      %sign3A_489 = arith.extui %sign3A_488 : i1 to i32
      %sign3A_490 = arith.subi %sign3A_486, %sign3A_489 : i32
      %ne3A_491 = arith.cmpi ne, %sign3A_483, %sign3A_490 : i32
      %rem3A_492 = arith.remsi %add3A_474, %jit3A_475 : i32
      %ne3A_493 = arith.constant 0 : i32
      %ne3A_494 = arith.cmpi ne, %rem3A_492, %ne3A_493 : i32
      %and3A_495 = arith.andi %ne3A_491, %ne3A_494 : i1
      %sub3A_496 = arith.constant 1 : i32
      %sub3A_497 = arith.subi %div3A_476, %sub3A_496 : i32
      %select_n3A_498 = arith.select %and3A_495, %sub3A_497, %div3A_476 : i32
      %dma_start3A_499 = arith.constant 0 : i32
      %dma_start3A_500 = arith.constant 0 : i32
      %dma_start3A_501 = arith.constant 0 : i32
      %dma_start3A_502 = arith.constant 0 : i32
      %dma_start3A_503 = tpu.memref_slice %arg8[%dma_start3A_499, %dma_start3A_500, %dma_start3A_501, %dma_start3A_502] : memref<8x2x12x129xf32, #tpu.memory_space<vmem>> -> memref<8x2x8x128xf32, #tpu.memory_space<vmem>>
      %dma_start3A_504 = arith.constant 0 : i32
      %dma_start3A_505 = arith.constant 0 : i32
      %dma_start3A_506 = arith.constant 0 : i32
      %dma_start3A_507 = tpu.memref_slice %arg4[%select_n3A_455, %dma_start3A_504, %select_n3A_498, %dma_start3A_505, %dma_start3A_506] : memref<50x8x128x8x128xf32, #tpu.memory_space<hbm>> -> memref<1x8x2x8x128xf32, #tpu.memory_space<hbm>>
      %dma_start3A_508 = tpu.memref_squeeze %dma_start3A_507 : memref<1x8x2x8x128xf32, #tpu.memory_space<hbm>> -> memref<8x2x8x128xf32, #tpu.memory_space<hbm>>
      %dma_start3A_509 = arith.constant 0 : i32
      %dma_start3A_510 = arith.constant 0 : i32
      %dma_start3A_511 = arith.constant 0 : i32
      %dma_start3A_512 = tpu.memref_slice %arg4[%select_n3A_455, %dma_start3A_509, %select_n3A_498, %dma_start3A_510, %dma_start3A_511] : memref<50x8x128x8x128xf32, #tpu.memory_space<hbm>> -> memref<1x8x2x8x128xf32, #tpu.memory_space<hbm>>
      %dma_start3A_513 = tpu.memref_squeeze %dma_start3A_512 : memref<1x8x2x8x128xf32, #tpu.memory_space<hbm>> -> memref<8x2x8x128xf32, #tpu.memory_space<hbm>>
      %dma_start3A_514 = arith.constant 0 : i32
      %dma_start3A_515 = arith.constant 0 : i32
      %dma_start3A_516 = arith.constant 0 : i32
      %dma_start3A_517 = arith.constant 0 : i32
      %dma_start3A_518 = tpu.memref_slice %arg8[%dma_start3A_514, %dma_start3A_515, %dma_start3A_516, %dma_start3A_517] : memref<8x2x12x129xf32, #tpu.memory_space<vmem>> -> memref<8x2x8x128xf32, #tpu.memory_space<vmem>>
      tpu.enqueue_dma source(%dma_start3A_518 : memref<8x2x8x128xf32, #tpu.memory_space<vmem>>) target(%dma_start3A_513 : memref<8x2x8x128xf32, #tpu.memory_space<hbm>>) target_semaphore(%arg12 : memref<!tpu.dma_semaphore, #tpu.memory_space<semaphore_mem>>)
      %add3A_519 = arith.constant 1 : i32
      %add3A_520 = arith.addi %mul3A_377, %add3A_519 : i32
      %jit3A_521 = arith.constant 2 : i32
      %div3A_522 = arith.divsi %add3A_520, %jit3A_521 : i32
      %sign3A_523 = arith.constant 0 : i32
      %sign3A_524 = arith.cmpi sgt, %add3A_520, %sign3A_523 : i32
      %sign3A_525 = arith.extui %sign3A_524 : i1 to i32
      %sign3A_526 = arith.constant 0 : i32
      %sign3A_527 = arith.cmpi slt, %add3A_520, %sign3A_526 : i32
      %sign3A_528 = arith.extui %sign3A_527 : i1 to i32
      %sign3A_529 = arith.subi %sign3A_525, %sign3A_528 : i32
      %sign3A_530 = arith.constant 0 : i32
      %sign3A_531 = arith.cmpi sgt, %jit3A_521, %sign3A_530 : i32
      %sign3A_532 = arith.extui %sign3A_531 : i1 to i32
      %sign3A_533 = arith.constant 0 : i32
      %sign3A_534 = arith.cmpi slt, %jit3A_521, %sign3A_533 : i32
      %sign3A_535 = arith.extui %sign3A_534 : i1 to i32
      %sign3A_536 = arith.subi %sign3A_532, %sign3A_535 : i32
      %ne3A_537 = arith.cmpi ne, %sign3A_529, %sign3A_536 : i32
      %rem3A_538 = arith.remsi %add3A_520, %jit3A_521 : i32
      %ne3A_539 = arith.constant 0 : i32
      %ne3A_540 = arith.cmpi ne, %rem3A_538, %ne3A_539 : i32
      %and3A_541 = arith.andi %ne3A_537, %ne3A_540 : i1
      %sub3A_542 = arith.constant 1 : i32
      %sub3A_543 = arith.subi %div3A_522, %sub3A_542 : i32
      %select_n3A_544 = arith.select %and3A_541, %sub3A_543, %div3A_522 : i32
      %jit3A_545 = arith.constant 2 : i32
      %eq3A_546 = arith.constant 0 : i32
      %eq3A_547 = arith.cmpi eq, %jit3A_545, %eq3A_546 : i32
      %jit3A_548 = arith.constant 1 : i32
      %select_n3A_549 = arith.select %eq3A_547, %jit3A_548, %jit3A_545 : i32
      %rem3A_550 = arith.remsi %add3A_520, %select_n3A_549 : i32
      %ne3A_551 = arith.constant 0 : i32
      %ne3A_552 = arith.cmpi ne, %rem3A_550, %ne3A_551 : i32
      %lt3A_553 = arith.constant 0 : i32
      %lt3A_554 = arith.cmpi slt, %rem3A_550, %lt3A_553 : i32
      %lt3A_555 = arith.constant 0 : i32
      %lt3A_556 = arith.cmpi slt, %select_n3A_549, %lt3A_555 : i32
      %ne3A_557 = arith.xori %lt3A_554, %lt3A_556 : i1
      %and3A_558 = arith.andi %ne3A_557, %ne3A_552 : i1
      %add3A_559 = arith.addi %rem3A_550, %select_n3A_549 : i32
      %select_n3A_560 = arith.select %and3A_558, %add3A_559, %rem3A_550 : i32
      %mul3A_561 = arith.constant 256 : i32
      %mul3A_562 = arith.muli %select_n3A_560, %mul3A_561 : i32
      %dma_wait3A_563 = tpu.memref_slice %arg5[%select_n3A_544, %mul3A_562] : memref<50x512xi32, #tpu.memory_space<vmem>> -> memref<1x256xi32, #tpu.memory_space<vmem>>
      %dma_wait3A_564 = tpu.memref_squeeze %dma_wait3A_563 : memref<1x256xi32, #tpu.memory_space<vmem>> -> memref<256xi32, #tpu.memory_space<vmem>>
      %dma_wait3A_565 = arith.constant 0 : i32
      %dma_wait3A_566 = arith.constant 0 : i32
      %dma_wait3A_567 = tpu.memref_slice %arg2[%dma_wait3A_565, %dma_wait3A_566] : memref<1000000x64xf32, #tpu.memory_space<hbm>> -> memref<1000000x64xf32, #tpu.memory_space<hbm>>
      tpu.wait_indirect_dma semaphore(%arg11 : memref<!tpu.dma_semaphore, #tpu.memory_space<semaphore_mem>>) src(%dma_wait3A_567 : memref<1000000x64xf32, #tpu.memory_space<hbm>>) dst(%arg7 : memref<256x64xf32, #tpu.memory_space<vmem>>)
      %parallel_loop3A_568 = arith.constant 0 : i32
      %parallel_loop3A_569 = arith.constant 128 : i32
      %parallel_loop3A_570 = arith.constant 1 : i32
      scf.for %parallel_loop3A_940 = %parallel_loop3A_568 to %parallel_loop3A_569 step %parallel_loop3A_570  : i32 {
        %parallel_loop3A_941 = vector.broadcast %parallel_loop3A_940 : i32 to vector<16xi32>
        %parallel_loop3A_942 = arith.constant 0 : i32
        %parallel_loop3A_943 = vector.broadcast %parallel_loop3A_942 : i32 to vector<16xi32>
        %parallel_loop3A_944 = arith.constant 0 : i32
        %parallel_loop3A_945 = arith.addi %parallel_loop3A_944, %parallel_loop3A_940 : i32
        %parallel_loop3A_946 = arith.index_cast %parallel_loop3A_945 : i32 to index
        %parallel_loop3A_947 = arith.constant 0 : index
        %parallel_loop3A_948 = tpu.vector_load %arg7[%parallel_loop3A_946, %parallel_loop3A_947] {strides = array<i32>} : memref<256x64xf32, #tpu.memory_space<vmem>>, vector<16xf32>,
        %parallel_loop3A_949 = arith.constant 8.000000e+00 : f32
        %parallel_loop3A_950 = vector.broadcast %parallel_loop3A_949 : f32 to vector<16xf32>
        %parallel_loop3A_951 = arith.mulf %parallel_loop3A_948, %parallel_loop3A_950 : vector<16xf32>
        tpu.vector_store_idx %arg9[%add3A_28, %parallel_loop3A_943, %select_n3A_150, %parallel_loop3A_941], %parallel_loop3A_951 : memref<8x2x12x129xf32, #tpu.memory_space<vmem>>[vector<16xi32>, vector<16xi32>, vector<16xi32>, vector<16xi32>], vector<16xf32>,
        %parallel_loop3A_952 = arith.index_cast %parallel_loop3A_945 : i32 to index
        %parallel_loop3A_953 = arith.constant 16 : index
        %parallel_loop3A_954 = tpu.vector_load %arg7[%parallel_loop3A_952, %parallel_loop3A_953] {strides = array<i32>} : memref<256x64xf32, #tpu.memory_space<vmem>>, vector<16xf32>,
        %parallel_loop3A_955 = arith.constant 8.000000e+00 : f32
        %parallel_loop3A_956 = vector.broadcast %parallel_loop3A_955 : f32 to vector<16xf32>
        %parallel_loop3A_957 = arith.mulf %parallel_loop3A_954, %parallel_loop3A_956 : vector<16xf32>
        tpu.vector_store_idx %arg9[%add3A_62, %parallel_loop3A_943, %select_n3A_150, %parallel_loop3A_941], %parallel_loop3A_957 : memref<8x2x12x129xf32, #tpu.memory_space<vmem>>[vector<16xi32>, vector<16xi32>, vector<16xi32>, vector<16xi32>], vector<16xf32>,
        %parallel_loop3A_958 = arith.index_cast %parallel_loop3A_945 : i32 to index
        %parallel_loop3A_959 = arith.constant 32 : index
        %parallel_loop3A_960 = tpu.vector_load %arg7[%parallel_loop3A_958, %parallel_loop3A_959] {strides = array<i32>} : memref<256x64xf32, #tpu.memory_space<vmem>>, vector<16xf32>,
        %parallel_loop3A_961 = arith.constant 8.000000e+00 : f32
        %parallel_loop3A_962 = vector.broadcast %parallel_loop3A_961 : f32 to vector<16xf32>
        %parallel_loop3A_963 = arith.mulf %parallel_loop3A_960, %parallel_loop3A_962 : vector<16xf32>
        tpu.vector_store_idx %arg9[%add3A_96, %parallel_loop3A_943, %select_n3A_150, %parallel_loop3A_941], %parallel_loop3A_963 : memref<8x2x12x129xf32, #tpu.memory_space<vmem>>[vector<16xi32>, vector<16xi32>, vector<16xi32>, vector<16xi32>], vector<16xf32>,
        %parallel_loop3A_964 = arith.index_cast %parallel_loop3A_945 : i32 to index
        %parallel_loop3A_965 = arith.constant 48 : index
        %parallel_loop3A_966 = tpu.vector_load %arg7[%parallel_loop3A_964, %parallel_loop3A_965] {strides = array<i32>} : memref<256x64xf32, #tpu.memory_space<vmem>>, vector<16xf32>,
        %parallel_loop3A_967 = arith.constant 8.000000e+00 : f32
        %parallel_loop3A_968 = vector.broadcast %parallel_loop3A_967 : f32 to vector<16xf32>
        %parallel_loop3A_969 = arith.mulf %parallel_loop3A_966, %parallel_loop3A_968 : vector<16xf32>
        tpu.vector_store_idx %arg9[%add3A_130, %parallel_loop3A_943, %select_n3A_150, %parallel_loop3A_941], %parallel_loop3A_969 : memref<8x2x12x129xf32, #tpu.memory_space<vmem>>[vector<16xi32>, vector<16xi32>, vector<16xi32>, vector<16xi32>], vector<16xf32>,
        %parallel_loop3A_970 = arith.constant 1 : i32
        %parallel_loop3A_971 = vector.broadcast %parallel_loop3A_970 : i32 to vector<16xi32>
        %parallel_loop3A_972 = arith.constant 128 : i32
        %parallel_loop3A_973 = arith.addi %parallel_loop3A_972, %parallel_loop3A_940 : i32
        %parallel_loop3A_974 = arith.index_cast %parallel_loop3A_973 : i32 to index
        %parallel_loop3A_975 = arith.constant 0 : index
        %parallel_loop3A_976 = tpu.vector_load %arg7[%parallel_loop3A_974, %parallel_loop3A_975] {strides = array<i32>} : memref<256x64xf32, #tpu.memory_space<vmem>>, vector<16xf32>,
        %parallel_loop3A_977 = arith.constant 8.000000e+00 : f32
        %parallel_loop3A_978 = vector.broadcast %parallel_loop3A_977 : f32 to vector<16xf32>
        %parallel_loop3A_979 = arith.mulf %parallel_loop3A_976, %parallel_loop3A_978 : vector<16xf32>
        tpu.vector_store_idx %arg9[%add3A_28, %parallel_loop3A_971, %select_n3A_150, %parallel_loop3A_941], %parallel_loop3A_979 : memref<8x2x12x129xf32, #tpu.memory_space<vmem>>[vector<16xi32>, vector<16xi32>, vector<16xi32>, vector<16xi32>], vector<16xf32>,
        %parallel_loop3A_980 = arith.index_cast %parallel_loop3A_973 : i32 to index
        %parallel_loop3A_981 = arith.constant 16 : index
        %parallel_loop3A_982 = tpu.vector_load %arg7[%parallel_loop3A_980, %parallel_loop3A_981] {strides = array<i32>} : memref<256x64xf32, #tpu.memory_space<vmem>>, vector<16xf32>,
        %parallel_loop3A_983 = arith.constant 8.000000e+00 : f32
        %parallel_loop3A_984 = vector.broadcast %parallel_loop3A_983 : f32 to vector<16xf32>
        %parallel_loop3A_985 = arith.mulf %parallel_loop3A_982, %parallel_loop3A_984 : vector<16xf32>
        tpu.vector_store_idx %arg9[%add3A_62, %parallel_loop3A_971, %select_n3A_150, %parallel_loop3A_941], %parallel_loop3A_985 : memref<8x2x12x129xf32, #tpu.memory_space<vmem>>[vector<16xi32>, vector<16xi32>, vector<16xi32>, vector<16xi32>], vector<16xf32>,
        %parallel_loop3A_986 = arith.index_cast %parallel_loop3A_973 : i32 to index
        %parallel_loop3A_987 = arith.constant 32 : index
        %parallel_loop3A_988 = tpu.vector_load %arg7[%parallel_loop3A_986, %parallel_loop3A_987] {strides = array<i32>} : memref<256x64xf32, #tpu.memory_space<vmem>>, vector<16xf32>,
        %parallel_loop3A_989 = arith.constant 8.000000e+00 : f32
        %parallel_loop3A_990 = vector.broadcast %parallel_loop3A_989 : f32 to vector<16xf32>
        %parallel_loop3A_991 = arith.mulf %parallel_loop3A_988, %parallel_loop3A_990 : vector<16xf32>
        tpu.vector_store_idx %arg9[%add3A_96, %parallel_loop3A_971, %select_n3A_150, %parallel_loop3A_941], %parallel_loop3A_991 : memref<8x2x12x129xf32, #tpu.memory_space<vmem>>[vector<16xi32>, vector<16xi32>, vector<16xi32>, vector<16xi32>], vector<16xf32>,
        %parallel_loop3A_992 = arith.index_cast %parallel_loop3A_973 : i32 to index
        %parallel_loop3A_993 = arith.constant 48 : index
        %parallel_loop3A_994 = tpu.vector_load %arg7[%parallel_loop3A_992, %parallel_loop3A_993] {strides = array<i32>} : memref<256x64xf32, #tpu.memory_space<vmem>>, vector<16xf32>,
        %parallel_loop3A_995 = arith.constant 8.000000e+00 : f32
        %parallel_loop3A_996 = vector.broadcast %parallel_loop3A_995 : f32 to vector<16xf32>
        %parallel_loop3A_997 = arith.mulf %parallel_loop3A_994, %parallel_loop3A_996 : vector<16xf32>
        tpu.vector_store_idx %arg9[%add3A_130, %parallel_loop3A_971, %select_n3A_150, %parallel_loop3A_941], %parallel_loop3A_997 : memref<8x2x12x129xf32, #tpu.memory_space<vmem>>[vector<16xi32>, vector<16xi32>, vector<16xi32>, vector<16xi32>], vector<16xf32>,
      } {sc.loop_unroll_factor = 2 : i64, sc.parallel_access}
      %add3A_571 = arith.constant 1 : i32
      %add3A_572 = arith.addi %mul3A_377, %add3A_571 : i32
      %jit3A_573 = arith.constant 2 : i32
      %div3A_574 = arith.divsi %add3A_572, %jit3A_573 : i32
      %sign3A_575 = arith.constant 0 : i32
      %sign3A_576 = arith.cmpi sgt, %add3A_572, %sign3A_575 : i32
      %sign3A_577 = arith.extui %sign3A_576 : i1 to i32
      %sign3A_578 = arith.constant 0 : i32
      %sign3A_579 = arith.cmpi slt, %add3A_572, %sign3A_578 : i32
      %sign3A_580 = arith.extui %sign3A_579 : i1 to i32
      %sign3A_581 = arith.subi %sign3A_577, %sign3A_580 : i32
      %sign3A_582 = arith.constant 0 : i32
      %sign3A_583 = arith.cmpi sgt, %jit3A_573, %sign3A_582 : i32
      %sign3A_584 = arith.extui %sign3A_583 : i1 to i32
      %sign3A_585 = arith.constant 0 : i32
      %sign3A_586 = arith.cmpi slt, %jit3A_573, %sign3A_585 : i32
      %sign3A_587 = arith.extui %sign3A_586 : i1 to i32
      %sign3A_588 = arith.subi %sign3A_584, %sign3A_587 : i32
      %ne3A_589 = arith.cmpi ne, %sign3A_581, %sign3A_588 : i32
      %rem3A_590 = arith.remsi %add3A_572, %jit3A_573 : i32
      %ne3A_591 = arith.constant 0 : i32
      %ne3A_592 = arith.cmpi ne, %rem3A_590, %ne3A_591 : i32
      %and3A_593 = arith.andi %ne3A_589, %ne3A_592 : i1
      %sub3A_594 = arith.constant 1 : i32
      %sub3A_595 = arith.subi %div3A_574, %sub3A_594 : i32
      %select_n3A_596 = arith.select %and3A_593, %sub3A_595, %div3A_574 : i32
      %jit3A_597 = arith.constant 2 : i32
      %eq3A_598 = arith.constant 0 : i32
      %eq3A_599 = arith.cmpi eq, %jit3A_597, %eq3A_598 : i32
      %jit3A_600 = arith.constant 1 : i32
      %select_n3A_601 = arith.select %eq3A_599, %jit3A_600, %jit3A_597 : i32
      %rem3A_602 = arith.remsi %add3A_572, %select_n3A_601 : i32
      %ne3A_603 = arith.constant 0 : i32
      %ne3A_604 = arith.cmpi ne, %rem3A_602, %ne3A_603 : i32
      %lt3A_605 = arith.constant 0 : i32
      %lt3A_606 = arith.cmpi slt, %rem3A_602, %lt3A_605 : i32
      %lt3A_607 = arith.constant 0 : i32
      %lt3A_608 = arith.cmpi slt, %select_n3A_601, %lt3A_607 : i32
      %ne3A_609 = arith.xori %lt3A_606, %lt3A_608 : i1
      %and3A_610 = arith.andi %ne3A_609, %ne3A_604 : i1
      %add3A_611 = arith.addi %rem3A_602, %select_n3A_601 : i32
      %select_n3A_612 = arith.select %and3A_610, %add3A_611, %rem3A_602 : i32
      %mul3A_613 = arith.constant 256 : i32
      %mul3A_614 = arith.muli %select_n3A_612, %mul3A_613 : i32
      %add3A_615 = arith.addi %mul3A_2, %mul3A_614 : i32
      %jit3A_616 = arith.constant 128 : i32
      %div3A_617 = arith.divsi %add3A_615, %jit3A_616 : i32
      %sign3A_618 = arith.constant 0 : i32
      %sign3A_619 = arith.cmpi sgt, %add3A_615, %sign3A_618 : i32
      %sign3A_620 = arith.extui %sign3A_619 : i1 to i32
      %sign3A_621 = arith.constant 0 : i32
      %sign3A_622 = arith.cmpi slt, %add3A_615, %sign3A_621 : i32
      %sign3A_623 = arith.extui %sign3A_622 : i1 to i32
      %sign3A_624 = arith.subi %sign3A_620, %sign3A_623 : i32
      %sign3A_625 = arith.constant 0 : i32
      %sign3A_626 = arith.cmpi sgt, %jit3A_616, %sign3A_625 : i32
      %sign3A_627 = arith.extui %sign3A_626 : i1 to i32
      %sign3A_628 = arith.constant 0 : i32
      %sign3A_629 = arith.cmpi slt, %jit3A_616, %sign3A_628 : i32
      %sign3A_630 = arith.extui %sign3A_629 : i1 to i32
      %sign3A_631 = arith.subi %sign3A_627, %sign3A_630 : i32
      %ne3A_632 = arith.cmpi ne, %sign3A_624, %sign3A_631 : i32
      %rem3A_633 = arith.remsi %add3A_615, %jit3A_616 : i32
      %ne3A_634 = arith.constant 0 : i32
      %ne3A_635 = arith.cmpi ne, %rem3A_633, %ne3A_634 : i32
      %and3A_636 = arith.andi %ne3A_632, %ne3A_635 : i1
      %sub3A_637 = arith.constant 1 : i32
      %sub3A_638 = arith.subi %div3A_617, %sub3A_637 : i32
      %select_n3A_639 = arith.select %and3A_636, %sub3A_638, %div3A_617 : i32
      %dma_start3A_640 = arith.constant 0 : i32
      %dma_start3A_641 = arith.constant 0 : i32
      %dma_start3A_642 = arith.constant 0 : i32
      %dma_start3A_643 = arith.constant 0 : i32
      %dma_start3A_644 = tpu.memref_slice %arg9[%dma_start3A_640, %dma_start3A_641, %dma_start3A_642, %dma_start3A_643] : memref<8x2x12x129xf32, #tpu.memory_space<vmem>> -> memref<8x2x8x128xf32, #tpu.memory_space<vmem>>
      %dma_start3A_645 = arith.constant 0 : i32
      %dma_start3A_646 = arith.constant 0 : i32
      %dma_start3A_647 = arith.constant 0 : i32
      %dma_start3A_648 = tpu.memref_slice %arg4[%select_n3A_596, %dma_start3A_645, %select_n3A_639, %dma_start3A_646, %dma_start3A_647] : memref<50x8x128x8x128xf32, #tpu.memory_space<hbm>> -> memref<1x8x2x8x128xf32, #tpu.memory_space<hbm>>
      %dma_start3A_649 = tpu.memref_squeeze %dma_start3A_648 : memref<1x8x2x8x128xf32, #tpu.memory_space<hbm>> -> memref<8x2x8x128xf32, #tpu.memory_space<hbm>>
      %dma_start3A_650 = arith.constant 0 : i32
      %dma_start3A_651 = arith.constant 0 : i32
      %dma_start3A_652 = arith.constant 0 : i32
      %dma_start3A_653 = tpu.memref_slice %arg4[%select_n3A_596, %dma_start3A_650, %select_n3A_639, %dma_start3A_651, %dma_start3A_652] : memref<50x8x128x8x128xf32, #tpu.memory_space<hbm>> -> memref<1x8x2x8x128xf32, #tpu.memory_space<hbm>>
      %dma_start3A_654 = tpu.memref_squeeze %dma_start3A_653 : memref<1x8x2x8x128xf32, #tpu.memory_space<hbm>> -> memref<8x2x8x128xf32, #tpu.memory_space<hbm>>
      %dma_start3A_655 = arith.constant 0 : i32
      %dma_start3A_656 = arith.constant 0 : i32
      %dma_start3A_657 = arith.constant 0 : i32
      %dma_start3A_658 = arith.constant 0 : i32
      %dma_start3A_659 = tpu.memref_slice %arg9[%dma_start3A_655, %dma_start3A_656, %dma_start3A_657, %dma_start3A_658] : memref<8x2x12x129xf32, #tpu.memory_space<vmem>> -> memref<8x2x8x128xf32, #tpu.memory_space<vmem>>
      tpu.enqueue_dma source(%dma_start3A_659 : memref<8x2x8x128xf32, #tpu.memory_space<vmem>>) target(%dma_start3A_654 : memref<8x2x8x128xf32, #tpu.memory_space<hbm>>) target_semaphore(%arg13 : memref<!tpu.dma_semaphore, #tpu.memory_space<semaphore_mem>>)
      %add3A_660 = arith.constant 0 : i32
      %add3A_661 = arith.addi %mul3A_377, %add3A_660 : i32
      %jit3A_662 = arith.constant 2 : i32
      %div3A_663 = arith.divsi %add3A_661, %jit3A_662 : i32
      %sign3A_664 = arith.constant 0 : i32
      %sign3A_665 = arith.cmpi sgt, %add3A_661, %sign3A_664 : i32
      %sign3A_666 = arith.extui %sign3A_665 : i1 to i32
      %sign3A_667 = arith.constant 0 : i32
      %sign3A_668 = arith.cmpi slt, %add3A_661, %sign3A_667 : i32
      %sign3A_669 = arith.extui %sign3A_668 : i1 to i32
      %sign3A_670 = arith.subi %sign3A_666, %sign3A_669 : i32
      %sign3A_671 = arith.constant 0 : i32
      %sign3A_672 = arith.cmpi sgt, %jit3A_662, %sign3A_671 : i32
      %sign3A_673 = arith.extui %sign3A_672 : i1 to i32
      %sign3A_674 = arith.constant 0 : i32
      %sign3A_675 = arith.cmpi slt, %jit3A_662, %sign3A_674 : i32
      %sign3A_676 = arith.extui %sign3A_675 : i1 to i32
      %sign3A_677 = arith.subi %sign3A_673, %sign3A_676 : i32
      %ne3A_678 = arith.cmpi ne, %sign3A_670, %sign3A_677 : i32
      %rem3A_679 = arith.remsi %add3A_661, %jit3A_662 : i32
      %ne3A_680 = arith.constant 0 : i32
      %ne3A_681 = arith.cmpi ne, %rem3A_679, %ne3A_680 : i32
      %and3A_682 = arith.andi %ne3A_678, %ne3A_681 : i1
      %sub3A_683 = arith.constant 1 : i32
      %sub3A_684 = arith.subi %div3A_663, %sub3A_683 : i32
      %select_n3A_685 = arith.select %and3A_682, %sub3A_684, %div3A_663 : i32
      %jit3A_686 = arith.constant 2 : i32
      %eq3A_687 = arith.constant 0 : i32
      %eq3A_688 = arith.cmpi eq, %jit3A_686, %eq3A_687 : i32
      %jit3A_689 = arith.constant 1 : i32
      %select_n3A_690 = arith.select %eq3A_688, %jit3A_689, %jit3A_686 : i32
      %rem3A_691 = arith.remsi %add3A_661, %select_n3A_690 : i32
      %ne3A_692 = arith.constant 0 : i32
      %ne3A_693 = arith.cmpi ne, %rem3A_691, %ne3A_692 : i32
      %lt3A_694 = arith.constant 0 : i32
      %lt3A_695 = arith.cmpi slt, %rem3A_691, %lt3A_694 : i32
      %lt3A_696 = arith.constant 0 : i32
      %lt3A_697 = arith.cmpi slt, %select_n3A_690, %lt3A_696 : i32
      %ne3A_698 = arith.xori %lt3A_695, %lt3A_697 : i1
      %and3A_699 = arith.andi %ne3A_698, %ne3A_693 : i1
      %add3A_700 = arith.addi %rem3A_691, %select_n3A_690 : i32
      %select_n3A_701 = arith.select %and3A_699, %add3A_700, %rem3A_691 : i32
      %mul3A_702 = arith.constant 256 : i32
      %mul3A_703 = arith.muli %select_n3A_701, %mul3A_702 : i32
      %add3A_704 = arith.addi %mul3A_2, %mul3A_703 : i32
      %jit3A_705 = arith.constant 128 : i32
      %div3A_706 = arith.divsi %add3A_704, %jit3A_705 : i32
      %sign3A_707 = arith.constant 0 : i32
      %sign3A_708 = arith.cmpi sgt, %add3A_704, %sign3A_707 : i32
      %sign3A_709 = arith.extui %sign3A_708 : i1 to i32
      %sign3A_710 = arith.constant 0 : i32
      %sign3A_711 = arith.cmpi slt, %add3A_704, %sign3A_710 : i32
      %sign3A_712 = arith.extui %sign3A_711 : i1 to i32
      %sign3A_713 = arith.subi %sign3A_709, %sign3A_712 : i32
      %sign3A_714 = arith.constant 0 : i32
      %sign3A_715 = arith.cmpi sgt, %jit3A_705, %sign3A_714 : i32
      %sign3A_716 = arith.extui %sign3A_715 : i1 to i32
      %sign3A_717 = arith.constant 0 : i32
      %sign3A_718 = arith.cmpi slt, %jit3A_705, %sign3A_717 : i32
      %sign3A_719 = arith.extui %sign3A_718 : i1 to i32
      %sign3A_720 = arith.subi %sign3A_716, %sign3A_719 : i32
      %ne3A_721 = arith.cmpi ne, %sign3A_713, %sign3A_720 : i32
      %rem3A_722 = arith.remsi %add3A_704, %jit3A_705 : i32
      %ne3A_723 = arith.constant 0 : i32
      %ne3A_724 = arith.cmpi ne, %rem3A_722, %ne3A_723 : i32
      %and3A_725 = arith.andi %ne3A_721, %ne3A_724 : i1
      %sub3A_726 = arith.constant 1 : i32
      %sub3A_727 = arith.subi %div3A_706, %sub3A_726 : i32
      %select_n3A_728 = arith.select %and3A_725, %sub3A_727, %div3A_706 : i32
      %dma_wait3A_729 = arith.constant 0 : i32
      %dma_wait3A_730 = arith.constant 0 : i32
      %dma_wait3A_731 = arith.constant 0 : i32
      %dma_wait3A_732 = arith.constant 0 : i32
      %dma_wait3A_733 = tpu.memref_slice %arg8[%dma_wait3A_729, %dma_wait3A_730, %dma_wait3A_731, %dma_wait3A_732] : memref<8x2x12x129xf32, #tpu.memory_space<vmem>> -> memref<8x2x8x128xf32, #tpu.memory_space<vmem>>
      %dma_wait3A_734 = arith.constant 0 : i32
      %dma_wait3A_735 = arith.constant 0 : i32
      %dma_wait3A_736 = arith.constant 0 : i32
      %dma_wait3A_737 = tpu.memref_slice %arg4[%select_n3A_685, %dma_wait3A_734, %select_n3A_728, %dma_wait3A_735, %dma_wait3A_736] : memref<50x8x128x8x128xf32, #tpu.memory_space<hbm>> -> memref<1x8x2x8x128xf32, #tpu.memory_space<hbm>>
      %dma_wait3A_738 = tpu.memref_squeeze %dma_wait3A_737 : memref<1x8x2x8x128xf32, #tpu.memory_space<hbm>> -> memref<8x2x8x128xf32, #tpu.memory_space<hbm>>
      %dma_wait3A_739 = arith.constant 0 : i32
      %dma_wait3A_740 = arith.constant 0 : i32
      %dma_wait3A_741 = arith.constant 0 : i32
      %dma_wait3A_742 = tpu.memref_slice %arg4[%select_n3A_685, %dma_wait3A_739, %select_n3A_728, %dma_wait3A_740, %dma_wait3A_741] : memref<50x8x128x8x128xf32, #tpu.memory_space<hbm>> -> memref<1x8x2x8x128xf32, #tpu.memory_space<hbm>>
      %dma_wait3A_743 = tpu.memref_squeeze %dma_wait3A_742 : memref<1x8x2x8x128xf32, #tpu.memory_space<hbm>> -> memref<8x2x8x128xf32, #tpu.memory_space<hbm>>
      %dma_wait3A_744 = arith.constant 0 : i32
      %dma_wait3A_745 = arith.constant 0 : i32
      %dma_wait3A_746 = arith.constant 0 : i32
      %dma_wait3A_747 = arith.constant 0 : i32
      %dma_wait3A_748 = tpu.memref_slice %arg8[%dma_wait3A_744, %dma_wait3A_745, %dma_wait3A_746, %dma_wait3A_747] : memref<8x2x12x129xf32, #tpu.memory_space<vmem>> -> memref<8x2x8x128xf32, #tpu.memory_space<vmem>>
      tpu.wait_dma2 semaphore(%arg12 : memref<!tpu.dma_semaphore, #tpu.memory_space<semaphore_mem>>) src(%dma_wait3A_748 : memref<8x2x8x128xf32, #tpu.memory_space<vmem>>) dst(%dma_wait3A_743 : memref<8x2x8x128xf32, #tpu.memory_space<hbm>>)
      %add3A_749 = arith.constant 0 : i32
      %add3A_750 = arith.addi %mul3A_377, %add3A_749 : i32
      %add3A_751 = arith.constant 2 : i32
      %add3A_752 = arith.addi %add3A_750, %add3A_751 : i32
      %jit3A_753 = arith.constant 2 : i32
      %div3A_754 = arith.divsi %add3A_752, %jit3A_753 : i32
      %sign3A_755 = arith.constant 0 : i32
      %sign3A_756 = arith.cmpi sgt, %add3A_752, %sign3A_755 : i32
      %sign3A_757 = arith.extui %sign3A_756 : i1 to i32
      %sign3A_758 = arith.constant 0 : i32
      %sign3A_759 = arith.cmpi slt, %add3A_752, %sign3A_758 : i32
      %sign3A_760 = arith.extui %sign3A_759 : i1 to i32
      %sign3A_761 = arith.subi %sign3A_757, %sign3A_760 : i32
      %sign3A_762 = arith.constant 0 : i32
      %sign3A_763 = arith.cmpi sgt, %jit3A_753, %sign3A_762 : i32
      %sign3A_764 = arith.extui %sign3A_763 : i1 to i32
      %sign3A_765 = arith.constant 0 : i32
      %sign3A_766 = arith.cmpi slt, %jit3A_753, %sign3A_765 : i32
      %sign3A_767 = arith.extui %sign3A_766 : i1 to i32
      %sign3A_768 = arith.subi %sign3A_764, %sign3A_767 : i32
      %ne3A_769 = arith.cmpi ne, %sign3A_761, %sign3A_768 : i32
      %rem3A_770 = arith.remsi %add3A_752, %jit3A_753 : i32
      %ne3A_771 = arith.constant 0 : i32
      %ne3A_772 = arith.cmpi ne, %rem3A_770, %ne3A_771 : i32
      %and3A_773 = arith.andi %ne3A_769, %ne3A_772 : i1
      %sub3A_774 = arith.constant 1 : i32
      %sub3A_775 = arith.subi %div3A_754, %sub3A_774 : i32
      %select_n3A_776 = arith.select %and3A_773, %sub3A_775, %div3A_754 : i32
      %jit3A_777 = arith.constant 2 : i32
      %eq3A_778 = arith.constant 0 : i32
      %eq3A_779 = arith.cmpi eq, %jit3A_777, %eq3A_778 : i32
      %jit3A_780 = arith.constant 1 : i32
      %select_n3A_781 = arith.select %eq3A_779, %jit3A_780, %jit3A_777 : i32
      %rem3A_782 = arith.remsi %add3A_752, %select_n3A_781 : i32
      %ne3A_783 = arith.constant 0 : i32
      %ne3A_784 = arith.cmpi ne, %rem3A_782, %ne3A_783 : i32
      %lt3A_785 = arith.constant 0 : i32
      %lt3A_786 = arith.cmpi slt, %rem3A_782, %lt3A_785 : i32
      %lt3A_787 = arith.constant 0 : i32
      %lt3A_788 = arith.cmpi slt, %select_n3A_781, %lt3A_787 : i32
      %ne3A_789 = arith.xori %lt3A_786, %lt3A_788 : i1
      %and3A_790 = arith.andi %ne3A_789, %ne3A_784 : i1
      %add3A_791 = arith.addi %rem3A_782, %select_n3A_781 : i32
      %select_n3A_792 = arith.select %and3A_790, %add3A_791, %rem3A_782 : i32
      %mul3A_793 = arith.constant 256 : i32
      %mul3A_794 = arith.muli %select_n3A_792, %mul3A_793 : i32
      %dma_start3A_795 = tpu.memref_slice %arg5[%select_n3A_776, %mul3A_794] : memref<50x512xi32, #tpu.memory_space<vmem>> -> memref<1x256xi32, #tpu.memory_space<vmem>>
      %dma_start3A_796 = tpu.memref_squeeze %dma_start3A_795 : memref<1x256xi32, #tpu.memory_space<vmem>> -> memref<256xi32, #tpu.memory_space<vmem>>
      %dma_start3A_797 = arith.constant 0 : i32
      %dma_start3A_798 = arith.constant 0 : i32
      %dma_start3A_799 = tpu.memref_slice %arg2[%dma_start3A_797, %dma_start3A_798] : memref<1000000x64xf32, #tpu.memory_space<hbm>> -> memref<1000000x64xf32, #tpu.memory_space<hbm>>
      tpu.enqueue_indirect_dma source(%dma_start3A_799 : memref<1000000x64xf32, #tpu.memory_space<hbm>>) target(%arg6 : memref<256x64xf32, #tpu.memory_space<vmem>>) offsets(%dma_start3A_796 : memref<256xi32, #tpu.memory_space<vmem>>) semaphore(%arg10 : memref<!tpu.dma_semaphore, #tpu.memory_space<semaphore_mem>>)
      %add3A_800 = arith.constant 1 : i32
      %add3A_801 = arith.addi %mul3A_377, %add3A_800 : i32
      %jit3A_802 = arith.constant 2 : i32
      %div3A_803 = arith.divsi %add3A_801, %jit3A_802 : i32
      %sign3A_804 = arith.constant 0 : i32
      %sign3A_805 = arith.cmpi sgt, %add3A_801, %sign3A_804 : i32
      %sign3A_806 = arith.extui %sign3A_805 : i1 to i32
      %sign3A_807 = arith.constant 0 : i32
      %sign3A_808 = arith.cmpi slt, %add3A_801, %sign3A_807 : i32
      %sign3A_809 = arith.extui %sign3A_808 : i1 to i32
      %sign3A_810 = arith.subi %sign3A_806, %sign3A_809 : i32
      %sign3A_811 = arith.constant 0 : i32
      %sign3A_812 = arith.cmpi sgt, %jit3A_802, %sign3A_811 : i32
      %sign3A_813 = arith.extui %sign3A_812 : i1 to i32
      %sign3A_814 = arith.constant 0 : i32
      %sign3A_815 = arith.cmpi slt, %jit3A_802, %sign3A_814 : i32
      %sign3A_816 = arith.extui %sign3A_815 : i1 to i32
      %sign3A_817 = arith.subi %sign3A_813, %sign3A_816 : i32
      %ne3A_818 = arith.cmpi ne, %sign3A_810, %sign3A_817 : i32
      %rem3A_819 = arith.remsi %add3A_801, %jit3A_802 : i32
      %ne3A_820 = arith.constant 0 : i32
      %ne3A_821 = arith.cmpi ne, %rem3A_819, %ne3A_820 : i32
      %and3A_822 = arith.andi %ne3A_818, %ne3A_821 : i1
      %sub3A_823 = arith.constant 1 : i32
      %sub3A_824 = arith.subi %div3A_803, %sub3A_823 : i32
      %select_n3A_825 = arith.select %and3A_822, %sub3A_824, %div3A_803 : i32
      %jit3A_826 = arith.constant 2 : i32
      %eq3A_827 = arith.constant 0 : i32
      %eq3A_828 = arith.cmpi eq, %jit3A_826, %eq3A_827 : i32
      %jit3A_829 = arith.constant 1 : i32
      %select_n3A_830 = arith.select %eq3A_828, %jit3A_829, %jit3A_826 : i32
      %rem3A_831 = arith.remsi %add3A_801, %select_n3A_830 : i32
      %ne3A_832 = arith.constant 0 : i32
      %ne3A_833 = arith.cmpi ne, %rem3A_831, %ne3A_832 : i32
      %lt3A_834 = arith.constant 0 : i32
      %lt3A_835 = arith.cmpi slt, %rem3A_831, %lt3A_834 : i32
      %lt3A_836 = arith.constant 0 : i32
      %lt3A_837 = arith.cmpi slt, %select_n3A_830, %lt3A_836 : i32
      %ne3A_838 = arith.xori %lt3A_835, %lt3A_837 : i1
      %and3A_839 = arith.andi %ne3A_838, %ne3A_833 : i1
      %add3A_840 = arith.addi %rem3A_831, %select_n3A_830 : i32
      %select_n3A_841 = arith.select %and3A_839, %add3A_840, %rem3A_831 : i32
      %mul3A_842 = arith.constant 256 : i32
      %mul3A_843 = arith.muli %select_n3A_841, %mul3A_842 : i32
      %add3A_844 = arith.addi %mul3A_2, %mul3A_843 : i32
      %jit3A_845 = arith.constant 128 : i32
      %div3A_846 = arith.divsi %add3A_844, %jit3A_845 : i32
      %sign3A_847 = arith.constant 0 : i32
      %sign3A_848 = arith.cmpi sgt, %add3A_844, %sign3A_847 : i32
      %sign3A_849 = arith.extui %sign3A_848 : i1 to i32
      %sign3A_850 = arith.constant 0 : i32
      %sign3A_851 = arith.cmpi slt, %add3A_844, %sign3A_850 : i32
      %sign3A_852 = arith.extui %sign3A_851 : i1 to i32
      %sign3A_853 = arith.subi %sign3A_849, %sign3A_852 : i32
      %sign3A_854 = arith.constant 0 : i32
      %sign3A_855 = arith.cmpi sgt, %jit3A_845, %sign3A_854 : i32
      %sign3A_856 = arith.extui %sign3A_855 : i1 to i32
      %sign3A_857 = arith.constant 0 : i32
      %sign3A_858 = arith.cmpi slt, %jit3A_845, %sign3A_857 : i32
      %sign3A_859 = arith.extui %sign3A_858 : i1 to i32
      %sign3A_860 = arith.subi %sign3A_856, %sign3A_859 : i32
      %ne3A_861 = arith.cmpi ne, %sign3A_853, %sign3A_860 : i32
      %rem3A_862 = arith.remsi %add3A_844, %jit3A_845 : i32
      %ne3A_863 = arith.constant 0 : i32
      %ne3A_864 = arith.cmpi ne, %rem3A_862, %ne3A_863 : i32
      %and3A_865 = arith.andi %ne3A_861, %ne3A_864 : i1
      %sub3A_866 = arith.constant 1 : i32
      %sub3A_867 = arith.subi %div3A_846, %sub3A_866 : i32
      %select_n3A_868 = arith.select %and3A_865, %sub3A_867, %div3A_846 : i32
      %dma_wait3A_869 = arith.constant 0 : i32
      %dma_wait3A_870 = arith.constant 0 : i32
      %dma_wait3A_871 = arith.constant 0 : i32
      %dma_wait3A_872 = arith.constant 0 : i32
      %dma_wait3A_873 = tpu.memref_slice %arg9[%dma_wait3A_869, %dma_wait3A_870, %dma_wait3A_871, %dma_wait3A_872] : memref<8x2x12x129xf32, #tpu.memory_space<vmem>> -> memref<8x2x8x128xf32, #tpu.memory_space<vmem>>
      %dma_wait3A_874 = arith.constant 0 : i32
      %dma_wait3A_875 = arith.constant 0 : i32
      %dma_wait3A_876 = arith.constant 0 : i32
      %dma_wait3A_877 = tpu.memref_slice %arg4[%select_n3A_825, %dma_wait3A_874, %select_n3A_868, %dma_wait3A_875, %dma_wait3A_876] : memref<50x8x128x8x128xf32, #tpu.memory_space<hbm>> -> memref<1x8x2x8x128xf32, #tpu.memory_space<hbm>>
      %dma_wait3A_878 = tpu.memref_squeeze %dma_wait3A_877 : memref<1x8x2x8x128xf32, #tpu.memory_space<hbm>> -> memref<8x2x8x128xf32, #tpu.memory_space<hbm>>
      %dma_wait3A_879 = arith.constant 0 : i32
      %dma_wait3A_880 = arith.constant 0 : i32
      %dma_wait3A_881 = arith.constant 0 : i32
      %dma_wait3A_882 = tpu.memref_slice %arg4[%select_n3A_825, %dma_wait3A_879, %select_n3A_868, %dma_wait3A_880, %dma_wait3A_881] : memref<50x8x128x8x128xf32, #tpu.memory_space<hbm>> -> memref<1x8x2x8x128xf32, #tpu.memory_space<hbm>>
      %dma_wait3A_883 = tpu.memref_squeeze %dma_wait3A_882 : memref<1x8x2x8x128xf32, #tpu.memory_space<hbm>> -> memref<8x2x8x128xf32, #tpu.memory_space<hbm>>
      %dma_wait3A_884 = arith.constant 0 : i32
      %dma_wait3A_885 = arith.constant 0 : i32
      %dma_wait3A_886 = arith.constant 0 : i32
      %dma_wait3A_887 = arith.constant 0 : i32
      %dma_wait3A_888 = tpu.memref_slice %arg9[%dma_wait3A_884, %dma_wait3A_885, %dma_wait3A_886, %dma_wait3A_887] : memref<8x2x12x129xf32, #tpu.memory_space<vmem>> -> memref<8x2x8x128xf32, #tpu.memory_space<vmem>>
      tpu.wait_dma2 semaphore(%arg13 : memref<!tpu.dma_semaphore, #tpu.memory_space<semaphore_mem>>) src(%dma_wait3A_888 : memref<8x2x8x128xf32, #tpu.memory_space<vmem>>) dst(%dma_wait3A_883 : memref<8x2x8x128xf32, #tpu.memory_space<hbm>>)
      %add3A_889 = arith.constant 1 : i32
      %add3A_890 = arith.addi %mul3A_377, %add3A_889 : i32
      %add3A_891 = arith.constant 2 : i32
      %add3A_892 = arith.addi %add3A_890, %add3A_891 : i32
      %jit3A_893 = arith.constant 2 : i32
      %div3A_894 = arith.divsi %add3A_892, %jit3A_893 : i32
      %sign3A_895 = arith.constant 0 : i32
      %sign3A_896 = arith.cmpi sgt, %add3A_892, %sign3A_895 : i32
      %sign3A_897 = arith.extui %sign3A_896 : i1 to i32
      %sign3A_898 = arith.constant 0 : i32
      %sign3A_899 = arith.cmpi slt, %add3A_892, %sign3A_898 : i32
      %sign3A_900 = arith.extui %sign3A_899 : i1 to i32
      %sign3A_901 = arith.subi %sign3A_897, %sign3A_900 : i32
      %sign3A_902 = arith.constant 0 : i32
      %sign3A_903 = arith.cmpi sgt, %jit3A_893, %sign3A_902 : i32
      %sign3A_904 = arith.extui %sign3A_903 : i1 to i32
      %sign3A_905 = arith.constant 0 : i32
      %sign3A_906 = arith.cmpi slt, %jit3A_893, %sign3A_905 : i32
      %sign3A_907 = arith.extui %sign3A_906 : i1 to i32
      %sign3A_908 = arith.subi %sign3A_904, %sign3A_907 : i32
      %ne3A_909 = arith.cmpi ne, %sign3A_901, %sign3A_908 : i32
      %rem3A_910 = arith.remsi %add3A_892, %jit3A_893 : i32
      %ne3A_911 = arith.constant 0 : i32
      %ne3A_912 = arith.cmpi ne, %rem3A_910, %ne3A_911 : i32
      %and3A_913 = arith.andi %ne3A_909, %ne3A_912 : i1
      %sub3A_914 = arith.constant 1 : i32
      %sub3A_915 = arith.subi %div3A_894, %sub3A_914 : i32
      %select_n3A_916 = arith.select %and3A_913, %sub3A_915, %div3A_894 : i32
      %jit3A_917 = arith.constant 2 : i32
      %eq3A_918 = arith.constant 0 : i32
      %eq3A_919 = arith.cmpi eq, %jit3A_917, %eq3A_918 : i32
      %jit3A_920 = arith.constant 1 : i32
      %select_n3A_921 = arith.select %eq3A_919, %jit3A_920, %jit3A_917 : i32
      %rem3A_922 = arith.remsi %add3A_892, %select_n3A_921 : i32
      %ne3A_923 = arith.constant 0 : i32
      %ne3A_924 = arith.cmpi ne, %rem3A_922, %ne3A_923 : i32
      %lt3A_925 = arith.constant 0 : i32
      %lt3A_926 = arith.cmpi slt, %rem3A_922, %lt3A_925 : i32
      %lt3A_927 = arith.constant 0 : i32
      %lt3A_928 = arith.cmpi slt, %select_n3A_921, %lt3A_927 : i32
      %ne3A_929 = arith.xori %lt3A_926, %lt3A_928 : i1
      %and3A_930 = arith.andi %ne3A_929, %ne3A_924 : i1
      %add3A_931 = arith.addi %rem3A_922, %select_n3A_921 : i32
      %select_n3A_932 = arith.select %and3A_930, %add3A_931, %rem3A_922 : i32
      %mul3A_933 = arith.constant 256 : i32
      %mul3A_934 = arith.muli %select_n3A_932, %mul3A_933 : i32
      %dma_start3A_935 = tpu.memref_slice %arg5[%select_n3A_916, %mul3A_934] : memref<50x512xi32, #tpu.memory_space<vmem>> -> memref<1x256xi32, #tpu.memory_space<vmem>>
      %dma_start3A_936 = tpu.memref_squeeze %dma_start3A_935 : memref<1x256xi32, #tpu.memory_space<vmem>> -> memref<256xi32, #tpu.memory_space<vmem>>
      %dma_start3A_937 = arith.constant 0 : i32
      %dma_start3A_938 = arith.constant 0 : i32
      %dma_start3A_939 = tpu.memref_slice %arg2[%dma_start3A_937, %dma_start3A_938] : memref<1000000x64xf32, #tpu.memory_space<hbm>> -> memref<1000000x64xf32, #tpu.memory_space<hbm>>
      tpu.enqueue_indirect_dma source(%dma_start3A_939 : memref<1000000x64xf32, #tpu.memory_space<hbm>>) target(%arg7 : memref<256x64xf32, #tpu.memory_space<vmem>>) offsets(%dma_start3A_936 : memref<256xi32, #tpu.memory_space<vmem>>) semaphore(%arg11 : memref<!tpu.dma_semaphore, #tpu.memory_space<semaphore_mem>>)
    }
    %scan3A_168 = arith.constant 49 : i32
    %dma_wait3A = arith.constant 49 : i32
    %dma_wait3A_169 = arith.constant 0 : i32
    %dma_wait3A_170 = tpu.memref_slice %arg5[%dma_wait3A, %dma_wait3A_169] : memref<50x512xi32, #tpu.memory_space<vmem>> -> memref<1x256xi32, #tpu.memory_space<vmem>>
    %dma_wait3A_171 = tpu.memref_squeeze %dma_wait3A_170 : memref<1x256xi32, #tpu.memory_space<vmem>> -> memref<256xi32, #tpu.memory_space<vmem>>
    %dma_wait3A_172 = arith.constant 0 : i32
    %dma_wait3A_173 = arith.constant 0 : i32
    %dma_wait3A_174 = tpu.memref_slice %arg2[%dma_wait3A_172, %dma_wait3A_173] : memref<1000000x64xf32, #tpu.memory_space<hbm>> -> memref<1000000x64xf32, #tpu.memory_space<hbm>>
    tpu.wait_indirect_dma semaphore(%arg10 : memref<!tpu.dma_semaphore, #tpu.memory_space<semaphore_mem>>) src(%dma_wait3A_174 : memref<1000000x64xf32, #tpu.memory_space<hbm>>) dst(%arg6 : memref<256x64xf32, #tpu.memory_space<vmem>>)
    %parallel_loop3A = arith.constant 0 : i32
    %parallel_loop3A_175 = arith.constant 128 : i32
    %parallel_loop3A_176 = arith.constant 1 : i32
    scf.for %parallel_loop3A_375 = %parallel_loop3A to %parallel_loop3A_175 step %parallel_loop3A_176  : i32 {
      %parallel_loop3A_376 = vector.broadcast %parallel_loop3A_375 : i32 to vector<16xi32>
      %parallel_loop3A_377 = arith.constant 0 : i32
      %parallel_loop3A_378 = vector.broadcast %parallel_loop3A_377 : i32 to vector<16xi32>
      %parallel_loop3A_379 = arith.constant 0 : i32
      %parallel_loop3A_380 = arith.addi %parallel_loop3A_379, %parallel_loop3A_375 : i32
      %parallel_loop3A_381 = arith.index_cast %parallel_loop3A_380 : i32 to index
      %parallel_loop3A_382 = arith.constant 0 : index
      %parallel_loop3A_383 = tpu.vector_load %arg6[%parallel_loop3A_381, %parallel_loop3A_382] {strides = array<i32>} : memref<256x64xf32, #tpu.memory_space<vmem>>, vector<16xf32>,
      %parallel_loop3A_384 = arith.constant 8.000000e+00 : f32
      %parallel_loop3A_385 = vector.broadcast %parallel_loop3A_384 : f32 to vector<16xf32>
      %parallel_loop3A_386 = arith.mulf %parallel_loop3A_383, %parallel_loop3A_385 : vector<16xf32>
      tpu.vector_store_idx %arg8[%add3A_28, %parallel_loop3A_378, %select_n3A_150, %parallel_loop3A_376], %parallel_loop3A_386 : memref<8x2x12x129xf32, #tpu.memory_space<vmem>>[vector<16xi32>, vector<16xi32>, vector<16xi32>, vector<16xi32>], vector<16xf32>,
      %parallel_loop3A_387 = arith.index_cast %parallel_loop3A_380 : i32 to index
      %parallel_loop3A_388 = arith.constant 16 : index
      %parallel_loop3A_389 = tpu.vector_load %arg6[%parallel_loop3A_387, %parallel_loop3A_388] {strides = array<i32>} : memref<256x64xf32, #tpu.memory_space<vmem>>, vector<16xf32>,
      %parallel_loop3A_390 = arith.constant 8.000000e+00 : f32
      %parallel_loop3A_391 = vector.broadcast %parallel_loop3A_390 : f32 to vector<16xf32>
      %parallel_loop3A_392 = arith.mulf %parallel_loop3A_389, %parallel_loop3A_391 : vector<16xf32>
      tpu.vector_store_idx %arg8[%add3A_62, %parallel_loop3A_378, %select_n3A_150, %parallel_loop3A_376], %parallel_loop3A_392 : memref<8x2x12x129xf32, #tpu.memory_space<vmem>>[vector<16xi32>, vector<16xi32>, vector<16xi32>, vector<16xi32>], vector<16xf32>,
      %parallel_loop3A_393 = arith.index_cast %parallel_loop3A_380 : i32 to index
      %parallel_loop3A_394 = arith.constant 32 : index
      %parallel_loop3A_395 = tpu.vector_load %arg6[%parallel_loop3A_393, %parallel_loop3A_394] {strides = array<i32>} : memref<256x64xf32, #tpu.memory_space<vmem>>, vector<16xf32>,
      %parallel_loop3A_396 = arith.constant 8.000000e+00 : f32
      %parallel_loop3A_397 = vector.broadcast %parallel_loop3A_396 : f32 to vector<16xf32>
      %parallel_loop3A_398 = arith.mulf %parallel_loop3A_395, %parallel_loop3A_397 : vector<16xf32>
      tpu.vector_store_idx %arg8[%add3A_96, %parallel_loop3A_378, %select_n3A_150, %parallel_loop3A_376], %parallel_loop3A_398 : memref<8x2x12x129xf32, #tpu.memory_space<vmem>>[vector<16xi32>, vector<16xi32>, vector<16xi32>, vector<16xi32>], vector<16xf32>,
      %parallel_loop3A_399 = arith.index_cast %parallel_loop3A_380 : i32 to index
      %parallel_loop3A_400 = arith.constant 48 : index
      %parallel_loop3A_401 = tpu.vector_load %arg6[%parallel_loop3A_399, %parallel_loop3A_400] {strides = array<i32>} : memref<256x64xf32, #tpu.memory_space<vmem>>, vector<16xf32>,
      %parallel_loop3A_402 = arith.constant 8.000000e+00 : f32
      %parallel_loop3A_403 = vector.broadcast %parallel_loop3A_402 : f32 to vector<16xf32>
      %parallel_loop3A_404 = arith.mulf %parallel_loop3A_401, %parallel_loop3A_403 : vector<16xf32>
      tpu.vector_store_idx %arg8[%add3A_130, %parallel_loop3A_378, %select_n3A_150, %parallel_loop3A_376], %parallel_loop3A_404 : memref<8x2x12x129xf32, #tpu.memory_space<vmem>>[vector<16xi32>, vector<16xi32>, vector<16xi32>, vector<16xi32>], vector<16xf32>,
      %parallel_loop3A_405 = arith.constant 1 : i32
      %parallel_loop3A_406 = vector.broadcast %parallel_loop3A_405 : i32 to vector<16xi32>
      %parallel_loop3A_407 = arith.constant 128 : i32
      %parallel_loop3A_408 = arith.addi %parallel_loop3A_407, %parallel_loop3A_375 : i32
      %parallel_loop3A_409 = arith.index_cast %parallel_loop3A_408 : i32 to index
      %parallel_loop3A_410 = arith.constant 0 : index
      %parallel_loop3A_411 = tpu.vector_load %arg6[%parallel_loop3A_409, %parallel_loop3A_410] {strides = array<i32>} : memref<256x64xf32, #tpu.memory_space<vmem>>, vector<16xf32>,
      %parallel_loop3A_412 = arith.constant 8.000000e+00 : f32
      %parallel_loop3A_413 = vector.broadcast %parallel_loop3A_412 : f32 to vector<16xf32>
      %parallel_loop3A_414 = arith.mulf %parallel_loop3A_411, %parallel_loop3A_413 : vector<16xf32>
      tpu.vector_store_idx %arg8[%add3A_28, %parallel_loop3A_406, %select_n3A_150, %parallel_loop3A_376], %parallel_loop3A_414 : memref<8x2x12x129xf32, #tpu.memory_space<vmem>>[vector<16xi32>, vector<16xi32>, vector<16xi32>, vector<16xi32>], vector<16xf32>,
      %parallel_loop3A_415 = arith.index_cast %parallel_loop3A_408 : i32 to index
      %parallel_loop3A_416 = arith.constant 16 : index
      %parallel_loop3A_417 = tpu.vector_load %arg6[%parallel_loop3A_415, %parallel_loop3A_416] {strides = array<i32>} : memref<256x64xf32, #tpu.memory_space<vmem>>, vector<16xf32>,
      %parallel_loop3A_418 = arith.constant 8.000000e+00 : f32
      %parallel_loop3A_419 = vector.broadcast %parallel_loop3A_418 : f32 to vector<16xf32>
      %parallel_loop3A_420 = arith.mulf %parallel_loop3A_417, %parallel_loop3A_419 : vector<16xf32>
      tpu.vector_store_idx %arg8[%add3A_62, %parallel_loop3A_406, %select_n3A_150, %parallel_loop3A_376], %parallel_loop3A_420 : memref<8x2x12x129xf32, #tpu.memory_space<vmem>>[vector<16xi32>, vector<16xi32>, vector<16xi32>, vector<16xi32>], vector<16xf32>,
      %parallel_loop3A_421 = arith.index_cast %parallel_loop3A_408 : i32 to index
      %parallel_loop3A_422 = arith.constant 32 : index
      %parallel_loop3A_423 = tpu.vector_load %arg6[%parallel_loop3A_421, %parallel_loop3A_422] {strides = array<i32>} : memref<256x64xf32, #tpu.memory_space<vmem>>, vector<16xf32>,
      %parallel_loop3A_424 = arith.constant 8.000000e+00 : f32
      %parallel_loop3A_425 = vector.broadcast %parallel_loop3A_424 : f32 to vector<16xf32>
      %parallel_loop3A_426 = arith.mulf %parallel_loop3A_423, %parallel_loop3A_425 : vector<16xf32>
      tpu.vector_store_idx %arg8[%add3A_96, %parallel_loop3A_406, %select_n3A_150, %parallel_loop3A_376], %parallel_loop3A_426 : memref<8x2x12x129xf32, #tpu.memory_space<vmem>>[vector<16xi32>, vector<16xi32>, vector<16xi32>, vector<16xi32>], vector<16xf32>,
      %parallel_loop3A_427 = arith.index_cast %parallel_loop3A_408 : i32 to index
      %parallel_loop3A_428 = arith.constant 48 : index
      %parallel_loop3A_429 = tpu.vector_load %arg6[%parallel_loop3A_427, %parallel_loop3A_428] {strides = array<i32>} : memref<256x64xf32, #tpu.memory_space<vmem>>, vector<16xf32>,
      %parallel_loop3A_430 = arith.constant 8.000000e+00 : f32
      %parallel_loop3A_431 = vector.broadcast %parallel_loop3A_430 : f32 to vector<16xf32>
      %parallel_loop3A_432 = arith.mulf %parallel_loop3A_429, %parallel_loop3A_431 : vector<16xf32>
      tpu.vector_store_idx %arg8[%add3A_130, %parallel_loop3A_406, %select_n3A_150, %parallel_loop3A_376], %parallel_loop3A_432 : memref<8x2x12x129xf32, #tpu.memory_space<vmem>>[vector<16xi32>, vector<16xi32>, vector<16xi32>, vector<16xi32>], vector<16xf32>,
    } {sc.loop_unroll_factor = 2 : i64, sc.parallel_access}
    %add3A_177 = arith.constant 0 : i32
    %add3A_178 = arith.addi %mul3A_2, %add3A_177 : i32
    %jit3A_179 = arith.constant 128 : i32
    %div3A_180 = arith.divsi %add3A_178, %jit3A_179 : i32
    %sign3A_181 = arith.constant 0 : i32
    %sign3A_182 = arith.cmpi sgt, %add3A_178, %sign3A_181 : i32
    %sign3A_183 = arith.extui %sign3A_182 : i1 to i32
    %sign3A_184 = arith.constant 0 : i32
    %sign3A_185 = arith.cmpi slt, %add3A_178, %sign3A_184 : i32
    %sign3A_186 = arith.extui %sign3A_185 : i1 to i32
    %sign3A_187 = arith.subi %sign3A_183, %sign3A_186 : i32
    %sign3A_188 = arith.constant 0 : i32
    %sign3A_189 = arith.cmpi sgt, %jit3A_179, %sign3A_188 : i32
    %sign3A_190 = arith.extui %sign3A_189 : i1 to i32
    %sign3A_191 = arith.constant 0 : i32
    %sign3A_192 = arith.cmpi slt, %jit3A_179, %sign3A_191 : i32
    %sign3A_193 = arith.extui %sign3A_192 : i1 to i32
    %sign3A_194 = arith.subi %sign3A_190, %sign3A_193 : i32
    %ne3A_195 = arith.cmpi ne, %sign3A_187, %sign3A_194 : i32
    %rem3A_196 = arith.remsi %add3A_178, %jit3A_179 : i32
    %ne3A_197 = arith.constant 0 : i32
    %ne3A_198 = arith.cmpi ne, %rem3A_196, %ne3A_197 : i32
    %and3A_199 = arith.andi %ne3A_195, %ne3A_198 : i1
    %sub3A_200 = arith.constant 1 : i32
    %sub3A_201 = arith.subi %div3A_180, %sub3A_200 : i32
    %select_n3A_202 = arith.select %and3A_199, %sub3A_201, %div3A_180 : i32
    %dma_start3A_203 = arith.constant 49 : i32
    %dma_start3A_204 = arith.constant 0 : i32
    %dma_start3A_205 = arith.constant 0 : i32
    %dma_start3A_206 = arith.constant 0 : i32
    %dma_start3A_207 = arith.constant 0 : i32
    %dma_start3A_208 = tpu.memref_slice %arg8[%dma_start3A_204, %dma_start3A_205, %dma_start3A_206, %dma_start3A_207] : memref<8x2x12x129xf32, #tpu.memory_space<vmem>> -> memref<8x2x8x128xf32, #tpu.memory_space<vmem>>
    %dma_start3A_209 = arith.constant 0 : i32
    %dma_start3A_210 = arith.constant 0 : i32
    %dma_start3A_211 = arith.constant 0 : i32
    %dma_start3A_212 = tpu.memref_slice %arg4[%dma_start3A_203, %dma_start3A_209, %select_n3A_202, %dma_start3A_210, %dma_start3A_211] : memref<50x8x128x8x128xf32, #tpu.memory_space<hbm>> -> memref<1x8x2x8x128xf32, #tpu.memory_space<hbm>>
    %dma_start3A_213 = tpu.memref_squeeze %dma_start3A_212 : memref<1x8x2x8x128xf32, #tpu.memory_space<hbm>> -> memref<8x2x8x128xf32, #tpu.memory_space<hbm>>
    %dma_start3A_214 = arith.constant 0 : i32
    %dma_start3A_215 = arith.constant 0 : i32
    %dma_start3A_216 = arith.constant 0 : i32
    %dma_start3A_217 = tpu.memref_slice %arg4[%dma_start3A_203, %dma_start3A_214, %select_n3A_202, %dma_start3A_215, %dma_start3A_216] : memref<50x8x128x8x128xf32, #tpu.memory_space<hbm>> -> memref<1x8x2x8x128xf32, #tpu.memory_space<hbm>>
    %dma_start3A_218 = tpu.memref_squeeze %dma_start3A_217 : memref<1x8x2x8x128xf32, #tpu.memory_space<hbm>> -> memref<8x2x8x128xf32, #tpu.memory_space<hbm>>
    %dma_start3A_219 = arith.constant 0 : i32
    %dma_start3A_220 = arith.constant 0 : i32
    %dma_start3A_221 = arith.constant 0 : i32
    %dma_start3A_222 = arith.constant 0 : i32
    %dma_start3A_223 = tpu.memref_slice %arg8[%dma_start3A_219, %dma_start3A_220, %dma_start3A_221, %dma_start3A_222] : memref<8x2x12x129xf32, #tpu.memory_space<vmem>> -> memref<8x2x8x128xf32, #tpu.memory_space<vmem>>
    tpu.enqueue_dma source(%dma_start3A_223 : memref<8x2x8x128xf32, #tpu.memory_space<vmem>>) target(%dma_start3A_218 : memref<8x2x8x128xf32, #tpu.memory_space<hbm>>) target_semaphore(%arg12 : memref<!tpu.dma_semaphore, #tpu.memory_space<semaphore_mem>>)
    %dma_wait3A_224 = arith.constant 49 : i32
    %dma_wait3A_225 = arith.constant 256 : i32
    %dma_wait3A_226 = tpu.memref_slice %arg5[%dma_wait3A_224, %dma_wait3A_225] : memref<50x512xi32, #tpu.memory_space<vmem>> -> memref<1x256xi32, #tpu.memory_space<vmem>>
    %dma_wait3A_227 = tpu.memref_squeeze %dma_wait3A_226 : memref<1x256xi32, #tpu.memory_space<vmem>> -> memref<256xi32, #tpu.memory_space<vmem>>
    %dma_wait3A_228 = arith.constant 0 : i32
    %dma_wait3A_229 = arith.constant 0 : i32
    %dma_wait3A_230 = tpu.memref_slice %arg2[%dma_wait3A_228, %dma_wait3A_229] : memref<1000000x64xf32, #tpu.memory_space<hbm>> -> memref<1000000x64xf32, #tpu.memory_space<hbm>>
    tpu.wait_indirect_dma semaphore(%arg11 : memref<!tpu.dma_semaphore, #tpu.memory_space<semaphore_mem>>) src(%dma_wait3A_230 : memref<1000000x64xf32, #tpu.memory_space<hbm>>) dst(%arg7 : memref<256x64xf32, #tpu.memory_space<vmem>>)
    %parallel_loop3A_231 = arith.constant 0 : i32
    %parallel_loop3A_232 = arith.constant 128 : i32
    %parallel_loop3A_233 = arith.constant 1 : i32
    scf.for %parallel_loop3A_375 = %parallel_loop3A_231 to %parallel_loop3A_232 step %parallel_loop3A_233  : i32 {
      %parallel_loop3A_376 = vector.broadcast %parallel_loop3A_375 : i32 to vector<16xi32>
      %parallel_loop3A_377 = arith.constant 0 : i32
      %parallel_loop3A_378 = vector.broadcast %parallel_loop3A_377 : i32 to vector<16xi32>
      %parallel_loop3A_379 = arith.constant 0 : i32
      %parallel_loop3A_380 = arith.addi %parallel_loop3A_379, %parallel_loop3A_375 : i32
      %parallel_loop3A_381 = arith.index_cast %parallel_loop3A_380 : i32 to index
      %parallel_loop3A_382 = arith.constant 0 : index
      %parallel_loop3A_383 = tpu.vector_load %arg7[%parallel_loop3A_381, %parallel_loop3A_382] {strides = array<i32>} : memref<256x64xf32, #tpu.memory_space<vmem>>, vector<16xf32>,
      %parallel_loop3A_384 = arith.constant 8.000000e+00 : f32
      %parallel_loop3A_385 = vector.broadcast %parallel_loop3A_384 : f32 to vector<16xf32>
      %parallel_loop3A_386 = arith.mulf %parallel_loop3A_383, %parallel_loop3A_385 : vector<16xf32>
      tpu.vector_store_idx %arg9[%add3A_28, %parallel_loop3A_378, %select_n3A_150, %parallel_loop3A_376], %parallel_loop3A_386 : memref<8x2x12x129xf32, #tpu.memory_space<vmem>>[vector<16xi32>, vector<16xi32>, vector<16xi32>, vector<16xi32>], vector<16xf32>,
      %parallel_loop3A_387 = arith.index_cast %parallel_loop3A_380 : i32 to index
      %parallel_loop3A_388 = arith.constant 16 : index
      %parallel_loop3A_389 = tpu.vector_load %arg7[%parallel_loop3A_387, %parallel_loop3A_388] {strides = array<i32>} : memref<256x64xf32, #tpu.memory_space<vmem>>, vector<16xf32>,
      %parallel_loop3A_390 = arith.constant 8.000000e+00 : f32
      %parallel_loop3A_391 = vector.broadcast %parallel_loop3A_390 : f32 to vector<16xf32>
      %parallel_loop3A_392 = arith.mulf %parallel_loop3A_389, %parallel_loop3A_391 : vector<16xf32>
      tpu.vector_store_idx %arg9[%add3A_62, %parallel_loop3A_378, %select_n3A_150, %parallel_loop3A_376], %parallel_loop3A_392 : memref<8x2x12x129xf32, #tpu.memory_space<vmem>>[vector<16xi32>, vector<16xi32>, vector<16xi32>, vector<16xi32>], vector<16xf32>,
      %parallel_loop3A_393 = arith.index_cast %parallel_loop3A_380 : i32 to index
      %parallel_loop3A_394 = arith.constant 32 : index
      %parallel_loop3A_395 = tpu.vector_load %arg7[%parallel_loop3A_393, %parallel_loop3A_394] {strides = array<i32>} : memref<256x64xf32, #tpu.memory_space<vmem>>, vector<16xf32>,
      %parallel_loop3A_396 = arith.constant 8.000000e+00 : f32
      %parallel_loop3A_397 = vector.broadcast %parallel_loop3A_396 : f32 to vector<16xf32>
      %parallel_loop3A_398 = arith.mulf %parallel_loop3A_395, %parallel_loop3A_397 : vector<16xf32>
      tpu.vector_store_idx %arg9[%add3A_96, %parallel_loop3A_378, %select_n3A_150, %parallel_loop3A_376], %parallel_loop3A_398 : memref<8x2x12x129xf32, #tpu.memory_space<vmem>>[vector<16xi32>, vector<16xi32>, vector<16xi32>, vector<16xi32>], vector<16xf32>,
      %parallel_loop3A_399 = arith.index_cast %parallel_loop3A_380 : i32 to index
      %parallel_loop3A_400 = arith.constant 48 : index
      %parallel_loop3A_401 = tpu.vector_load %arg7[%parallel_loop3A_399, %parallel_loop3A_400] {strides = array<i32>} : memref<256x64xf32, #tpu.memory_space<vmem>>, vector<16xf32>,
      %parallel_loop3A_402 = arith.constant 8.000000e+00 : f32
      %parallel_loop3A_403 = vector.broadcast %parallel_loop3A_402 : f32 to vector<16xf32>
      %parallel_loop3A_404 = arith.mulf %parallel_loop3A_401, %parallel_loop3A_403 : vector<16xf32>
      tpu.vector_store_idx %arg9[%add3A_130, %parallel_loop3A_378, %select_n3A_150, %parallel_loop3A_376], %parallel_loop3A_404 : memref<8x2x12x129xf32, #tpu.memory_space<vmem>>[vector<16xi32>, vector<16xi32>, vector<16xi32>, vector<16xi32>], vector<16xf32>,
      %parallel_loop3A_405 = arith.constant 1 : i32
      %parallel_loop3A_406 = vector.broadcast %parallel_loop3A_405 : i32 to vector<16xi32>
      %parallel_loop3A_407 = arith.constant 128 : i32
      %parallel_loop3A_408 = arith.addi %parallel_loop3A_407, %parallel_loop3A_375 : i32
      %parallel_loop3A_409 = arith.index_cast %parallel_loop3A_408 : i32 to index
      %parallel_loop3A_410 = arith.constant 0 : index
      %parallel_loop3A_411 = tpu.vector_load %arg7[%parallel_loop3A_409, %parallel_loop3A_410] {strides = array<i32>} : memref<256x64xf32, #tpu.memory_space<vmem>>, vector<16xf32>,
      %parallel_loop3A_412 = arith.constant 8.000000e+00 : f32
      %parallel_loop3A_413 = vector.broadcast %parallel_loop3A_412 : f32 to vector<16xf32>
      %parallel_loop3A_414 = arith.mulf %parallel_loop3A_411, %parallel_loop3A_413 : vector<16xf32>
      tpu.vector_store_idx %arg9[%add3A_28, %parallel_loop3A_406, %select_n3A_150, %parallel_loop3A_376], %parallel_loop3A_414 : memref<8x2x12x129xf32, #tpu.memory_space<vmem>>[vector<16xi32>, vector<16xi32>, vector<16xi32>, vector<16xi32>], vector<16xf32>,
      %parallel_loop3A_415 = arith.index_cast %parallel_loop3A_408 : i32 to index
      %parallel_loop3A_416 = arith.constant 16 : index
      %parallel_loop3A_417 = tpu.vector_load %arg7[%parallel_loop3A_415, %parallel_loop3A_416] {strides = array<i32>} : memref<256x64xf32, #tpu.memory_space<vmem>>, vector<16xf32>,
      %parallel_loop3A_418 = arith.constant 8.000000e+00 : f32
      %parallel_loop3A_419 = vector.broadcast %parallel_loop3A_418 : f32 to vector<16xf32>
      %parallel_loop3A_420 = arith.mulf %parallel_loop3A_417, %parallel_loop3A_419 : vector<16xf32>
      tpu.vector_store_idx %arg9[%add3A_62, %parallel_loop3A_406, %select_n3A_150, %parallel_loop3A_376], %parallel_loop3A_420 : memref<8x2x12x129xf32, #tpu.memory_space<vmem>>[vector<16xi32>, vector<16xi32>, vector<16xi32>, vector<16xi32>], vector<16xf32>,
      %parallel_loop3A_421 = arith.index_cast %parallel_loop3A_408 : i32 to index
      %parallel_loop3A_422 = arith.constant 32 : index
      %parallel_loop3A_423 = tpu.vector_load %arg7[%parallel_loop3A_421, %parallel_loop3A_422] {strides = array<i32>} : memref<256x64xf32, #tpu.memory_space<vmem>>, vector<16xf32>,
      %parallel_loop3A_424 = arith.constant 8.000000e+00 : f32
      %parallel_loop3A_425 = vector.broadcast %parallel_loop3A_424 : f32 to vector<16xf32>
      %parallel_loop3A_426 = arith.mulf %parallel_loop3A_423, %parallel_loop3A_425 : vector<16xf32>
      tpu.vector_store_idx %arg9[%add3A_96, %parallel_loop3A_406, %select_n3A_150, %parallel_loop3A_376], %parallel_loop3A_426 : memref<8x2x12x129xf32, #tpu.memory_space<vmem>>[vector<16xi32>, vector<16xi32>, vector<16xi32>, vector<16xi32>], vector<16xf32>,
      %parallel_loop3A_427 = arith.index_cast %parallel_loop3A_408 : i32 to index
      %parallel_loop3A_428 = arith.constant 48 : index
      %parallel_loop3A_429 = tpu.vector_load %arg7[%parallel_loop3A_427, %parallel_loop3A_428] {strides = array<i32>} : memref<256x64xf32, #tpu.memory_space<vmem>>, vector<16xf32>,
      %parallel_loop3A_430 = arith.constant 8.000000e+00 : f32
      %parallel_loop3A_431 = vector.broadcast %parallel_loop3A_430 : f32 to vector<16xf32>
      %parallel_loop3A_432 = arith.mulf %parallel_loop3A_429, %parallel_loop3A_431 : vector<16xf32>
      tpu.vector_store_idx %arg9[%add3A_130, %parallel_loop3A_406, %select_n3A_150, %parallel_loop3A_376], %parallel_loop3A_432 : memref<8x2x12x129xf32, #tpu.memory_space<vmem>>[vector<16xi32>, vector<16xi32>, vector<16xi32>, vector<16xi32>], vector<16xf32>,
    } {sc.loop_unroll_factor = 2 : i64, sc.parallel_access}
    %add3A_234 = arith.constant 256 : i32
    %add3A_235 = arith.addi %mul3A_2, %add3A_234 : i32
    %jit3A_236 = arith.constant 128 : i32
    %div3A_237 = arith.divsi %add3A_235, %jit3A_236 : i32
    %sign3A_238 = arith.constant 0 : i32
    %sign3A_239 = arith.cmpi sgt, %add3A_235, %sign3A_238 : i32
    %sign3A_240 = arith.extui %sign3A_239 : i1 to i32
    %sign3A_241 = arith.constant 0 : i32
    %sign3A_242 = arith.cmpi slt, %add3A_235, %sign3A_241 : i32
    %sign3A_243 = arith.extui %sign3A_242 : i1 to i32
    %sign3A_244 = arith.subi %sign3A_240, %sign3A_243 : i32
    %sign3A_245 = arith.constant 0 : i32
    %sign3A_246 = arith.cmpi sgt, %jit3A_236, %sign3A_245 : i32
    %sign3A_247 = arith.extui %sign3A_246 : i1 to i32
    %sign3A_248 = arith.constant 0 : i32
    %sign3A_249 = arith.cmpi slt, %jit3A_236, %sign3A_248 : i32
    %sign3A_250 = arith.extui %sign3A_249 : i1 to i32
    %sign3A_251 = arith.subi %sign3A_247, %sign3A_250 : i32
    %ne3A_252 = arith.cmpi ne, %sign3A_244, %sign3A_251 : i32
    %rem3A_253 = arith.remsi %add3A_235, %jit3A_236 : i32
    %ne3A_254 = arith.constant 0 : i32
    %ne3A_255 = arith.cmpi ne, %rem3A_253, %ne3A_254 : i32
    %and3A_256 = arith.andi %ne3A_252, %ne3A_255 : i1
    %sub3A_257 = arith.constant 1 : i32
    %sub3A_258 = arith.subi %div3A_237, %sub3A_257 : i32
    %select_n3A_259 = arith.select %and3A_256, %sub3A_258, %div3A_237 : i32
    %dma_start3A_260 = arith.constant 49 : i32
    %dma_start3A_261 = arith.constant 0 : i32
    %dma_start3A_262 = arith.constant 0 : i32
    %dma_start3A_263 = arith.constant 0 : i32
    %dma_start3A_264 = arith.constant 0 : i32
    %dma_start3A_265 = tpu.memref_slice %arg9[%dma_start3A_261, %dma_start3A_262, %dma_start3A_263, %dma_start3A_264] : memref<8x2x12x129xf32, #tpu.memory_space<vmem>> -> memref<8x2x8x128xf32, #tpu.memory_space<vmem>>
    %dma_start3A_266 = arith.constant 0 : i32
    %dma_start3A_267 = arith.constant 0 : i32
    %dma_start3A_268 = arith.constant 0 : i32
    %dma_start3A_269 = tpu.memref_slice %arg4[%dma_start3A_260, %dma_start3A_266, %select_n3A_259, %dma_start3A_267, %dma_start3A_268] : memref<50x8x128x8x128xf32, #tpu.memory_space<hbm>> -> memref<1x8x2x8x128xf32, #tpu.memory_space<hbm>>
    %dma_start3A_270 = tpu.memref_squeeze %dma_start3A_269 : memref<1x8x2x8x128xf32, #tpu.memory_space<hbm>> -> memref<8x2x8x128xf32, #tpu.memory_space<hbm>>
    %dma_start3A_271 = arith.constant 0 : i32
    %dma_start3A_272 = arith.constant 0 : i32
    %dma_start3A_273 = arith.constant 0 : i32
    %dma_start3A_274 = tpu.memref_slice %arg4[%dma_start3A_260, %dma_start3A_271, %select_n3A_259, %dma_start3A_272, %dma_start3A_273] : memref<50x8x128x8x128xf32, #tpu.memory_space<hbm>> -> memref<1x8x2x8x128xf32, #tpu.memory_space<hbm>>
    %dma_start3A_275 = tpu.memref_squeeze %dma_start3A_274 : memref<1x8x2x8x128xf32, #tpu.memory_space<hbm>> -> memref<8x2x8x128xf32, #tpu.memory_space<hbm>>
    %dma_start3A_276 = arith.constant 0 : i32
    %dma_start3A_277 = arith.constant 0 : i32
    %dma_start3A_278 = arith.constant 0 : i32
    %dma_start3A_279 = arith.constant 0 : i32
    %dma_start3A_280 = tpu.memref_slice %arg9[%dma_start3A_276, %dma_start3A_277, %dma_start3A_278, %dma_start3A_279] : memref<8x2x12x129xf32, #tpu.memory_space<vmem>> -> memref<8x2x8x128xf32, #tpu.memory_space<vmem>>
    tpu.enqueue_dma source(%dma_start3A_280 : memref<8x2x8x128xf32, #tpu.memory_space<vmem>>) target(%dma_start3A_275 : memref<8x2x8x128xf32, #tpu.memory_space<hbm>>) target_semaphore(%arg13 : memref<!tpu.dma_semaphore, #tpu.memory_space<semaphore_mem>>)
    %add3A_281 = arith.constant 0 : i32
    %add3A_282 = arith.addi %mul3A_2, %add3A_281 : i32
    %jit3A_283 = arith.constant 128 : i32
    %div3A_284 = arith.divsi %add3A_282, %jit3A_283 : i32
    %sign3A_285 = arith.constant 0 : i32
    %sign3A_286 = arith.cmpi sgt, %add3A_282, %sign3A_285 : i32
    %sign3A_287 = arith.extui %sign3A_286 : i1 to i32
    %sign3A_288 = arith.constant 0 : i32
    %sign3A_289 = arith.cmpi slt, %add3A_282, %sign3A_288 : i32
    %sign3A_290 = arith.extui %sign3A_289 : i1 to i32
    %sign3A_291 = arith.subi %sign3A_287, %sign3A_290 : i32
    %sign3A_292 = arith.constant 0 : i32
    %sign3A_293 = arith.cmpi sgt, %jit3A_283, %sign3A_292 : i32
    %sign3A_294 = arith.extui %sign3A_293 : i1 to i32
    %sign3A_295 = arith.constant 0 : i32
    %sign3A_296 = arith.cmpi slt, %jit3A_283, %sign3A_295 : i32
    %sign3A_297 = arith.extui %sign3A_296 : i1 to i32
    %sign3A_298 = arith.subi %sign3A_294, %sign3A_297 : i32
    %ne3A_299 = arith.cmpi ne, %sign3A_291, %sign3A_298 : i32
    %rem3A_300 = arith.remsi %add3A_282, %jit3A_283 : i32
    %ne3A_301 = arith.constant 0 : i32
    %ne3A_302 = arith.cmpi ne, %rem3A_300, %ne3A_301 : i32
    %and3A_303 = arith.andi %ne3A_299, %ne3A_302 : i1
    %sub3A_304 = arith.constant 1 : i32
    %sub3A_305 = arith.subi %div3A_284, %sub3A_304 : i32
    %select_n3A_306 = arith.select %and3A_303, %sub3A_305, %div3A_284 : i32
    %dma_wait3A_307 = arith.constant 49 : i32
    %dma_wait3A_308 = arith.constant 0 : i32
    %dma_wait3A_309 = arith.constant 0 : i32
    %dma_wait3A_310 = arith.constant 0 : i32
    %dma_wait3A_311 = arith.constant 0 : i32
    %dma_wait3A_312 = tpu.memref_slice %arg8[%dma_wait3A_308, %dma_wait3A_309, %dma_wait3A_310, %dma_wait3A_311] : memref<8x2x12x129xf32, #tpu.memory_space<vmem>> -> memref<8x2x8x128xf32, #tpu.memory_space<vmem>>
    %dma_wait3A_313 = arith.constant 0 : i32
    %dma_wait3A_314 = arith.constant 0 : i32
    %dma_wait3A_315 = arith.constant 0 : i32
    %dma_wait3A_316 = tpu.memref_slice %arg4[%dma_wait3A_307, %dma_wait3A_313, %select_n3A_306, %dma_wait3A_314, %dma_wait3A_315] : memref<50x8x128x8x128xf32, #tpu.memory_space<hbm>> -> memref<1x8x2x8x128xf32, #tpu.memory_space<hbm>>
    %dma_wait3A_317 = tpu.memref_squeeze %dma_wait3A_316 : memref<1x8x2x8x128xf32, #tpu.memory_space<hbm>> -> memref<8x2x8x128xf32, #tpu.memory_space<hbm>>
    %dma_wait3A_318 = arith.constant 0 : i32
    %dma_wait3A_319 = arith.constant 0 : i32
    %dma_wait3A_320 = arith.constant 0 : i32
    %dma_wait3A_321 = tpu.memref_slice %arg4[%dma_wait3A_307, %dma_wait3A_318, %select_n3A_306, %dma_wait3A_319, %dma_wait3A_320] : memref<50x8x128x8x128xf32, #tpu.memory_space<hbm>> -> memref<1x8x2x8x128xf32, #tpu.memory_space<hbm>>
    %dma_wait3A_322 = tpu.memref_squeeze %dma_wait3A_321 : memref<1x8x2x8x128xf32, #tpu.memory_space<hbm>> -> memref<8x2x8x128xf32, #tpu.memory_space<hbm>>
    %dma_wait3A_323 = arith.constant 0 : i32
    %dma_wait3A_324 = arith.constant 0 : i32
    %dma_wait3A_325 = arith.constant 0 : i32
    %dma_wait3A_326 = arith.constant 0 : i32
    %dma_wait3A_327 = tpu.memref_slice %arg8[%dma_wait3A_323, %dma_wait3A_324, %dma_wait3A_325, %dma_wait3A_326] : memref<8x2x12x129xf32, #tpu.memory_space<vmem>> -> memref<8x2x8x128xf32, #tpu.memory_space<vmem>>
    tpu.wait_dma2 semaphore(%arg12 : memref<!tpu.dma_semaphore, #tpu.memory_space<semaphore_mem>>) src(%dma_wait3A_327 : memref<8x2x8x128xf32, #tpu.memory_space<vmem>>) dst(%dma_wait3A_322 : memref<8x2x8x128xf32, #tpu.memory_space<hbm>>)
    %add3A_328 = arith.constant 256 : i32
    %add3A_329 = arith.addi %mul3A_2, %add3A_328 : i32
    %jit3A_330 = arith.constant 128 : i32
    %div3A_331 = arith.divsi %add3A_329, %jit3A_330 : i32
    %sign3A_332 = arith.constant 0 : i32
    %sign3A_333 = arith.cmpi sgt, %add3A_329, %sign3A_332 : i32
    %sign3A_334 = arith.extui %sign3A_333 : i1 to i32
    %sign3A_335 = arith.constant 0 : i32
    %sign3A_336 = arith.cmpi slt, %add3A_329, %sign3A_335 : i32
    %sign3A_337 = arith.extui %sign3A_336 : i1 to i32
    %sign3A_338 = arith.subi %sign3A_334, %sign3A_337 : i32
    %sign3A_339 = arith.constant 0 : i32
    %sign3A_340 = arith.cmpi sgt, %jit3A_330, %sign3A_339 : i32
    %sign3A_341 = arith.extui %sign3A_340 : i1 to i32
    %sign3A_342 = arith.constant 0 : i32
    %sign3A_343 = arith.cmpi slt, %jit3A_330, %sign3A_342 : i32
    %sign3A_344 = arith.extui %sign3A_343 : i1 to i32
    %sign3A_345 = arith.subi %sign3A_341, %sign3A_344 : i32
    %ne3A_346 = arith.cmpi ne, %sign3A_338, %sign3A_345 : i32
    %rem3A_347 = arith.remsi %add3A_329, %jit3A_330 : i32
    %ne3A_348 = arith.constant 0 : i32
    %ne3A_349 = arith.cmpi ne, %rem3A_347, %ne3A_348 : i32
    %and3A_350 = arith.andi %ne3A_346, %ne3A_349 : i1
    %sub3A_351 = arith.constant 1 : i32
    %sub3A_352 = arith.subi %div3A_331, %sub3A_351 : i32
    %select_n3A_353 = arith.select %and3A_350, %sub3A_352, %div3A_331 : i32
    %dma_wait3A_354 = arith.constant 49 : i32
    %dma_wait3A_355 = arith.constant 0 : i32
    %dma_wait3A_356 = arith.constant 0 : i32
    %dma_wait3A_357 = arith.constant 0 : i32
    %dma_wait3A_358 = arith.constant 0 : i32
    %dma_wait3A_359 = tpu.memref_slice %arg9[%dma_wait3A_355, %dma_wait3A_356, %dma_wait3A_357, %dma_wait3A_358] : memref<8x2x12x129xf32, #tpu.memory_space<vmem>> -> memref<8x2x8x128xf32, #tpu.memory_space<vmem>>
    %dma_wait3A_360 = arith.constant 0 : i32
    %dma_wait3A_361 = arith.constant 0 : i32
    %dma_wait3A_362 = arith.constant 0 : i32
    %dma_wait3A_363 = tpu.memref_slice %arg4[%dma_wait3A_354, %dma_wait3A_360, %select_n3A_353, %dma_wait3A_361, %dma_wait3A_362] : memref<50x8x128x8x128xf32, #tpu.memory_space<hbm>> -> memref<1x8x2x8x128xf32, #tpu.memory_space<hbm>>
    %dma_wait3A_364 = tpu.memref_squeeze %dma_wait3A_363 : memref<1x8x2x8x128xf32, #tpu.memory_space<hbm>> -> memref<8x2x8x128xf32, #tpu.memory_space<hbm>>
    %dma_wait3A_365 = arith.constant 0 : i32
    %dma_wait3A_366 = arith.constant 0 : i32
    %dma_wait3A_367 = arith.constant 0 : i32
    %dma_wait3A_368 = tpu.memref_slice %arg4[%dma_wait3A_354, %dma_wait3A_365, %select_n3A_353, %dma_wait3A_366, %dma_wait3A_367] : memref<50x8x128x8x128xf32, #tpu.memory_space<hbm>> -> memref<1x8x2x8x128xf32, #tpu.memory_space<hbm>>
    %dma_wait3A_369 = tpu.memref_squeeze %dma_wait3A_368 : memref<1x8x2x8x128xf32, #tpu.memory_space<hbm>> -> memref<8x2x8x128xf32, #tpu.memory_space<hbm>>
    %dma_wait3A_370 = arith.constant 0 : i32
    %dma_wait3A_371 = arith.constant 0 : i32
    %dma_wait3A_372 = arith.constant 0 : i32
    %dma_wait3A_373 = arith.constant 0 : i32
    %dma_wait3A_374 = tpu.memref_slice %arg9[%dma_wait3A_370, %dma_wait3A_371, %dma_wait3A_372, %dma_wait3A_373] : memref<8x2x12x129xf32, #tpu.memory_space<vmem>> -> memref<8x2x8x128xf32, #tpu.memory_space<vmem>>
    tpu.wait_dma2 semaphore(%arg13 : memref<!tpu.dma_semaphore, #tpu.memory_space<semaphore_mem>>) src(%dma_wait3A_374 : memref<8x2x8x128xf32, #tpu.memory_space<vmem>>) dst(%dma_wait3A_369 : memref<8x2x8x128xf32, #tpu.memory_space<hbm>>)
    return
  }
}

</mosaic_0001>

<sc_bundles>
// kernel: kernel.3.cloned.1.call-start
scs
__scs_entry_jumppad:
0x0: {  	(pc) =	sbr.rel $0x88, $3  }
0x1: {  	(tag) =	ssettag $0x0;
	lr =	simm.s32 $0x1  }
0x2: {  	[smem:$0x3F9F] =	sst lr;
	_ =	strace $0xD0000000  }
0x3: {  	_ = 	snop  }
0x4: {  	_ = 	snop  }
0x5: {  	_ = 	snop  }
0x6: {  	_ = 	snop  }
0x7: {  	_ = 	snop  }
__scs_overlays_trampoline_lowered:
0x8: {  	[smem:$0x3FAE] =	sst s0  }
0x9: {  	[smem:$0x3FAF] =	sst s1  }
0xa: {  	[smem:$0x3FB0] =	sst s2  }
0xb: {  	[smem:$0x3FB1] =	sst s3  }
0xc: {  	[smem:$0x3FB2] =	sst s4  }
0xd: {  	[smem:$0x3FB3] =	sst s5  }
0xe: {  	[smem:$0x3FB4] =	sst s6  }
0xf: {  	[smem:$0x3FB5] =	sst s7  }
0x10: {  	[smem:$0x3FB6] =	sst s8  }
0x11: {  	[smem:$0x3FB7] =	sst s9;
	s0 =	simm.s32 @!p0 $0x0  }
0x12: {  	s1 =	sld [smem:$0x3F9D];
	s0 =	simm.s32 @p0 $0x1  }
0x13: {  	[smem:$0x3FB8] =	sst s0;
	s0 =	simm.s32 @!p1 $0x0  }
0x14: {  	s2 =	sld [smem:$0x3F9C];
	s0 =	simm.s32 @p1 $0x1  }
0x15: {  	[smem:$0x3FB9] =	sst s0;
	s0 =	simm.s32 @!p2 $0x0  }
0x16: {  	s3 =	sld [smem:$0x3FDB];
	s0 =	simm.s32 @p2 $0x1  }
0x17: {  	s4 =	simm.s32 $0x1BF5;
	[smem:$0x3FBB] =	sst s0  }
0x18: {  	s0 =	sld [smem:$0x3F9E];
	_ =	swait.ge [sflag:s4], $0x0  }
0x19: {  	s7 =	sld [smem:$0x3F9F]  }
0x1a: {  	s8 =	sadd.s32 $0xFFFFE003, lr  }
0x1b: {  	s9 =	sadd.s32 $0xFFFFFEF7, lr;
	s5 =	simm.s32 $0xFFFFFFFF;
	p2 =	slt.u32 s8, $0xFFFFF086  }
0x1c: {  	p1 =	slt.u32 s9, $0xF7A;
	s5 =	simm.s32 @!p2 $0x0  }
0x1d: {  	s5 =	simm.s32 @p1 $0x1;
	p0 =	seq.s32 s7, s2  }
0x1e: {  	s7 =	smul.u32 @!p0 $0xF7A, s2;
	p2 =	seq.s32 @!p0 s5, $0x0  }
0x1f: {  	s9 =	smul.u32 $0xF7A, s1;
	s8 =	simm.s32 @!p0 $0x1BF5;
	p2 =	por !p2, p0  }
0x20: {  	[sflag:s8] =	ssyncset.s32 @!p0 $0xFFFFF086;
	s6 =	sadd.s32 @!p0 s3, s7;
	s7 =	simm.s32 @!p0 $0x108  }
0x21: {  	s3 =	sadd.s32 s3, s9;
	s6 =	sadd.s32 @!p0 $0x88, s6;
	s7 =	simm.s32 @p2 $0x1082  }
0x22: {  	[simem:s7], [sflag:s8] =	dma.local @!p0 [hbm:s6], $0xF7A  }
0x23: {  	s9 =	sor.u32 $0xD0000000, s2;
	s6 =	simm.s32 $0x108;
	_ =	swait.ge @!p0 [sflag:s8], $0x0  }
0x24: {  	s3 =	sadd.s32 $0x88, s3;
	s6 =	simm.s32 @!p1 $0x1082;
	[sflag:s4] =	ssyncset.s32 $0xFFFFF086  }
0x25: {  	[simem:s6], [sflag:s4] =	dma.local [hbm:s3], $0xF7A  }
0x26: {  	[smem:$0x3F9F] =	sst s1;
	(tag) =	ssettag s2;
	_ =	strace s9  }
0x27: {  	s1 =	sld [smem:$0x3FAF]  }
0x28: {  	s2 =	sld [smem:$0x3FB0]  }
0x29: {  	s4 =	sld [smem:$0x3FB2]  }
0x2a: {  	p0 =	seq.s32 s5, $0x0;
	s5 =	sld [smem:$0x3FB3]  }
0x2b: {  	s6 =	sld [smem:$0x3FB4]  }
0x2c: {  	s7 =	sld [smem:$0x3FB5]  }
0x2d: {  	s3 =	simm.s32 $0x108;
	s8 =	sld [smem:$0x3FB6]  }
0x2e: {  	s3 =	simm.s32 @!p0 $0x1082;
	s9 =	sld [smem:$0x3FB7]  }
0x2f: {  	lr =	sadd.s32 s0, s3;
	s0 =	sld [smem:$0x3FAE]  }
0x30: {  	s3 =	sld [smem:$0x3FB1]  }
0x31: {  	[smem:$0x3FBA] =	sst s10  }
0x32: {  	s10 =	sld [smem:$0x3FB8];
	_ =	sdelay $0x3  }
0x33: {  	p0 =	seq.s32 s10, $0x1;
	s10 =	sld [smem:$0x3FBA];
	_ =	sdelay $0x3  }
0x34: {  	[smem:$0x3FBA] =	sst s10  }
0x35: {  	s10 =	sld [smem:$0x3FB9];
	_ =	sdelay $0x3  }
0x36: {  	p1 =	seq.s32 s10, $0x1;
	s10 =	sld [smem:$0x3FBA];
	_ =	sdelay $0x3  }
0x37: {  	[smem:$0x3FBA] =	sst s10  }
0x38: {  	s10 =	sld [smem:$0x3FBB]  }
0x39: {  	_ = 	snop;
	(pc) =	sbr.ind lr, $3  }
0x3a: {  	_ = 	snop  }
0x3b: {  	_ = 	snop  }
0x3c: {  	p2 =	seq.s32 s10, $0x1;
	s10 =	sld [smem:$0x3FBA]  }
0x3d: {  	_ =	shalt  }
0x3e: {  	_ =	shalt  }
0x3f: {  	_ =	shalt  }
0x40: {  	_ =	shalt  }
0x41: {  	_ =	shalt  }
0x42: {  	_ =	shalt  }
0x43: {  	_ =	shalt  }
0x44: {  	_ =	shalt  }
0x45: {  	_ =	shalt  }
0x46: {  	_ =	shalt  }
0x47: {  	_ =	shalt  }
0x48: {  	_ =	shalt  }
0x49: {  	_ =	shalt  }
0x4a: {  	_ =	shalt  }
0x4b: {  	_ =	shalt  }
0x4c: {  	_ =	shalt  }
0x4d: {  	_ =	shalt  }
0x4e: {  	_ =	shalt  }
0x4f: {  	_ =	shalt  }
0x50: {  	_ =	shalt  }
0x51: {  	_ =	shalt  }
0x52: {  	_ =	shalt  }
0x53: {  	_ =	shalt  }
0x54: {  	_ =	shalt  }
0x55: {  	_ =	shalt  }
0x56: {  	_ =	shalt  }
0x57: {  	_ =	shalt  }
0x58: {  	_ =	shalt  }
0x59: {  	_ =	shalt  }
0x5a: {  	_ =	shalt  }
0x5b: {  	_ =	shalt  }
0x5c: {  	_ =	shalt  }
0x5d: {  	_ =	shalt  }
0x5e: {  	_ =	shalt  }
0x5f: {  	_ =	shalt  }
0x60: {  	_ =	shalt  }
0x61: {  	_ =	shalt  }
0x62: {  	_ =	shalt  }
0x63: {  	_ =	shalt  }
0x64: {  	_ =	shalt  }
0x65: {  	_ =	shalt  }
0x66: {  	_ =	shalt  }
0x67: {  	_ =	shalt  }
0x68: {  	_ =	shalt  }
0x69: {  	_ =	shalt  }
0x6a: {  	_ =	shalt  }
0x6b: {  	_ =	shalt  }
0x6c: {  	_ =	shalt  }
0x6d: {  	_ =	shalt  }
0x6e: {  	_ =	shalt  }
0x6f: {  	_ =	shalt  }
0x70: {  	_ =	shalt  }
0x71: {  	_ =	shalt  }
0x72: {  	_ =	shalt  }
0x73: {  	_ =	shalt  }
0x74: {  	_ =	shalt  }
0x75: {  	_ =	shalt  }
0x76: {  	_ =	shalt  }
0x77: {  	_ =	shalt  }
0x78: {  	_ =	shalt  }
0x79: {  	_ =	shalt  }
0x7a: {  	_ =	shalt  }
0x7b: {  	_ =	shalt  }
0x7c: {  	_ =	shalt  }
0x7d: {  	_ =	shalt  }
0x7e: {  	_ =	shalt  }
0x7f: {  	_ =	shalt  }
0x80: {  	_ =	shalt  }
0x81: {  	_ =	shalt  }
0x82: {  	_ =	shalt  }
0x83: {  	_ =	shalt  }
0x84: {  	_ =	shalt  }
0x85: {  	_ =	shalt  }
0x86: {  	_ =	shalt  }
0x87: {  	_ =	shalt  }
.Lfunc_end0:
.L_simem_size_0:
called_computation_lowered:
.L_overlay_start_0:
0x88: {  	s2 =	sld [smem:$0x3FD9]  }
0x89: {  	s3 =	sld [smem:$0x3FFE];
	_ =	sdelay $0x1  }
0x8a: {  	s1 =	srdreg.scid  }
0x8b: {  	s0 =	sand.u32 $0x1, s1  }
0x8c: {  	s17 =	sshll.u32 s0, $0xA;
	s2 =	sadd.s32 s3, s2  }
0x8d: {  	s2 =	sadd.s32 s2, s17  }
0x8e: {  	[smem:$0x3FC6] =	sst s2  }
0x8f: {  	_ = 	snop  }
0x90: {  	s2 =	sld [smem:$0x3FD0];
	(tm) =	ssettm $0x1  }
0x91: {  	s18 =	sld [smem:$0x3FFB];
	_ =	sdelay $0x3  }
0x92: {  	_ =	strace s18  }
0x93: {  	s3 =	sld [smem:$0x3FFC];
	_ =	sdelay $0x3  }
0x94: {  	_ =	strace s3  }
0x95: {  	s3 =	sld [smem:$0x3FFD];
	_ =	sdelay $0x3  }
0x96: {  	_ =	strace s3  }
0x97: {  	_ =	strace $0x8FFFFFFF  }
0x98: {  	s19 =	sld [smem:$0x3FDB];
	_ =	sdelay $0x1  }
0x99: {  	s4 =	simm.s32 $_scs_section_size  }
0x9a: {  	s5 =	simm.s32 $_size__tile_overlayer_lowered;
	s6 =	simm.s32 $_tile_overlayer_lowered  }
0x9b: {  	s22 =	simm.s32 $0x1BFF;
	s21 =	sshll.u32 s6, $0x1;
	s3 =	sadd.s32 s4, s19  }
0x9c: {  	s7 =	simm.s32 $0x0;
	s20 =	sshll.u32 s5, $0x1;
	s5 =	sadd.s32 s21, s3  }
0x9d: {  	[timem:s7], [sflag:s22] =	dma.local [hbm:s5], s20  }
0x9e: {  	_ =	swait.ge [sflag:s22], s20  }
0x9f: {  	s4 =	ssub.s32 $0x0, s20;
	[sflag:s22] =	ssyncset.done $0x0  }
0xa0: {  	[sflag:s22] =	ssyncadd.s32 s4;
	_ =	sdelay $0x1  }
0xa1: {  	s23 =	simm.s32 $0x1B8B  }
0xa2: {  	_ =	swait.ge [sflag:s23], $0x1  }
0xa3: {  	[sflag:s23] =	ssyncset.done $0x0  }
0xa4: {  	s25 =	simm.s32 $0x1B8E;
	s24 =	sld [smem:$0x3FFE];
	[sflag:s23] =	ssyncadd.s32 $0xFFFFFFFF  }
0xa5: {  	s26 =	simm.s32 $execute0_lowered;
	[smem:$0x3FD2] =	sst s25  }
0xa6: {  	s5 =	sshll.u32 s26, $0x1;
	_ =	strace $0x80000046;
	[dreg:$0x1] =	wrdreg $0xFFFFFFFF  }
0xa7: {  	s28 =	simm.s32 $_size_execute0_lowered;
	s3 =	sadd.s32 s3, s5;
	[dreg:$0x0] =	wrdreg $0x0  }
0xa8: {  	s5 =	sshll.u32 s28, $0x1;
	[dreg:$0x2] =	wrdreg s3  }
0xa9: {  	[dreg:$0x3] =	wrdreg s5  }
0xaa: {  	[dreg:$0x4] =	wrdreg $0xC0  }
0xab: {  	_ =	task [dreg:s7], $0x5FFFF  }
0xac: {  	[dreg:$0x1] =	wrdreg $0xFFFFFFFF  }
0xad: {  	[dreg:$0x0] =	wrdreg $0x60  }
0xae: {  	[dreg:$0x2] =	wrdreg s24  }
0xaf: {  	[dreg:$0x3] =	wrdreg s2  }
0xb0: {  	[dreg:$0x4] =	wrdreg $0x9  }
0xb1: {  	_ =	task.clear_ibuf [dreg:s7], $0x5FFFF;
	_ =	strace $0x90000046  }
0xb2: {  	s29 =	simm.s32 $0x9;
	_ =	strace $0x80000048  }
0xb3: {  	_ =	swait.ge [sflag:s29], $0x1  }
0xb4: {  	[sflag:s29] =	ssyncadd.s32 $0xFFFFFFFF  }
0xb5: {  	_ =	strace $0x90000048  }
0xb6: {  	_ =	sfence  }
0xb7: {  	s30 =	sld [smem:$0x0];
	_ =	sdelay $0x2  }
0xb8: {  	s31 =	sshll.u32 s1, $0xD;
	s1 =	sshrl.u32 s1, $0x2  }
0xb9: {  	s3 =	sand.u32 $0x4000, s31;
	s1 =	sadd.s32 s1, s30  }
0xba: {  	s0 =	sor.u32 s3, s0;
	s1 =	sshll.u32 s1, $0x11  }
0xbb: {  	s0 =	sor.u32 s1, s0  }
0xbc: {  	s0 =	sadd.s32 $0x8F2B, s0  }
0xbd: {  	[sflag:s0] =	ssyncadd.remote.s32 $0x1  }
0xbe: {  	_ =	sfence.sel $0xFFFF  }
0xbf: {  	[dreg:$0x0] =	wrdreg $0xFFFFFFFF;
	(pc) =	sbr.abs _section_cstart, $3  }
0xc0: {  	[dreg:$0x1] =	wrdreg $0xFFFFFFFF  }
0xc1: {  	_ =	task.clear_ibuf [dreg:s7], $0x2FFFF;
	_ =	strace $0x9FFFFFFF  }
0xc2: {  	(tm) =	ssettm $0x7FFFFFFF  }
0xc3: {  	_ =	shalt  }
tec
execute0_lowered:
.L_overlay_start_1:
0x0: {  	(tag) =	ssettag $0x1  }
0x1: {  	v0 =	vimm.s32 $0x1078;
	vm14 =	vcmask $0x300  }
0x2: {  	v1 =	vimm.s32 $0x29F8;
	vm13 =	vcmask $0x704;
	vm12 =	vcmask $0xB08  }
0x3: {  	vm11 =	vcmask $0xF0C;
	vm10 =	vcmask $0x1310;
	vm9 =	vcmask $0x1714  }
0x4: {  	vm8 =	vcmask $0x1B18;
	vm7 =	vcmask $0x1F1C;
	vm6 =	vcmask $0x2320  }
0x5: {  	vm5 =	vcmask $0x2724;
	vm4 =	vcmask $0x2B28;
	vm3 =	vcmask $0x2F2C  }
0x6: {  	vm2 =	vcmask $0x3330;
	vm1 =	vcmask $0x3734;
	vm0 =	vcmask $0x3B38  }
0x7: {  	v2 =	vimm.s32 $0x4378;
	v3 =	vimm.s32 $0x5CF8;
	v4 =	vimm.s32 $0x16D8  }
0x8: {  	v5 =	vimm.s32 $0x3058;
	v6 =	vimm.s32 $0x49D8;
	v7 =	vimm.s32 $0x6358  }
0x9: {  	v0 =	vsel vm14, $0x0, v0;
	v1 =	vsel vm14, $0x1980, v1;
	v2 =	vsel vm14, $0x3300, v2  }
0xa: {  	v3 =	vsel vm14, $0x4C80, v3;
	v4 =	vsel vm14, $0x660, v4;
	v5 =	vsel vm14, $0x1FE0, v5  }
0xb: {  	v6 =	vsel vm14, $0x3960, v6;
	v7 =	vsel vm14, $0x52E0, v7;
	v0 =	vsel vm13, $0x88, v0  }
0xc: {  	v1 =	vsel vm13, $0x1A08, v1;
	v2 =	vsel vm13, $0x3388, v2;
	v3 =	vsel vm13, $0x4D08, v3  }
0xd: {  	v4 =	vsel vm13, $0x6E8, v4;
	v5 =	vsel vm13, $0x2068, v5;
	v6 =	vsel vm13, $0x39E8, v6  }
0xe: {  	v7 =	vsel vm13, $0x5368, v7;
	v0 =	vsel vm12, $0x110, v0;
	v1 =	vsel vm12, $0x1A90, v1  }
0xf: {  	v2 =	vsel vm12, $0x3410, v2;
	v3 =	vsel vm12, $0x4D90, v3;
	v4 =	vsel vm12, $0x770, v4  }
0x10: {  	v5 =	vsel vm12, $0x20F0, v5;
	v6 =	vsel vm12, $0x3A70, v6;
	v7 =	vsel vm12, $0x53F0, v7  }
0x11: {  	v0 =	vsel vm11, $0x198, v0;
	v1 =	vsel vm11, $0x1B18, v1;
	v2 =	vsel vm11, $0x3498, v2  }
0x12: {  	v3 =	vsel vm11, $0x4E18, v3;
	v4 =	vsel vm11, $0x7F8, v4;
	v5 =	vsel vm11, $0x2178, v5  }
0x13: {  	v6 =	vsel vm11, $0x3AF8, v6;
	v7 =	vsel vm11, $0x5478, v7;
	v0 =	vsel vm10, $0x220, v0  }
0x14: {  	v1 =	vsel vm10, $0x1BA0, v1;
	v2 =	vsel vm10, $0x3520, v2;
	v3 =	vsel vm10, $0x4EA0, v3  }
0x15: {  	v4 =	vsel vm10, $0x880, v4;
	v5 =	vsel vm10, $0x2200, v5;
	v6 =	vsel vm10, $0x3B80, v6  }
0x16: {  	v7 =	vsel vm10, $0x5500, v7;
	v0 =	vsel vm9, $0x2A8, v0;
	v1 =	vsel vm9, $0x1C28, v1  }
0x17: {  	v2 =	vsel vm9, $0x35A8, v2;
	v3 =	vsel vm9, $0x4F28, v3;
	v4 =	vsel vm9, $0x908, v4  }
0x18: {  	v5 =	vsel vm9, $0x2288, v5;
	v6 =	vsel vm9, $0x3C08, v6;
	v7 =	vsel vm9, $0x5588, v7  }
0x19: {  	v0 =	vsel vm8, $0x330, v0;
	v1 =	vsel vm8, $0x1CB0, v1;
	v2 =	vsel vm8, $0x3630, v2  }
0x1a: {  	v3 =	vsel vm8, $0x4FB0, v3;
	v4 =	vsel vm8, $0x990, v4;
	v5 =	vsel vm8, $0x2310, v5  }
0x1b: {  	v6 =	vsel vm8, $0x3C90, v6;
	v7 =	vsel vm8, $0x5610, v7;
	v0 =	vsel vm7, $0x3B8, v0  }
0x1c: {  	v1 =	vsel vm7, $0x1D38, v1;
	v2 =	vsel vm7, $0x36B8, v2;
	v3 =	vsel vm7, $0x5038, v3  }
0x1d: {  	v4 =	vsel vm7, $0xA18, v4;
	v5 =	vsel vm7, $0x2398, v5;
	v6 =	vsel vm7, $0x3D18, v6  }
0x1e: {  	v7 =	vsel vm7, $0x5698, v7;
	v0 =	vsel vm6, $0xCC0, v0;
	v1 =	vsel vm6, $0x2640, v1  }
0x1f: {  	v2 =	vsel vm6, $0x3FC0, v2;
	v3 =	vsel vm6, $0x5940, v3;
	v4 =	vsel vm6, $0x1320, v4  }
0x20: {  	v5 =	vsel vm6, $0x2CA0, v5;
	v6 =	vsel vm6, $0x4620, v6;
	v7 =	vsel vm6, $0x5FA0, v7  }
0x21: {  	v0 =	vsel vm5, $0xD48, v0;
	v1 =	vsel vm5, $0x26C8, v1;
	v2 =	vsel vm5, $0x4048, v2  }
0x22: {  	v3 =	vsel vm5, $0x59C8, v3;
	v4 =	vsel vm5, $0x13A8, v4;
	v5 =	vsel vm5, $0x2D28, v5  }
0x23: {  	v6 =	vsel vm5, $0x46A8, v6;
	v7 =	vsel vm5, $0x6028, v7;
	v0 =	vsel vm4, $0xDD0, v0  }
0x24: {  	s0 =	rddreg [dreg:$0x0];
	v1 =	vsel vm4, $0x2750, v1;
	v2 =	vsel vm4, $0x40D0, v2;
	v3 =	vsel vm4, $0x5A50, v3  }
0x25: {  	s4 =	rddreg [dreg:$0x1];
	s3 =	srdreg.scid;
	v4 =	vsel vm4, $0x1430, v4;
	v5 =	vsel vm4, $0x2DB0, v5;
	v6 =	vsel vm4, $0x4730, v6  }
0x26: {  	s2 =	simm.s32 $0x0;
	s1 =	stileid.u32;
	s10 =	simm.s32 $0x200;
	v7 =	vsel vm4, $0x60B0, v7;
	v0 =	vsel vm3, $0xE58, v0;
	v1 =	vsel vm3, $0x27D8, v1  }
0x27: {  	s11 =	simm.s32 $0x4000;
	s12 =	simm.s32 $0x5;
	s13 =	simm.s32 $0x100;
	v2 =	vsel vm3, $0x4158, v2;
	v3 =	vsel vm3, $0x5AD8, v3;
	v4 =	vsel vm3, $0x14B8, v4  }
0x28: {  	s14 =	simm.s32 $0x6400;
	s15 =	simm.s32 $0xA400;
	s16 =	simm.s32 $0x1;
	v5 =	vsel vm3, $0x2E38, v5;
	v6 =	vsel vm3, $0x47B8, v6;
	v7 =	vsel vm3, $0x6138, v7  }
0x29: {  	s17 =	simm.s32 $0xE400;
	s18 =	simm.s32 $0x2;
	s19 =	simm.s32 $0x14A00;
	v0 =	vsel vm2, $0xEE0, v0;
	v1 =	vsel vm2, $0x2860, v1;
	v2 =	vsel vm2, $0x41E0, v2  }
0x2a: {  	s20 =	simm.s32 $0x3;
	s21 =	simm.s32 $0x4;
	s22 =	simm.s32 $0x0;
	v3 =	vsel vm2, $0x5B60, v3;
	v4 =	vsel vm2, $0x1540, v4;
	v5 =	vsel vm2, $0x2EC0, v5  }
0x2b: {  	s3 =	sand.u32 $0x1, s3;
	[smem:$0x7FF] =	sst s2;
	s5 =	sshll.u32 s1, $0xA;
	v6 =	vsel vm2, $0x4840, v6;
	v7 =	vsel vm2, $0x61C0, v7;
	v0 =	vsel vm1, $0xF68, v0  }
0x2c: {  	s6 =	sshll.u32 s3, $0x9;
	_ =	strace $0x80000047;
	s31 =	ssub.s32 $0x2, s3;
	v1 =	vsel vm1, $0x28E8, v1;
	v2 =	vsel vm1, $0x4268, v2;
	v3 =	vsel vm1, $0x5BE8, v3  }
0x2d: {  	s3 =	sadd.s32 $0xF42A00, s0;
	s5 =	sor.u32 s6, s5;
	s8 =	sshrl.u32 s31, $0x1;
	v4 =	vsel vm1, $0x15C8, v4;
	v5 =	vsel vm1, $0x2F48, v5;
	v6 =	vsel vm1, $0x48C8, v6  }
0x2e: {  	s7 =	sshrl.u32 s5, $0x3;
	s9 =	ssub.s32 s31, s8;
	s4 =	sadd.s32 s4, s5;
	v7 =	vsel vm1, $0x6248, v7;
	v0 =	vsel vm0, $0xFF0, v0;
	v1 =	vsel vm0, $0x2970, v1  }
0x2f: {  	s0 =	sadd.s32 s7, s0;
	s6 =	sadd.s32 $0x100, s4;
	s7 =	sadd.s32 $0x620000, s4;
	v2 =	vsel vm0, $0x42F0, v2;
	v3 =	vsel vm0, $0x5C70, v3;
	v4 =	vsel vm0, $0x1650, v4  }
0x30: {  	s8 =	sadd.s32 $0x620100, s4;
	s9 =	smax.u32 s9, $0x1;
	s5 =	sadd.s32 $0x600, s0;
	v5 =	vsel vm0, $0x2FD0, v5;
	v6 =	vsel vm0, $0x4950, v6;
	v7 =	vsel vm0, $0x62D0, v7  }
.LBB2_1:
0x31: {  	[tilespmem:s2], [sflag:$0x5] =	stream.strided.gather [hbm4b:s5+s10], $0x6400, s11, s10, $0x38;
	[tilespmem:$0x1B000] =	vst v63  }
0x32: {  	_ =	swait.ge [sflag:s12], $0x6400  }
0x33: {  	[sflag:s12] =	ssyncset.done $0x0  }
0x34: {  	[sflag:s12] =	ssyncadd.s32 $0xFFFF9C00  }
0x35: {  	[tilespmem:s14], [sflag:$0x1] =	stream.indirect.gather [hbm4b:s3+s13], $0x40, s2, s13, $0xb8;
	[tilespmem:$0x1B000] =	vst v63  }
0x36: {  	s23 =	simm.s32 $0x0  }
0x37: {  	[tilespmem:s15], [sflag:$0x2] =	stream.indirect.gather [hbm4b:s3+s13], $0x40, s13, s13, $0xb8;
	[tilespmem:$0x1B000] =	vst v63  }
.LBB2_2:
0x38: {  	_ =	swait.ge [sflag:s16], $0x4000  }
0x39: {  	[sflag:s16] =	ssyncset.done $0x0  }
0x3a: {  	s28 =	simm.s32 $0x8400;
	s0 =	simm.s32 $0x1;
	[sflag:s16] =	ssyncadd.s32 $0xFFFFC000  }
0x3b: {  	v8 =	vmov s0;
	v9 =	vld [tilespmem:s28+$0xFFFFE040]  }
0x3c: {  	v14 =	vand.u32 $0x7F, v8  }
0x3d: {  	v8 =	vadd.s32 v0, v14  }
0x3e: {  	s24 =	simm.s32 $0x0  }
0x3f: {  	v10 =	vmov s24;
	v11 =	vld [tilespmem:s28+$0xFFFFE000]  }
0x40: {  	v15 =	vand.u32 $0x7E, v10;
	v9 =	vmul.f32 $8.000000000e+00, v9  }
0x41: {  	v10 =	vadd.s32 v0, v15  }
0x42: {  	[tilespmem:v8+s17+$0x0] =	vst.idx.msk $0xffff, v9  }
0x43: {  	v8 =	vld [tilespmem:s28+$0xFFFFE050]  }
0x44: {  	v9 =	vmul.f32 $8.000000000e+00, v11  }
0x45: {  	v11 =	vadd.s32 v1, v14  }
0x46: {  	[tilespmem:v10+s17+$0x0] =	vst.idx.msk $0xffff, v9  }
0x47: {  	v9 =	vld [tilespmem:s28+$0xFFFFE010]  }
0x48: {  	v8 =	vmul.f32 $8.000000000e+00, v8  }
0x49: {  	s25 =	simm.s32 $0x3;
	s24 =	simm.s32 $0x8480;
	v10 =	vadd.s32 v1, v15  }
0x4a: {  	[tilespmem:v11+s17+$0x0] =	vst.idx.msk $0xffff, v8;
	v8 =	vmov s25;
	v11 =	vld [tilespmem:s24+$0xFFFFE040]  }
0x4b: {  	v8 =	vand.u32 $0x7F, v8;
	v12 =	vld [tilespmem:s28+$0xFFFFE060]  }
0x4c: {  	v9 =	vmul.f32 $8.000000000e+00, v9;
	v13 =	vadd.s32 v0, v8  }
0x4d: {  	s26 =	simm.s32 $0x2;
	v16 =	vadd.s32 v2, v14  }
0x4e: {  	[tilespmem:v10+s17+$0x0] =	vst.idx.msk $0xffff, v9;
	v9 =	vmov s26;
	v10 =	vld [tilespmem:s24+$0xFFFFE000]  }
0x4f: {  	v9 =	vand.u32 $0x7E, v9;
	v17 =	vld [tilespmem:s28+$0xFFFFE020];
	v11 =	vmul.f32 $8.000000000e+00, v11  }
0x50: {  	v18 =	vadd.s32 v0, v9;
	v12 =	vmul.f32 $8.000000000e+00, v12  }
0x51: {  	[tilespmem:v13+s17+$0x0] =	vst.idx.msk $0xffff, v11;
	v11 =	vadd.s32 v2, v15  }
0x52: {  	v13 =	vld [tilespmem:s24+$0xFFFFE050];
	[tilespmem:v16+s17+$0x0] =	vst.idx.msk $0xffff, v12  }
0x53: {  	v10 =	vmul.f32 $8.000000000e+00, v10;
	v12 =	vld [tilespmem:s28+$0xFFFFE070]  }
0x54: {  	v16 =	vadd.s32 v1, v8;
	v17 =	vmul.f32 $8.000000000e+00, v17  }
0x55: {  	[tilespmem:v18+s17+$0x0] =	vst.idx.msk $0xffff, v10;
	v10 =	vadd.s32 v3, v14  }
0x56: {  	v18 =	vld [tilespmem:s24+$0xFFFFE010];
	[tilespmem:v11+s17+$0x0] =	vst.idx.msk $0xffff, v17  }
0x57: {  	v11 =	vmul.f32 $8.000000000e+00, v13;
	v13 =	vld [tilespmem:s28+$0xFFFFE030]  }
0x58: {  	s1 =	simm.s32 $0x5;
	s25 =	simm.s32 $0x8500;
	v17 =	vadd.s32 v1, v9;
	v12 =	vmul.f32 $8.000000000e+00, v12  }
0x59: {  	v19 =	vld [tilespmem:s25+$0xFFFFE040];
	[tilespmem:v16+s17+$0x0] =	vst.idx.msk $0xffff, v11;
	v11 =	vadd.s32 v3, v15;
	v16 =	vmov s1  }
0x5a: {  	[tilespmem:v10+s17+$0x0] =	vst.idx.msk $0xffff, v12;
	v10 =	vand.u32 $0x7F, v16;
	v12 =	vld [tilespmem:s24+$0xFFFFE060]  }
0x5b: {  	v16 =	vmul.f32 $8.000000000e+00, v18;
	v18 =	vadd.s32 v0, v10;
	v20 =	vld [tilespmem:s28+$0x40]  }
0x5c: {  	s26 =	simm.s32 $0x4;
	v21 =	vadd.s32 v2, v8;
	v13 =	vmul.f32 $8.000000000e+00, v13  }
0x5d: {  	v22 =	vadd.s32 v4, v14;
	[tilespmem:v17+s17+$0x0] =	vst.idx.msk $0xffff, v16;
	v16 =	vmov s26;
	v17 =	vld [tilespmem:s25+$0xFFFFE000]  }
0x5e: {  	[tilespmem:v11+s17+$0x0] =	vst.idx.msk $0xffff, v13;
	v11 =	vand.u32 $0x7E, v16;
	v13 =	vmul.f32 $8.000000000e+00, v19;
	v16 =	vld [tilespmem:s24+$0xFFFFE020]  }
0x5f: {  	v19 =	vadd.s32 v0, v11;
	v12 =	vmul.f32 $8.000000000e+00, v12;
	v23 =	vld [tilespmem:s28+$0x0]  }
0x60: {  	[tilespmem:v18+s17+$0x0] =	vst.idx.msk $0xffff, v13;
	v13 =	vadd.s32 v2, v9;
	v18 =	vmul.f32 $8.000000000e+00, v20  }
0x61: {  	v20 =	vld [tilespmem:s25+$0xFFFFE050];
	[tilespmem:v21+s17+$0x0] =	vst.idx.msk $0xffff, v12;
	v12 =	vadd.s32 v4, v15  }
0x62: {  	v17 =	vmul.f32 $8.000000000e+00, v17;
	v21 =	vld [tilespmem:s24+$0xFFFFE070];
	[tilespmem:v22+s17+$0x0] =	vst.idx.msk $0xffff, v18  }
0x63: {  	v18 =	vadd.s32 v1, v10;
	v16 =	vmul.f32 $8.000000000e+00, v16;
	v22 =	vld [tilespmem:s28+$0x50]  }
0x64: {  	[tilespmem:v19+s17+$0x0] =	vst.idx.msk $0xffff, v17;
	v17 =	vadd.s32 v3, v8;
	v19 =	vmul.f32 $8.000000000e+00, v23  }
0x65: {  	v23 =	vld [tilespmem:s25+$0xFFFFE010];
	[tilespmem:v13+s17+$0x0] =	vst.idx.msk $0xffff, v16;
	v13 =	vadd.s32 v5, v14  }
0x66: {  	v16 =	vmul.f32 $8.000000000e+00, v20;
	v20 =	vld [tilespmem:s24+$0xFFFFE030];
	[tilespmem:v12+s17+$0x0] =	vst.idx.msk $0xffff, v19  }
0x67: {  	s1 =	simm.s32 $0x7;
	s26 =	simm.s32 $0x8580;
	v19 =	vadd.s32 v1, v11;
	v12 =	vmul.f32 $8.000000000e+00, v21;
	v21 =	vld [tilespmem:s28+$0x10]  }
0x68: {  	v24 =	vld [tilespmem:s26+$0xFFFFE040];
	[tilespmem:v18+s17+$0x0] =	vst.idx.msk $0xffff, v16;
	v16 =	vadd.s32 v3, v9;
	v18 =	vmul.f32 $8.000000000e+00, v22;
	v22 =	vmov s1  }
0x69: {  	[tilespmem:v17+s17+$0x0] =	vst.idx.msk $0xffff, v12;
	v17 =	vadd.s32 v5, v15;
	v12 =	vand.u32 $0x7F, v22;
	v22 =	vld [tilespmem:s25+$0xFFFFE060]  }
0x6a: {  	v23 =	vmul.f32 $8.000000000e+00, v23;
	[tilespmem:v13+s17+$0x0] =	vst.idx.msk $0xffff, v18;
	v18 =	vadd.s32 v0, v12;
	v25 =	vld [tilespmem:s24+$0x40]  }
0x6b: {  	s1 =	simm.s32 $0x6;
	v13 =	vmul.f32 $8.000000000e+00, v20;
	v20 =	vadd.s32 v2, v10;
	v26 =	vld [tilespmem:s28+$0x60]  }
0x6c: {  	v27 =	vadd.s32 v4, v8;
	[tilespmem:v19+s17+$0x0] =	vst.idx.msk $0xffff, v23;
	v19 =	vmul.f32 $8.000000000e+00, v21;
	v21 =	vmov s1;
	v23 =	vld [tilespmem:s26+$0xFFFFE000]  }
0x6d: {  	[tilespmem:v16+s17+$0x0] =	vst.idx.msk $0xffff, v13;
	v13 =	vand.u32 $0x7E, v21;
	v16 =	vmul.f32 $8.000000000e+00, v24;
	v21 =	vld [tilespmem:s25+$0xFFFFE020];
	v24 =	vadd.s32 v6, v14  }
0x6e: {  	[tilespmem:v17+s17+$0x0] =	vst.idx.msk $0xffff, v19;
	v17 =	vadd.s32 v0, v13;
	v19 =	vmul.f32 $8.000000000e+00, v22;
	v22 =	vld [tilespmem:s24+$0x0]  }
0x6f: {  	[tilespmem:v18+s17+$0x0] =	vst.idx.msk $0xffff, v16;
	v16 =	vadd.s32 v2, v11;
	v18 =	vmul.f32 $8.000000000e+00, v25;
	v25 =	vld [tilespmem:s28+$0x20]  }
0x70: {  	v28 =	vld [tilespmem:s26+$0xFFFFE050];
	[tilespmem:v20+s17+$0x0] =	vst.idx.msk $0xffff, v19;
	v19 =	vadd.s32 v4, v9;
	v20 =	vmul.f32 $8.000000000e+00, v26  }
0x71: {  	v23 =	vmul.f32 $8.000000000e+00, v23;
	v26 =	vld [tilespmem:s25+$0xFFFFE070];
	[tilespmem:v27+s17+$0x0] =	vst.idx.msk $0xffff, v18;
	v18 =	vadd.s32 v6, v15  }
0x72: {  	v27 =	vadd.s32 v1, v12;
	v21 =	vmul.f32 $8.000000000e+00, v21;
	v29 =	vld [tilespmem:s24+$0x50];
	[tilespmem:v24+s17+$0x0] =	vst.idx.msk $0xffff, v20  }
0x73: {  	[tilespmem:v17+s17+$0x0] =	vst.idx.msk $0xffff, v23;
	v23 =	vadd.s32 v3, v10;
	v17 =	vmul.f32 $8.000000000e+00, v22;
	v24 =	vld [tilespmem:s28+$0x70]  }
0x74: {  	v30 =	vld [tilespmem:s26+$0xFFFFE010];
	[tilespmem:v16+s17+$0x0] =	vst.idx.msk $0xffff, v21;
	v21 =	vadd.s32 v5, v8;
	v20 =	vmul.f32 $8.000000000e+00, v25  }
0x75: {  	v31 =	vadd.s32 v7, v14;
	v25 =	vmul.f32 $8.000000000e+00, v28;
	v28 =	vld [tilespmem:s25+$0xFFFFE030];
	[tilespmem:v19+s17+$0x0] =	vst.idx.msk $0xffff, v17  }
0x76: {  	v22 =	vadd.s32 v1, v13;
	v14 =	vmul.f32 $8.000000000e+00, v26;
	v16 =	vld [tilespmem:s24+$0x10];
	[tilespmem:v18+s17+$0x0] =	vst.idx.msk $0xffff, v20  }
0x77: {  	s29 =	simm.s32 $0x8600;
	s1 =	simm.s32 $0x9;
	v20 =	vadd.s32 v3, v11;
	[tilespmem:v27+s17+$0x0] =	vst.idx.msk $0xffff, v25;
	v19 =	vmul.f32 $8.000000000e+00, v29;
	v17 =	vld [tilespmem:s28+$0x30]  }
0x78: {  	v26 =	vmov s1;
	v18 =	vadd.s32 v5, v9;
	v25 =	vld [tilespmem:s29+$0xFFFFE040];
	[tilespmem:v23+s17+$0x0] =	vst.idx.msk $0xffff, v14;
	v29 =	vmul.f32 $8.000000000e+00, v24  }
0x79: {  	v14 =	vand.u32 $0x7F, v26;
	v23 =	vld [tilespmem:s26+$0xFFFFE060];
	v27 =	vmul.f32 $8.000000000e+00, v30;
	[tilespmem:v21+s17+$0x0] =	vst.idx.msk $0xffff, v19;
	v19 =	vadd.s32 v7, v15  }
0x7a: {  	s31 =	simm.s32 $0x8;
	s30 =	simm.s32 $0xA;
	s28 =	simm.s32 $0x8600;
	v26 =	vadd.s32 v0, v14;
	v21 =	vld [tilespmem:s25+$0x40];
	v24 =	vmul.f32 $8.000000000e+00, v28;
	[tilespmem:v31+s17+$0x0] =	vst.idx.msk $0xffff, v29  }
.LBB2_3:
0x7b: {  	p0 =	slt.u32 s30, $0x7E;
	[tilespmem:v22+s17+$0x0] =	vst.idx.msk $0xffff, v27;
	v15 =	vadd.s32 v2, v12;
	v16 =	vmul.f32 $8.000000000e+00, v16;
	v22 =	vld [tilespmem:s24+$0x60]  }
0x7c: {  	v27 =	vmov s31;
	s31 =	smov.u32 s30;
	v28 =	vld [tilespmem:s29+$0xFFFFE000];
	[tilespmem:v20+s17+$0x0] =	vst.idx.msk $0xffff, v24;
	v20 =	vadd.s32 v4, v10;
	v17 =	vmul.f32 $8.000000000e+00, v17  }
0x7d: {  	v29 =	vand.u32 $0x7E, v27;
	v24 =	vmul.f32 $8.000000000e+00, v25;
	v25 =	vld [tilespmem:s26+$0xFFFFE020];
	[tilespmem:v18+s17+$0x0] =	vst.idx.msk $0xffff, v16;
	v16 =	vadd.s32 v6, v8  }
0x7e: {  	v18 =	vadd.s32 v0, v29;
	v23 =	vmul.f32 $8.000000000e+00, v23;
	v27 =	vld [tilespmem:s25+$0x0];
	[tilespmem:v19+s17+$0x0] =	vst.idx.msk $0xffff, v17  }
0x7f: {  	v17 =	vadd.s32 v2, v13;
	[tilespmem:v26+s17+$0x0] =	vst.idx.msk $0xffff, v24;
	v19 =	vmul.f32 $8.000000000e+00, v21;
	v21 =	vld [tilespmem:s24+$0x20]  }
0x80: {  	v24 =	vld [tilespmem:s29+$0xFFFFE050];
	[tilespmem:v15+s17+$0x0] =	vst.idx.msk $0xffff, v23;
	v15 =	vadd.s32 v4, v11;
	v22 =	vmul.f32 $8.000000000e+00, v22  }
0x81: {  	v23 =	vmul.f32 $8.000000000e+00, v28;
	v26 =	vld [tilespmem:s26+$0xFFFFE070];
	[tilespmem:v20+s17+$0x0] =	vst.idx.msk $0xffff, v19;
	v19 =	vadd.s32 v6, v9  }
0x82: {  	v20 =	vadd.s32 v1, v14;
	v25 =	vmul.f32 $8.000000000e+00, v25;
	v28 =	vld [tilespmem:s25+$0x50];
	[tilespmem:v16+s17+$0x0] =	vst.idx.msk $0xffff, v22  }
0x83: {  	[tilespmem:v18+s17+$0x0] =	vst.idx.msk $0xffff, v23;
	v18 =	vadd.s32 v3, v12;
	v16 =	vmul.f32 $8.000000000e+00, v27;
	v23 =	vld [tilespmem:s24+$0x70]  }
0x84: {  	v30 =	vadd.s32 v5, v10;
	v27 =	vld [tilespmem:s29+$0xFFFFE010];
	[tilespmem:v17+s17+$0x0] =	vst.idx.msk $0xffff, v25;
	v17 =	vmul.f32 $8.000000000e+00, v21  }
0x85: {  	v21 =	vmul.f32 $8.000000000e+00, v24;
	v24 =	vld [tilespmem:s26+$0xFFFFE030];
	[tilespmem:v15+s17+$0x0] =	vst.idx.msk $0xffff, v16;
	v15 =	vadd.s32 v7, v8;
	v8 =	vmovc v10;
	v10 =	vmov v12  }
.Ltmp0:
0x86: {  	v22 =	vadd.s32 v1, v29;
	v12 =	vmov v14;
	v26 =	vmul.f32 $8.000000000e+00, v26;
	v16 =	vld [tilespmem:s25+$0x10];
	[tilespmem:v19+s17+$0x0] =	vst.idx.msk $0xffff, v17;
	(pc) =	sbr.rel @p0 .LBB2_3-.Ltmp0, $4  }
0x87: {  	s0 =	sadd.s32 $0x1, s30;
	s29 =	sadd.s32 $0x80, s29;
	[tilespmem:v20+s17+$0x0] =	vst.idx.msk $0xffff, v21;
	v20 =	vadd.s32 v3, v13;
	v19 =	vmul.f32 $8.000000000e+00, v28;
	v17 =	vld [tilespmem:s24+$0x30];
	s24 =	smov.u32 s25  }
0x88: {  	v14 =	vmov s0;
	s25 =	smov.u32 s26;
	s26 =	smov.u32 s28;
	s28 =	smov.u32 s29;
	v25 =	vld [tilespmem:s29+$0xFFFFE040];
	[tilespmem:v18+s17+$0x0] =	vst.idx.msk $0xffff, v26;
	v18 =	vadd.s32 v5, v11;
	v28 =	vmul.f32 $8.000000000e+00, v23  }
0x89: {  	v14 =	vand.u32 $0x7F, v14;
	v27 =	vmul.f32 $8.000000000e+00, v27;
	v23 =	vld [tilespmem:s26+$0xFFFFE060];
	[tilespmem:v30+s17+$0x0] =	vst.idx.msk $0xffff, v19;
	v19 =	vadd.s32 v7, v9;
	v9 =	vmovc v11  }
0x8a: {  	s30 =	sadd.s32 $0x2, s30;
	v26 =	vadd.s32 v0, v14;
	v11 =	vmovc v13;
	v13 =	vmov v29;
	v24 =	vmul.f32 $8.000000000e+00, v24;
	v21 =	vld [tilespmem:s25+$0x40];
	[tilespmem:v15+s17+$0x0] =	vst.idx.msk $0xffff, v28  }
0x8b: {  	v15 =	vmov s31;
	v28 =	vld [tilespmem:s29+$0xFFFFE000]  }
0x8c: {  	v15 =	vand.u32 $0x7E, v15  }
0x8d: {  	v29 =	vadd.s32 v0, v15;
	_ =	sdelay $0x1  }
0x8e: {  	v25 =	vmul.f32 $8.000000000e+00, v25  }
0x8f: {  	v28 =	vmul.f32 $8.000000000e+00, v28  }
0x90: {  	[tilespmem:v26+s17+$0x0] =	vst.idx.msk $0xffff, v25  }
0x91: {  	v25 =	vld [tilespmem:s29+$0xFFFFE050];
	[tilespmem:v29+s17+$0x0] =	vst.idx.msk $0xffff, v28  }
0x92: {  	v35 =	vld [tilespmem:s29+$0xFFFFE010]  }
0x93: {  	v36 =	vadd.s32 v1, v14  }
0x94: {  	v37 =	vadd.s32 v1, v15;
	_ =	sdelay $0x1  }
0x95: {  	[tilespmem:v22+s17+$0x0] =	vst.idx.msk $0xffff, v27;
	v25 =	vmul.f32 $8.000000000e+00, v25  }
0x96: {  	v39 =	vld [tilespmem:s26+$0xFFFFE020];
	v38 =	vmul.f32 $8.000000000e+00, v35  }
0x97: {  	v40 =	vadd.s32 v2, v12;
	[tilespmem:v36+s17+$0x0] =	vst.idx.msk $0xffff, v25  }
0x98: {  	v42 =	vadd.s32 v2, v13;
	v41 =	vld [tilespmem:s28+$0xFFFFE060];
	[tilespmem:v37+s17+$0x0] =	vst.idx.msk $0xffff, v38  }
0x99: {  	v43 =	vld [tilespmem:s28+$0xFFFFE020]  }
0x9a: {  	v44 =	vadd.s32 v2, v14;
	v23 =	vmul.f32 $8.000000000e+00, v23  }
0x9b: {  	v30 =	vadd.s32 v2, v15;
	v26 =	vmul.f32 $8.000000000e+00, v39  }
0x9c: {  	[tilespmem:v40+s17+$0x0] =	vst.idx.msk $0xffff, v23  }
0x9d: {  	[tilespmem:v42+s17+$0x0] =	vst.idx.msk $0xffff, v26;
	v25 =	vld [tilespmem:s26+$0xFFFFE070];
	v45 =	vmul.f32 $8.000000000e+00, v41  }
0x9e: {  	v26 =	vld [tilespmem:s26+$0xFFFFE030];
	v46 =	vmul.f32 $8.000000000e+00, v43  }
0x9f: {  	v47 =	vadd.s32 v3, v12;
	[tilespmem:v44+s17+$0x0] =	vst.idx.msk $0xffff, v45  }
0xa0: {  	v49 =	vadd.s32 v3, v13;
	v48 =	vld [tilespmem:s28+$0xFFFFE070];
	[tilespmem:v30+s17+$0x0] =	vst.idx.msk $0xffff, v46  }
0xa1: {  	v50 =	vld [tilespmem:s28+$0xFFFFE030]  }
0xa2: {  	v51 =	vadd.s32 v3, v14;
	v25 =	vmul.f32 $8.000000000e+00, v25  }
0xa3: {  	[tilespmem:v20+s17+$0x0] =	vst.idx.msk $0xffff, v24;
	v52 =	vadd.s32 v3, v15;
	v53 =	vmul.f32 $8.000000000e+00, v26  }
0xa4: {  	v55 =	vadd.s32 v4, v10;
	v24 =	vld [tilespmem:s25+$0x0];
	[tilespmem:v47+s17+$0x0] =	vst.idx.msk $0xffff, v25  }
0xa5: {  	[tilespmem:v49+s17+$0x0] =	vst.idx.msk $0xffff, v53;
	v56 =	vld [tilespmem:s26+$0x40];
	v54 =	vmul.f32 $8.000000000e+00, v48  }
0xa6: {  	v58 =	vadd.s32 v4, v11;
	v59 =	vld [tilespmem:s26+$0x0];
	v57 =	vmul.f32 $8.000000000e+00, v50  }
0xa7: {  	v60 =	vadd.s32 v4, v12;
	v62 =	vmul.f32 $8.000000000e+00, v21;
	[tilespmem:v51+s17+$0x0] =	vst.idx.msk $0xffff, v54  }
0xa8: {  	v63 =	vadd.s32 v4, v13;
	v61 =	vld [tilespmem:s28+$0x40];
	[tilespmem:v52+s17+$0x0] =	vst.idx.msk $0xffff, v57  }
0xa9: {  	[tilespmem:v55+s17+$0x0] =	vst.idx.msk $0xffff, v62;
	v24 =	vmul.f32 $8.000000000e+00, v24;
	v33 =	vld [tilespmem:s28+$0x0]  }
0xaa: {  	v34 =	vadd.s32 v4, v14;
	v37 =	vld [tilespmem:s25+$0x50];
	v35 =	vmul.f32 $8.000000000e+00, v56  }
0xab: {  	[tilespmem:v58+s17+$0x0] =	vst.idx.msk $0xffff, v24;
	v36 =	vadd.s32 v4, v15;
	v38 =	vmul.f32 $8.000000000e+00, v59  }
0xac: {  	v16 =	vmul.f32 $8.000000000e+00, v16;
	v39 =	vld [tilespmem:s25+$0x10];
	v41 =	vadd.s32 v5, v10;
	[tilespmem:v60+s17+$0x0] =	vst.idx.msk $0xffff, v35  }
0xad: {  	[tilespmem:v63+s17+$0x0] =	vst.idx.msk $0xffff, v38;
	v42 =	vld [tilespmem:s26+$0x50];
	v40 =	vmul.f32 $8.000000000e+00, v61  }
0xae: {  	[tilespmem:v18+s17+$0x0] =	vst.idx.msk $0xffff, v16;
	v44 =	vadd.s32 v5, v11;
	v45 =	vld [tilespmem:s26+$0x10];
	v43 =	vmul.f32 $8.000000000e+00, v33  }
0xaf: {  	v46 =	vadd.s32 v5, v12;
	v48 =	vmul.f32 $8.000000000e+00, v37;
	v50 =	vld [tilespmem:s24+$0x60];
	[tilespmem:v34+s17+$0x0] =	vst.idx.msk $0xffff, v40  }
0xb0: {  	v17 =	vmul.f32 $8.000000000e+00, v17;
	v49 =	vadd.s32 v5, v13;
	v47 =	vld [tilespmem:s28+$0x50];
	[tilespmem:v36+s17+$0x0] =	vst.idx.msk $0xffff, v43  }
0xb1: {  	v56 =	vadd.s32 v6, v8;
	v51 =	vmul.f32 $8.000000000e+00, v39;
	[tilespmem:v41+s17+$0x0] =	vst.idx.msk $0xffff, v48;
	v21 =	vld [tilespmem:s28+$0x10]  }
0xb2: {  	[tilespmem:v19+s17+$0x0] =	vst.idx.msk $0xffff, v17;
	v52 =	vadd.s32 v5, v14;
	v57 =	vld [tilespmem:s25+$0x60];
	v54 =	vmul.f32 $8.000000000e+00, v42  }
0xb3: {  	v55 =	vadd.s32 v5, v15;
	v53 =	vld [tilespmem:s24+$0x20];
	[tilespmem:v44+s17+$0x0] =	vst.idx.msk $0xffff, v51;
	v58 =	vmul.f32 $8.000000000e+00, v45  }
0xb4: {  	v62 =	vadd.s32 v6, v10;
	v60 =	vld [tilespmem:s25+$0x20];
	[tilespmem:v46+s17+$0x0] =	vst.idx.msk $0xffff, v54;
	v33 =	vmul.f32 $8.000000000e+00, v50  }
0xb5: {  	v59 =	vadd.s32 v6, v9;
	[tilespmem:v49+s17+$0x0] =	vst.idx.msk $0xffff, v58;
	v63 =	vld [tilespmem:s26+$0x60];
	v61 =	vmul.f32 $8.000000000e+00, v47  }
0xb6: {  	v35 =	vld [tilespmem:s26+$0x20];
	v34 =	vadd.s32 v6, v11;
	[tilespmem:v56+s17+$0x0] =	vst.idx.msk $0xffff, v33;
	v32 =	vmul.f32 $8.000000000e+00, v21  }
0xb7: {  	v37 =	vadd.s32 v6, v12;
	v39 =	vmul.f32 $8.000000000e+00, v57;
	v26 =	vld [tilespmem:s24+$0x70];
	[tilespmem:v52+s17+$0x0] =	vst.idx.msk $0xffff, v61  }
0xb8: {  	v40 =	vadd.s32 v6, v13;
	v36 =	vmul.f32 $8.000000000e+00, v53;
	v38 =	vld [tilespmem:s28+$0x60];
	[tilespmem:v55+s17+$0x0] =	vst.idx.msk $0xffff, v32  }
0xb9: {  	v8 =	vadd.s32 v7, v8;
	v41 =	vmul.f32 $8.000000000e+00, v60;
	[tilespmem:v62+s17+$0x0] =	vst.idx.msk $0xffff, v39;
	v23 =	vld [tilespmem:s28+$0x20]  }
0xba: {  	v42 =	vadd.s32 v6, v14;
	[tilespmem:v59+s17+$0x0] =	vst.idx.msk $0xffff, v36;
	v44 =	vmul.f32 $8.000000000e+00, v63  }
0xbb: {  	v45 =	vadd.s32 v6, v15;
	v46 =	vld [tilespmem:s25+$0x70];
	[tilespmem:v34+s17+$0x0] =	vst.idx.msk $0xffff, v41;
	v47 =	vmul.f32 $8.000000000e+00, v35  }
0xbc: {  	v43 =	vld [tilespmem:s24+$0x30];
	[tilespmem:v37+s17+$0x0] =	vst.idx.msk $0xffff, v44;
	v52 =	vmul.f32 $8.000000000e+00, v26  }
0xbd: {  	v50 =	vadd.s32 v7, v10;
	v19 =	vld [tilespmem:s26+$0x70];
	[tilespmem:v40+s17+$0x0] =	vst.idx.msk $0xffff, v47;
	v49 =	vmul.f32 $8.000000000e+00, v38  }
0xbe: {  	v48 =	vadd.s32 v7, v9;
	v21 =	vld [tilespmem:s25+$0x30];
	[tilespmem:v8+s17+$0x0] =	vst.idx.msk $0xffff, v52;
	v51 =	vmul.f32 $8.000000000e+00, v23  }
0xbf: {  	v56 =	vadd.s32 v7, v12;
	v54 =	vld [tilespmem:s26+$0x30];
	[tilespmem:v42+s17+$0x0] =	vst.idx.msk $0xffff, v49  }
0xc0: {  	v53 =	vadd.s32 v7, v11;
	v8 =	vmul.f32 $8.000000000e+00, v46;
	v57 =	vld [tilespmem:s28+$0x70];
	[tilespmem:v45+s17+$0x0] =	vst.idx.msk $0xffff, v51  }
0xc1: {  	v58 =	vadd.s32 v7, v13;
	v55 =	vmul.f32 $8.000000000e+00, v43;
	v16 =	vld [tilespmem:s28+$0x30]  }
0xc2: {  	v60 =	vadd.s32 v7, v14;
	[tilespmem:v50+s17+$0x0] =	vst.idx.msk $0xffff, v8;
	v8 =	vmul.f32 $8.000000000e+00, v19  }
0xc3: {  	v61 =	vadd.s32 v7, v15;
	[tilespmem:v48+s17+$0x0] =	vst.idx.msk $0xffff, v55;
	v59 =	vmul.f32 $8.000000000e+00, v21  }
0xc4: {  	v62 =	vmul.f32 $8.000000000e+00, v54;
	[tilespmem:v56+s17+$0x0] =	vst.idx.msk $0xffff, v8  }
0xc5: {  	[tilespmem:v53+s17+$0x0] =	vst.idx.msk $0xffff, v59;
	v8 =	vmul.f32 $8.000000000e+00, v57  }
0xc6: {  	[tilespmem:v58+s17+$0x0] =	vst.idx.msk $0xffff, v62;
	v63 =	vmul.f32 $8.000000000e+00, v16  }
0xc7: {  	s24 =	sshll.u32 s23, $0x11;
	[tilespmem:v60+s17+$0x0] =	vst.idx.msk $0xffff, v8  }
0xc8: {  	s0 =	simm.s32 $0xE400;
	s26 =	sadd.s32 s24, s4;
	[tilespmem:v61+s17+$0x0] =	vst.idx.msk $0xffff, v63  }
0xc9: {  	[hbm4b:s26+s2] =	stream.linear.scatter [tilespmem:s0], [sflag:$0x3], $0x80, $0x38;
	[tilespmem:$0x1B000] =	vst v63  }
0xca: {  	s31 =	simm.s32 $0xE488;
	s1 =	sadd.s32 $0x10, s26  }
0xcb: {  	[hbm4b:s1+s2] =	stream.linear.scatter [tilespmem:s31], [sflag:$0x3], $0x80, $0x38;
	[tilespmem:$0x1B000] =	vst v63  }
0xcc: {  	s25 =	simm.s32 $0xE510;
	s28 =	sadd.s32 $0x20, s26  }
0xcd: {  	[hbm4b:s28+s2] =	stream.linear.scatter [tilespmem:s25], [sflag:$0x3], $0x80, $0x38;
	[tilespmem:$0x1B000] =	vst v63  }
0xce: {  	s31 =	simm.s32 $0xE598;
	s1 =	sadd.s32 $0x30, s26  }
0xcf: {  	[hbm4b:s1+s2] =	stream.linear.scatter [tilespmem:s31], [sflag:$0x3], $0x80, $0x38;
	[tilespmem:$0x1B000] =	vst v63  }
0xd0: {  	s25 =	simm.s32 $0xE620;
	s28 =	sadd.s32 $0x40, s26  }
0xd1: {  	[hbm4b:s28+s2] =	stream.linear.scatter [tilespmem:s25], [sflag:$0x3], $0x80, $0x38;
	[tilespmem:$0x1B000] =	vst v63  }
0xd2: {  	s31 =	simm.s32 $0xE6A8;
	s1 =	sadd.s32 $0x50, s26  }
0xd3: {  	[hbm4b:s1+s2] =	stream.linear.scatter [tilespmem:s31], [sflag:$0x3], $0x80, $0x38;
	[tilespmem:$0x1B000] =	vst v63  }
0xd4: {  	s25 =	simm.s32 $0xE730;
	s28 =	sadd.s32 $0x60, s26  }
0xd5: {  	[hbm4b:s28+s2] =	stream.linear.scatter [tilespmem:s25], [sflag:$0x3], $0x80, $0x38;
	[tilespmem:$0x1B000] =	vst v63  }
0xd6: {  	s31 =	simm.s32 $0xE7B8;
	s1 =	sadd.s32 $0x70, s26  }
0xd7: {  	[hbm4b:s1+s2] =	stream.linear.scatter [tilespmem:s31], [sflag:$0x3], $0x80, $0x38;
	[tilespmem:$0x1B000] =	vst v63  }
0xd8: {  	s25 =	simm.s32 $0xEA60;
	s28 =	sadd.s32 $0x80, s26  }
0xd9: {  	[hbm4b:s28+s2] =	stream.linear.scatter [tilespmem:s25], [sflag:$0x3], $0x80, $0x38;
	[tilespmem:$0x1B000] =	vst v63  }
0xda: {  	s31 =	simm.s32 $0xEAE8;
	s1 =	sadd.s32 $0x90, s26  }
0xdb: {  	[hbm4b:s1+s2] =	stream.linear.scatter [tilespmem:s31], [sflag:$0x3], $0x80, $0x38;
	[tilespmem:$0x1B000] =	vst v63  }
0xdc: {  	s29 =	simm.s32 $0x6600;
	s25 =	simm.s32 $0xEB70;
	s28 =	sadd.s32 $0xA0, s26  }
0xdd: {  	[hbm4b:s28+s2] =	stream.linear.scatter [tilespmem:s25], [sflag:$0x3], $0x80, $0x38;
	[tilespmem:$0x1B000] =	vst v63  }
0xde: {  	s30 =	sadd.s32 $0xF0, s26;
	s31 =	simm.s32 $0xEBF8;
	s1 =	sadd.s32 $0xB0, s26  }
0xdf: {  	[hbm4b:s1+s2] =	stream.linear.scatter [tilespmem:s31], [sflag:$0x3], $0x80, $0x38;
	[tilespmem:$0x1B000] =	vst v63  }
0xe0: {  	s0 =	simm.s32 $0xEE18;
	s25 =	simm.s32 $0xEC80;
	s28 =	sadd.s32 $0xC0, s26  }
0xe1: {  	[hbm4b:s28+s2] =	stream.linear.scatter [tilespmem:s25], [sflag:$0x3], $0x80, $0x38;
	[tilespmem:$0x1B000] =	vst v63  }
0xe2: {  	s31 =	simm.s32 $0xED08;
	s1 =	sadd.s32 $0xD0, s26;
	s28 =	simm.s32 $0xED90  }
0xe3: {  	[hbm4b:s1+s2] =	stream.linear.scatter [tilespmem:s31], [sflag:$0x3], $0x80, $0x38;
	[tilespmem:$0x1B000] =	vst v63  }
0xe4: {  	s25 =	simm.s32 $0xCC0;
	s31 =	sadd.s32 $0xE0, s26;
	s26 =	sadd.s32 $0x4000, s26  }
0xe5: {  	[hbm4b:s31+s2] =	stream.linear.scatter [tilespmem:s28], [sflag:$0x3], $0x80, $0x38;
	[tilespmem:$0x1B000] =	vst v63  }
.LBB2_5:
0xe6: {  	[hbm4b:s30+s2] =	stream.linear.scatter [tilespmem:s0], [sflag:$0x3], $0x80, $0x38;
	[tilespmem:$0x1B000] =	vst v63  }
0xe7: {  	s0 =	smov.u32 s25;
	s25 =	smov.u32 s29  }
0xe8: {  	s28 =	sadd.s32 $0x3300, s29;
	s25 =	sshra.s32 s25, $0x2;
	s30 =	sadd.s32 $0xE400, s0  }
0xe9: {  	[hbm4b:s26+s2] =	stream.linear.scatter [tilespmem:s30], [sflag:$0x3], $0x80, $0x38;
	[tilespmem:$0x1B000] =	vst v63  }
0xea: {  	p0 =	sne.s32 s29, $0x16500;
	s29 =	sadd.s32 $0xE488, s0;
	s30 =	sadd.s32 $0x10, s26  }
0xeb: {  	[hbm4b:s30+s2] =	stream.linear.scatter [tilespmem:s29], [sflag:$0x3], $0x80, $0x38;
	[tilespmem:$0x1B000] =	vst v63  }
0xec: {  	s29 =	sadd.s32 $0xE510, s0;
	s30 =	sadd.s32 $0x20, s26  }
0xed: {  	[hbm4b:s30+s2] =	stream.linear.scatter [tilespmem:s29], [sflag:$0x3], $0x80, $0x38;
	[tilespmem:$0x1B000] =	vst v63  }
0xee: {  	s29 =	sadd.s32 $0xE598, s0;
	s30 =	sadd.s32 $0x30, s26  }
0xef: {  	[hbm4b:s30+s2] =	stream.linear.scatter [tilespmem:s29], [sflag:$0x3], $0x80, $0x38;
	[tilespmem:$0x1B000] =	vst v63  }
0xf0: {  	s29 =	sadd.s32 $0xE620, s0;
	s30 =	sadd.s32 $0x40, s26  }
0xf1: {  	[hbm4b:s30+s2] =	stream.linear.scatter [tilespmem:s29], [sflag:$0x3], $0x80, $0x38;
	[tilespmem:$0x1B000] =	vst v63  }
0xf2: {  	s29 =	sadd.s32 $0xE6A8, s0;
	s30 =	sadd.s32 $0x50, s26  }
0xf3: {  	[hbm4b:s30+s2] =	stream.linear.scatter [tilespmem:s29], [sflag:$0x3], $0x80, $0x38;
	[tilespmem:$0x1B000] =	vst v63  }
0xf4: {  	s29 =	sadd.s32 $0xE730, s0;
	s30 =	sadd.s32 $0x60, s26  }
0xf5: {  	[hbm4b:s30+s2] =	stream.linear.scatter [tilespmem:s29], [sflag:$0x3], $0x80, $0x38;
	[tilespmem:$0x1B000] =	vst v63  }
0xf6: {  	s29 =	sadd.s32 $0xE7B8, s0;
	s30 =	sadd.s32 $0x70, s26  }
0xf7: {  	[hbm4b:s30+s2] =	stream.linear.scatter [tilespmem:s29], [sflag:$0x3], $0x80, $0x38;
	[tilespmem:$0x1B000] =	vst v63  }
0xf8: {  	s29 =	sadd.s32 $0xEA60, s0;
	s30 =	sadd.s32 $0x80, s26  }
0xf9: {  	[hbm4b:s30+s2] =	stream.linear.scatter [tilespmem:s29], [sflag:$0x3], $0x80, $0x38;
	[tilespmem:$0x1B000] =	vst v63  }
0xfa: {  	s29 =	sadd.s32 $0xEAE8, s0;
	s30 =	sadd.s32 $0x90, s26  }
0xfb: {  	[hbm4b:s30+s2] =	stream.linear.scatter [tilespmem:s29], [sflag:$0x3], $0x80, $0x38;
	[tilespmem:$0x1B000] =	vst v63  }
0xfc: {  	s29 =	sadd.s32 $0xEB70, s0;
	s30 =	sadd.s32 $0xA0, s26  }
0xfd: {  	[hbm4b:s30+s2] =	stream.linear.scatter [tilespmem:s29], [sflag:$0x3], $0x80, $0x38;
	[tilespmem:$0x1B000] =	vst v63  }
0xfe: {  	s29 =	sadd.s32 $0xEBF8, s0;
	s30 =	sadd.s32 $0xB0, s26  }
0xff: {  	[hbm4b:s30+s2] =	stream.linear.scatter [tilespmem:s29], [sflag:$0x3], $0x80, $0x38;
	[tilespmem:$0x1B000] =	vst v63  }
0x100: {  	s29 =	sadd.s32 $0xEC80, s0;
	s30 =	sadd.s32 $0xC0, s26  }
0x101: {  	[hbm4b:s30+s2] =	stream.linear.scatter [tilespmem:s29], [sflag:$0x3], $0x80, $0x38;
	[tilespmem:$0x1B000] =	vst v63  }
.Ltmp1:
0x102: {  	s29 =	sadd.s32 $0xED08, s0;
	s30 =	sadd.s32 $0xD0, s26;
	(pc) =	sbr.rel @p0 .LBB2_5-.Ltmp1, $4  }
0x103: {  	[hbm4b:s30+s2] =	stream.linear.scatter [tilespmem:s29], [sflag:$0x3], $0x80, $0x38;
	[tilespmem:$0x1B000] =	vst v63  }
0x104: {  	s29 =	sadd.s32 $0xED90, s0;
	s30 =	sadd.s32 $0xE0, s26;
	s0 =	sadd.s32 $0xEE18, s0  }
0x105: {  	[hbm4b:s30+s2] =	stream.linear.scatter [tilespmem:s29], [sflag:$0x3], $0x80, $0x38;
	[tilespmem:$0x1B000] =	vst v63  }
0x106: {  	s30 =	sadd.s32 $0xF0, s26;
	s26 =	sadd.s32 $0x4000, s26;
	s29 =	smov.u32 s28  }
0x107: {  	[hbm4b:s30+s2] =	stream.linear.scatter [tilespmem:s0], [sflag:$0x3], $0x80, $0x38;
	[tilespmem:$0x1B000] =	vst v63  }
0x108: {  	s1 =	sadd.s32 $0xE400, s25  }
0x109: {  	[hbm4b:s26+s2] =	stream.linear.scatter [tilespmem:s1], [sflag:$0x3], $0x80, $0x38;
	[tilespmem:$0x1B000] =	vst v63  }
0x10a: {  	s28 =	sadd.s32 $0x10, s26;
	s1 =	sadd.s32 $0xE488, s25  }
0x10b: {  	[hbm4b:s28+s2] =	stream.linear.scatter [tilespmem:s1], [sflag:$0x3], $0x80, $0x38;
	[tilespmem:$0x1B000] =	vst v63  }
0x10c: {  	s1 =	sadd.s32 $0xE510, s25;
	s28 =	sadd.s32 $0x20, s26  }
0x10d: {  	[hbm4b:s28+s2] =	stream.linear.scatter [tilespmem:s1], [sflag:$0x3], $0x80, $0x38;
	[tilespmem:$0x1B000] =	vst v63  }
0x10e: {  	s1 =	sadd.s32 $0xE598, s25;
	s28 =	sadd.s32 $0x30, s26  }
0x10f: {  	[hbm4b:s28+s2] =	stream.linear.scatter [tilespmem:s1], [sflag:$0x3], $0x80, $0x38;
	[tilespmem:$0x1B000] =	vst v63  }
0x110: {  	s1 =	sadd.s32 $0xE620, s25;
	s28 =	sadd.s32 $0x40, s26  }
0x111: {  	[hbm4b:s28+s2] =	stream.linear.scatter [tilespmem:s1], [sflag:$0x3], $0x80, $0x38;
	[tilespmem:$0x1B000] =	vst v63  }
0x112: {  	s1 =	sadd.s32 $0xE6A8, s25;
	s28 =	sadd.s32 $0x50, s26  }
0x113: {  	[hbm4b:s28+s2] =	stream.linear.scatter [tilespmem:s1], [sflag:$0x3], $0x80, $0x38;
	[tilespmem:$0x1B000] =	vst v63  }
0x114: {  	s1 =	sadd.s32 $0xE730, s25;
	s28 =	sadd.s32 $0x60, s26  }
0x115: {  	[hbm4b:s28+s2] =	stream.linear.scatter [tilespmem:s1], [sflag:$0x3], $0x80, $0x38;
	[tilespmem:$0x1B000] =	vst v63  }
0x116: {  	s1 =	sadd.s32 $0xE7B8, s25;
	s28 =	sadd.s32 $0x70, s26  }
0x117: {  	[hbm4b:s28+s2] =	stream.linear.scatter [tilespmem:s1], [sflag:$0x3], $0x80, $0x38;
	[tilespmem:$0x1B000] =	vst v63  }
0x118: {  	s1 =	sadd.s32 $0xEA60, s25;
	s28 =	sadd.s32 $0x80, s26  }
0x119: {  	[hbm4b:s28+s2] =	stream.linear.scatter [tilespmem:s1], [sflag:$0x3], $0x80, $0x38;
	[tilespmem:$0x1B000] =	vst v63  }
0x11a: {  	s1 =	sadd.s32 $0xEAE8, s25;
	s28 =	sadd.s32 $0x90, s26  }
0x11b: {  	[hbm4b:s28+s2] =	stream.linear.scatter [tilespmem:s1], [sflag:$0x3], $0x80, $0x38;
	[tilespmem:$0x1B000] =	vst v63  }
0x11c: {  	s1 =	sadd.s32 $0xEB70, s25;
	s28 =	sadd.s32 $0xA0, s26  }
0x11d: {  	[hbm4b:s28+s2] =	stream.linear.scatter [tilespmem:s1], [sflag:$0x3], $0x80, $0x38;
	[tilespmem:$0x1B000] =	vst v63  }
0x11e: {  	s1 =	sadd.s32 $0xEBF8, s25;
	s28 =	sadd.s32 $0xB0, s26  }
0x11f: {  	[hbm4b:s28+s2] =	stream.linear.scatter [tilespmem:s1], [sflag:$0x3], $0x80, $0x38;
	[tilespmem:$0x1B000] =	vst v63  }
0x120: {  	s1 =	sadd.s32 $0xEC80, s25;
	s28 =	sadd.s32 $0xC0, s26  }
0x121: {  	[hbm4b:s28+s2] =	stream.linear.scatter [tilespmem:s1], [sflag:$0x3], $0x80, $0x38;
	[tilespmem:$0x1B000] =	vst v63  }
0x122: {  	s1 =	sadd.s32 $0xED08, s25;
	s28 =	sadd.s32 $0xD0, s26  }
0x123: {  	[hbm4b:s28+s2] =	stream.linear.scatter [tilespmem:s1], [sflag:$0x3], $0x80, $0x38;
	[tilespmem:$0x1B000] =	vst v63  }
0x124: {  	s1 =	sadd.s32 $0xED90, s25;
	s28 =	sadd.s32 $0xE0, s26  }
0x125: {  	[hbm4b:s28+s2] =	stream.linear.scatter [tilespmem:s1], [sflag:$0x3], $0x80, $0x38;
	[tilespmem:$0x1B000] =	vst v63  }
0x126: {  	s25 =	sadd.s32 $0xEE18, s25;
	s1 =	sadd.s32 $0xF0, s26  }
0x127: {  	[hbm4b:s1+s2] =	stream.linear.scatter [tilespmem:s25], [sflag:$0x3], $0x80, $0x38;
	[tilespmem:$0x1B000] =	vst v63  }
0x128: {  	_ =	swait.ge [sflag:s18], $0x4000  }
0x129: {  	[sflag:s18] =	ssyncset.done $0x0  }
0x12a: {  	s29 =	simm.s32 $0xC400;
	s25 =	simm.s32 $0x1;
	[sflag:s18] =	ssyncadd.s32 $0xFFFFC000  }
0x12b: {  	v8 =	vmov s25;
	v9 =	vld [tilespmem:s29+$0xFFFFE040]  }
0x12c: {  	v14 =	vand.u32 $0x7F, v8  }
0x12d: {  	v8 =	vadd.s32 v0, v14  }
0x12e: {  	s26 =	simm.s32 $0x0  }
0x12f: {  	v10 =	vmov s26;
	v11 =	vld [tilespmem:s29+$0xFFFFE000]  }
0x130: {  	v15 =	vand.u32 $0x7E, v10;
	v9 =	vmul.f32 $8.000000000e+00, v9  }
0x131: {  	v10 =	vadd.s32 v0, v15  }
0x132: {  	[tilespmem:v8+s19+$0x0] =	vst.idx.msk $0xffff, v9  }
0x133: {  	v8 =	vld [tilespmem:s29+$0xFFFFE050]  }
0x134: {  	v9 =	vmul.f32 $8.000000000e+00, v11  }
0x135: {  	v11 =	vadd.s32 v1, v14  }
0x136: {  	[tilespmem:v10+s19+$0x0] =	vst.idx.msk $0xffff, v9  }
0x137: {  	v9 =	vld [tilespmem:s29+$0xFFFFE010]  }
0x138: {  	v8 =	vmul.f32 $8.000000000e+00, v8  }
0x139: {  	s1 =	simm.s32 $0x3;
	s25 =	simm.s32 $0xC480;
	v10 =	vadd.s32 v1, v15  }
0x13a: {  	[tilespmem:v11+s19+$0x0] =	vst.idx.msk $0xffff, v8;
	v8 =	vmov s1;
	v11 =	vld [tilespmem:s25+$0xFFFFE040]  }
0x13b: {  	v8 =	vand.u32 $0x7F, v8;
	v12 =	vld [tilespmem:s29+$0xFFFFE060]  }
0x13c: {  	v9 =	vmul.f32 $8.000000000e+00, v9;
	v13 =	vadd.s32 v0, v8  }
0x13d: {  	s26 =	simm.s32 $0x2;
	v16 =	vadd.s32 v2, v14  }
0x13e: {  	[tilespmem:v10+s19+$0x0] =	vst.idx.msk $0xffff, v9;
	v9 =	vmov s26;
	v10 =	vld [tilespmem:s25+$0xFFFFE000]  }
0x13f: {  	v9 =	vand.u32 $0x7E, v9;
	v17 =	vld [tilespmem:s29+$0xFFFFE020];
	v11 =	vmul.f32 $8.000000000e+00, v11  }
0x140: {  	v18 =	vadd.s32 v0, v9;
	v12 =	vmul.f32 $8.000000000e+00, v12  }
0x141: {  	[tilespmem:v13+s19+$0x0] =	vst.idx.msk $0xffff, v11;
	v11 =	vadd.s32 v2, v15  }
0x142: {  	v13 =	vld [tilespmem:s25+$0xFFFFE050];
	[tilespmem:v16+s19+$0x0] =	vst.idx.msk $0xffff, v12  }
0x143: {  	v10 =	vmul.f32 $8.000000000e+00, v10;
	v12 =	vld [tilespmem:s29+$0xFFFFE070]  }
0x144: {  	v16 =	vadd.s32 v1, v8;
	v17 =	vmul.f32 $8.000000000e+00, v17  }
0x145: {  	[tilespmem:v18+s19+$0x0] =	vst.idx.msk $0xffff, v10;
	v10 =	vadd.s32 v3, v14  }
0x146: {  	v18 =	vld [tilespmem:s25+$0xFFFFE010];
	[tilespmem:v11+s19+$0x0] =	vst.idx.msk $0xffff, v17  }
0x147: {  	v11 =	vmul.f32 $8.000000000e+00, v13;
	v13 =	vld [tilespmem:s29+$0xFFFFE030]  }
0x148: {  	s1 =	simm.s32 $0x5;
	s26 =	simm.s32 $0xC500;
	v17 =	vadd.s32 v1, v9;
	v12 =	vmul.f32 $8.000000000e+00, v12  }
0x149: {  	v19 =	vld [tilespmem:s26+$0xFFFFE040];
	[tilespmem:v16+s19+$0x0] =	vst.idx.msk $0xffff, v11;
	v11 =	vadd.s32 v3, v15;
	v16 =	vmov s1  }
0x14a: {  	[tilespmem:v10+s19+$0x0] =	vst.idx.msk $0xffff, v12;
	v10 =	vand.u32 $0x7F, v16;
	v12 =	vld [tilespmem:s25+$0xFFFFE060]  }
0x14b: {  	v16 =	vmul.f32 $8.000000000e+00, v18;
	v18 =	vadd.s32 v0, v10;
	v20 =	vld [tilespmem:s29+$0x40]  }
0x14c: {  	v21 =	vadd.s32 v2, v8;
	s1 =	simm.s32 $0x4;
	v13 =	vmul.f32 $8.000000000e+00, v13  }
0x14d: {  	v22 =	vadd.s32 v4, v14;
	[tilespmem:v17+s19+$0x0] =	vst.idx.msk $0xffff, v16;
	v16 =	vmov s1;
	v17 =	vld [tilespmem:s26+$0xFFFFE000]  }
0x14e: {  	[tilespmem:v11+s19+$0x0] =	vst.idx.msk $0xffff, v13;
	v11 =	vand.u32 $0x7E, v16;
	v13 =	vmul.f32 $8.000000000e+00, v19;
	v16 =	vld [tilespmem:s25+$0xFFFFE020]  }
0x14f: {  	v19 =	vadd.s32 v0, v11;
	v12 =	vmul.f32 $8.000000000e+00, v12;
	v23 =	vld [tilespmem:s29+$0x0]  }
0x150: {  	[tilespmem:v18+s19+$0x0] =	vst.idx.msk $0xffff, v13;
	v13 =	vadd.s32 v2, v9;
	v18 =	vmul.f32 $8.000000000e+00, v20  }
0x151: {  	v20 =	vld [tilespmem:s26+$0xFFFFE050];
	[tilespmem:v21+s19+$0x0] =	vst.idx.msk $0xffff, v12;
	v12 =	vadd.s32 v4, v15  }
0x152: {  	v17 =	vmul.f32 $8.000000000e+00, v17;
	v21 =	vld [tilespmem:s25+$0xFFFFE070];
	[tilespmem:v22+s19+$0x0] =	vst.idx.msk $0xffff, v18  }
0x153: {  	v18 =	vadd.s32 v1, v10;
	v16 =	vmul.f32 $8.000000000e+00, v16;
	v22 =	vld [tilespmem:s29+$0x50]  }
0x154: {  	[tilespmem:v19+s19+$0x0] =	vst.idx.msk $0xffff, v17;
	v17 =	vadd.s32 v3, v8;
	v19 =	vmul.f32 $8.000000000e+00, v23  }
0x155: {  	v23 =	vld [tilespmem:s26+$0xFFFFE010];
	[tilespmem:v13+s19+$0x0] =	vst.idx.msk $0xffff, v16;
	v13 =	vadd.s32 v5, v14  }
0x156: {  	v16 =	vmul.f32 $8.000000000e+00, v20;
	v20 =	vld [tilespmem:s25+$0xFFFFE030];
	[tilespmem:v12+s19+$0x0] =	vst.idx.msk $0xffff, v19  }
0x157: {  	s28 =	simm.s32 $0xC580;
	s1 =	simm.s32 $0x7;
	v19 =	vadd.s32 v1, v11;
	v12 =	vmul.f32 $8.000000000e+00, v21;
	v21 =	vld [tilespmem:s29+$0x10]  }
0x158: {  	v24 =	vld [tilespmem:s28+$0xFFFFE040];
	[tilespmem:v18+s19+$0x0] =	vst.idx.msk $0xffff, v16;
	v16 =	vadd.s32 v3, v9;
	v18 =	vmul.f32 $8.000000000e+00, v22;
	v22 =	vmov s1  }
0x159: {  	[tilespmem:v17+s19+$0x0] =	vst.idx.msk $0xffff, v12;
	v17 =	vadd.s32 v5, v15;
	v12 =	vand.u32 $0x7F, v22;
	v22 =	vld [tilespmem:s26+$0xFFFFE060]  }
0x15a: {  	v23 =	vmul.f32 $8.000000000e+00, v23;
	[tilespmem:v13+s19+$0x0] =	vst.idx.msk $0xffff, v18;
	v18 =	vadd.s32 v0, v12;
	v25 =	vld [tilespmem:s25+$0x40]  }
0x15b: {  	s1 =	simm.s32 $0x6;
	v13 =	vmul.f32 $8.000000000e+00, v20;
	v20 =	vadd.s32 v2, v10;
	v26 =	vld [tilespmem:s29+$0x60]  }
0x15c: {  	v27 =	vadd.s32 v4, v8;
	[tilespmem:v19+s19+$0x0] =	vst.idx.msk $0xffff, v23;
	v19 =	vmul.f32 $8.000000000e+00, v21;
	v21 =	vmov s1;
	v23 =	vld [tilespmem:s28+$0xFFFFE000]  }
0x15d: {  	[tilespmem:v16+s19+$0x0] =	vst.idx.msk $0xffff, v13;
	v13 =	vand.u32 $0x7E, v21;
	v16 =	vmul.f32 $8.000000000e+00, v24;
	v21 =	vld [tilespmem:s26+$0xFFFFE020];
	v24 =	vadd.s32 v6, v14  }
0x15e: {  	[tilespmem:v17+s19+$0x0] =	vst.idx.msk $0xffff, v19;
	v17 =	vadd.s32 v0, v13;
	v19 =	vmul.f32 $8.000000000e+00, v22;
	v22 =	vld [tilespmem:s25+$0x0]  }
0x15f: {  	[tilespmem:v18+s19+$0x0] =	vst.idx.msk $0xffff, v16;
	v16 =	vadd.s32 v2, v11;
	v18 =	vmul.f32 $8.000000000e+00, v25;
	v25 =	vld [tilespmem:s29+$0x20]  }
0x160: {  	v28 =	vld [tilespmem:s28+$0xFFFFE050];
	[tilespmem:v20+s19+$0x0] =	vst.idx.msk $0xffff, v19;
	v19 =	vadd.s32 v4, v9;
	v20 =	vmul.f32 $8.000000000e+00, v26  }
0x161: {  	v23 =	vmul.f32 $8.000000000e+00, v23;
	v26 =	vld [tilespmem:s26+$0xFFFFE070];
	[tilespmem:v27+s19+$0x0] =	vst.idx.msk $0xffff, v18;
	v18 =	vadd.s32 v6, v15  }
0x162: {  	v27 =	vadd.s32 v1, v12;
	v21 =	vmul.f32 $8.000000000e+00, v21;
	v29 =	vld [tilespmem:s25+$0x50];
	[tilespmem:v24+s19+$0x0] =	vst.idx.msk $0xffff, v20  }
0x163: {  	[tilespmem:v17+s19+$0x0] =	vst.idx.msk $0xffff, v23;
	v23 =	vadd.s32 v3, v10;
	v17 =	vmul.f32 $8.000000000e+00, v22;
	v24 =	vld [tilespmem:s29+$0x70]  }
0x164: {  	v30 =	vld [tilespmem:s28+$0xFFFFE010];
	[tilespmem:v16+s19+$0x0] =	vst.idx.msk $0xffff, v21;
	v21 =	vadd.s32 v5, v8;
	v20 =	vmul.f32 $8.000000000e+00, v25  }
0x165: {  	v31 =	vadd.s32 v7, v14;
	v25 =	vmul.f32 $8.000000000e+00, v28;
	v28 =	vld [tilespmem:s26+$0xFFFFE030];
	[tilespmem:v19+s19+$0x0] =	vst.idx.msk $0xffff, v17  }
0x166: {  	v22 =	vadd.s32 v1, v13;
	v14 =	vmul.f32 $8.000000000e+00, v26;
	v16 =	vld [tilespmem:s25+$0x10];
	[tilespmem:v18+s19+$0x0] =	vst.idx.msk $0xffff, v20  }
0x167: {  	s30 =	simm.s32 $0xC600;
	s1 =	simm.s32 $0x9;
	v20 =	vadd.s32 v3, v11;
	[tilespmem:v27+s19+$0x0] =	vst.idx.msk $0xffff, v25;
	v19 =	vmul.f32 $8.000000000e+00, v29;
	v17 =	vld [tilespmem:s29+$0x30]  }
0x168: {  	v26 =	vmov s1;
	v18 =	vadd.s32 v5, v9;
	v25 =	vld [tilespmem:s30+$0xFFFFE040];
	[tilespmem:v23+s19+$0x0] =	vst.idx.msk $0xffff, v14;
	v29 =	vmul.f32 $8.000000000e+00, v24  }
0x169: {  	v14 =	vand.u32 $0x7F, v26;
	v23 =	vld [tilespmem:s28+$0xFFFFE060];
	v27 =	vmul.f32 $8.000000000e+00, v30;
	[tilespmem:v21+s19+$0x0] =	vst.idx.msk $0xffff, v19;
	v19 =	vadd.s32 v7, v15  }
0x16a: {  	s0 =	simm.s32 $0x8;
	s31 =	simm.s32 $0xA;
	s29 =	simm.s32 $0xC600;
	v26 =	vadd.s32 v0, v14;
	v21 =	vld [tilespmem:s26+$0x40];
	v24 =	vmul.f32 $8.000000000e+00, v28;
	[tilespmem:v31+s19+$0x0] =	vst.idx.msk $0xffff, v29  }
.LBB2_7:
0x16b: {  	p0 =	slt.u32 s31, $0x7E;
	[tilespmem:v22+s19+$0x0] =	vst.idx.msk $0xffff, v27;
	v15 =	vadd.s32 v2, v12;
	v16 =	vmul.f32 $8.000000000e+00, v16;
	v22 =	vld [tilespmem:s25+$0x60]  }
0x16c: {  	v27 =	vmov s0;
	s0 =	smov.u32 s31;
	v28 =	vld [tilespmem:s30+$0xFFFFE000];
	[tilespmem:v20+s19+$0x0] =	vst.idx.msk $0xffff, v24;
	v20 =	vadd.s32 v4, v10;
	v17 =	vmul.f32 $8.000000000e+00, v17  }
0x16d: {  	v29 =	vand.u32 $0x7E, v27;
	v24 =	vmul.f32 $8.000000000e+00, v25;
	v25 =	vld [tilespmem:s28+$0xFFFFE020];
	[tilespmem:v18+s19+$0x0] =	vst.idx.msk $0xffff, v16;
	v16 =	vadd.s32 v6, v8  }
0x16e: {  	v18 =	vadd.s32 v0, v29;
	v23 =	vmul.f32 $8.000000000e+00, v23;
	v27 =	vld [tilespmem:s26+$0x0];
	[tilespmem:v19+s19+$0x0] =	vst.idx.msk $0xffff, v17  }
0x16f: {  	v17 =	vadd.s32 v2, v13;
	[tilespmem:v26+s19+$0x0] =	vst.idx.msk $0xffff, v24;
	v19 =	vmul.f32 $8.000000000e+00, v21;
	v21 =	vld [tilespmem:s25+$0x20]  }
0x170: {  	v24 =	vld [tilespmem:s30+$0xFFFFE050];
	[tilespmem:v15+s19+$0x0] =	vst.idx.msk $0xffff, v23;
	v15 =	vadd.s32 v4, v11;
	v22 =	vmul.f32 $8.000000000e+00, v22  }
0x171: {  	v23 =	vmul.f32 $8.000000000e+00, v28;
	v26 =	vld [tilespmem:s28+$0xFFFFE070];
	[tilespmem:v20+s19+$0x0] =	vst.idx.msk $0xffff, v19;
	v19 =	vadd.s32 v6, v9  }
0x172: {  	v20 =	vadd.s32 v1, v14;
	v25 =	vmul.f32 $8.000000000e+00, v25;
	v28 =	vld [tilespmem:s26+$0x50];
	[tilespmem:v16+s19+$0x0] =	vst.idx.msk $0xffff, v22  }
0x173: {  	[tilespmem:v18+s19+$0x0] =	vst.idx.msk $0xffff, v23;
	v18 =	vadd.s32 v3, v12;
	v16 =	vmul.f32 $8.000000000e+00, v27;
	v23 =	vld [tilespmem:s25+$0x70]  }
0x174: {  	v30 =	vadd.s32 v5, v10;
	v27 =	vld [tilespmem:s30+$0xFFFFE010];
	[tilespmem:v17+s19+$0x0] =	vst.idx.msk $0xffff, v25;
	v17 =	vmul.f32 $8.000000000e+00, v21  }
0x175: {  	v21 =	vmul.f32 $8.000000000e+00, v24;
	v24 =	vld [tilespmem:s28+$0xFFFFE030];
	[tilespmem:v15+s19+$0x0] =	vst.idx.msk $0xffff, v16;
	v15 =	vadd.s32 v7, v8;
	v8 =	vmovc v10;
	v10 =	vmov v12  }
.Ltmp2:
0x176: {  	v22 =	vadd.s32 v1, v29;
	v12 =	vmov v14;
	v26 =	vmul.f32 $8.000000000e+00, v26;
	v16 =	vld [tilespmem:s26+$0x10];
	[tilespmem:v19+s19+$0x0] =	vst.idx.msk $0xffff, v17;
	(pc) =	sbr.rel @p0 .LBB2_7-.Ltmp2, $4  }
0x177: {  	s1 =	sadd.s32 $0x1, s31;
	s30 =	sadd.s32 $0x80, s30;
	[tilespmem:v20+s19+$0x0] =	vst.idx.msk $0xffff, v21;
	v20 =	vadd.s32 v3, v13;
	v19 =	vmul.f32 $8.000000000e+00, v28;
	v17 =	vld [tilespmem:s25+$0x30];
	s25 =	smov.u32 s26  }
0x178: {  	v14 =	vmov s1;
	s26 =	smov.u32 s28;
	s28 =	smov.u32 s29;
	s29 =	smov.u32 s30;
	v25 =	vld [tilespmem:s30+$0xFFFFE040];
	[tilespmem:v18+s19+$0x0] =	vst.idx.msk $0xffff, v26;
	v18 =	vadd.s32 v5, v11;
	v28 =	vmul.f32 $8.000000000e+00, v23  }
0x179: {  	v14 =	vand.u32 $0x7F, v14;
	v27 =	vmul.f32 $8.000000000e+00, v27;
	v23 =	vld [tilespmem:s28+$0xFFFFE060];
	[tilespmem:v30+s19+$0x0] =	vst.idx.msk $0xffff, v19;
	v19 =	vadd.s32 v7, v9;
	v9 =	vmovc v11  }
0x17a: {  	s31 =	sadd.s32 $0x2, s31;
	v26 =	vadd.s32 v0, v14;
	v11 =	vmovc v13;
	v13 =	vmov v29;
	v24 =	vmul.f32 $8.000000000e+00, v24;
	v21 =	vld [tilespmem:s26+$0x40];
	[tilespmem:v15+s19+$0x0] =	vst.idx.msk $0xffff, v28  }
0x17b: {  	v15 =	vmov s0;
	v28 =	vld [tilespmem:s30+$0xFFFFE000]  }
0x17c: {  	v15 =	vand.u32 $0x7E, v15  }
0x17d: {  	v29 =	vadd.s32 v0, v15;
	_ =	sdelay $0x1  }
0x17e: {  	v25 =	vmul.f32 $8.000000000e+00, v25  }
0x17f: {  	v28 =	vmul.f32 $8.000000000e+00, v28  }
0x180: {  	[tilespmem:v26+s19+$0x0] =	vst.idx.msk $0xffff, v25  }
0x181: {  	v25 =	vld [tilespmem:s30+$0xFFFFE050];
	[tilespmem:v29+s19+$0x0] =	vst.idx.msk $0xffff, v28  }
0x182: {  	v35 =	vld [tilespmem:s30+$0xFFFFE010]  }
0x183: {  	v36 =	vadd.s32 v1, v14  }
0x184: {  	v37 =	vadd.s32 v1, v15;
	_ =	sdelay $0x1  }
0x185: {  	[tilespmem:v22+s19+$0x0] =	vst.idx.msk $0xffff, v27;
	v25 =	vmul.f32 $8.000000000e+00, v25  }
0x186: {  	v39 =	vld [tilespmem:s28+$0xFFFFE020];
	v38 =	vmul.f32 $8.000000000e+00, v35  }
0x187: {  	v40 =	vadd.s32 v2, v12;
	[tilespmem:v36+s19+$0x0] =	vst.idx.msk $0xffff, v25  }
0x188: {  	v42 =	vadd.s32 v2, v13;
	v41 =	vld [tilespmem:s29+$0xFFFFE060];
	[tilespmem:v37+s19+$0x0] =	vst.idx.msk $0xffff, v38  }
0x189: {  	v43 =	vld [tilespmem:s29+$0xFFFFE020]  }
0x18a: {  	v44 =	vadd.s32 v2, v14;
	v23 =	vmul.f32 $8.000000000e+00, v23  }
0x18b: {  	v30 =	vadd.s32 v2, v15;
	v26 =	vmul.f32 $8.000000000e+00, v39  }
0x18c: {  	[tilespmem:v40+s19+$0x0] =	vst.idx.msk $0xffff, v23  }
0x18d: {  	[tilespmem:v42+s19+$0x0] =	vst.idx.msk $0xffff, v26;
	v25 =	vld [tilespmem:s28+$0xFFFFE070];
	v45 =	vmul.f32 $8.000000000e+00, v41  }
0x18e: {  	v26 =	vld [tilespmem:s28+$0xFFFFE030];
	v46 =	vmul.f32 $8.000000000e+00, v43  }
0x18f: {  	v47 =	vadd.s32 v3, v12;
	[tilespmem:v44+s19+$0x0] =	vst.idx.msk $0xffff, v45  }
0x190: {  	v49 =	vadd.s32 v3, v13;
	v48 =	vld [tilespmem:s29+$0xFFFFE070];
	[tilespmem:v30+s19+$0x0] =	vst.idx.msk $0xffff, v46  }
0x191: {  	v50 =	vld [tilespmem:s29+$0xFFFFE030]  }
0x192: {  	v51 =	vadd.s32 v3, v14;
	v25 =	vmul.f32 $8.000000000e+00, v25  }
0x193: {  	[tilespmem:v20+s19+$0x0] =	vst.idx.msk $0xffff, v24;
	v52 =	vadd.s32 v3, v15;
	v53 =	vmul.f32 $8.000000000e+00, v26  }
0x194: {  	v55 =	vadd.s32 v4, v10;
	v24 =	vld [tilespmem:s26+$0x0];
	[tilespmem:v47+s19+$0x0] =	vst.idx.msk $0xffff, v25  }
0x195: {  	[tilespmem:v49+s19+$0x0] =	vst.idx.msk $0xffff, v53;
	v56 =	vld [tilespmem:s28+$0x40];
	v54 =	vmul.f32 $8.000000000e+00, v48  }
0x196: {  	v58 =	vadd.s32 v4, v11;
	v59 =	vld [tilespmem:s28+$0x0];
	v57 =	vmul.f32 $8.000000000e+00, v50  }
0x197: {  	v60 =	vadd.s32 v4, v12;
	v62 =	vmul.f32 $8.000000000e+00, v21;
	[tilespmem:v51+s19+$0x0] =	vst.idx.msk $0xffff, v54  }
0x198: {  	v63 =	vadd.s32 v4, v13;
	v61 =	vld [tilespmem:s29+$0x40];
	[tilespmem:v52+s19+$0x0] =	vst.idx.msk $0xffff, v57  }
0x199: {  	[tilespmem:v55+s19+$0x0] =	vst.idx.msk $0xffff, v62;
	v24 =	vmul.f32 $8.000000000e+00, v24;
	v33 =	vld [tilespmem:s29+$0x0]  }
0x19a: {  	v34 =	vadd.s32 v4, v14;
	v37 =	vld [tilespmem:s26+$0x50];
	v35 =	vmul.f32 $8.000000000e+00, v56  }
0x19b: {  	[tilespmem:v58+s19+$0x0] =	vst.idx.msk $0xffff, v24;
	v36 =	vadd.s32 v4, v15;
	v38 =	vmul.f32 $8.000000000e+00, v59  }
0x19c: {  	v16 =	vmul.f32 $8.000000000e+00, v16;
	v39 =	vld [tilespmem:s26+$0x10];
	v41 =	vadd.s32 v5, v10;
	[tilespmem:v60+s19+$0x0] =	vst.idx.msk $0xffff, v35  }
0x19d: {  	[tilespmem:v63+s19+$0x0] =	vst.idx.msk $0xffff, v38;
	v42 =	vld [tilespmem:s28+$0x50];
	v40 =	vmul.f32 $8.000000000e+00, v61  }
0x19e: {  	[tilespmem:v18+s19+$0x0] =	vst.idx.msk $0xffff, v16;
	v44 =	vadd.s32 v5, v11;
	v45 =	vld [tilespmem:s28+$0x10];
	v43 =	vmul.f32 $8.000000000e+00, v33  }
0x19f: {  	v46 =	vadd.s32 v5, v12;
	v48 =	vmul.f32 $8.000000000e+00, v37;
	v50 =	vld [tilespmem:s25+$0x60];
	[tilespmem:v34+s19+$0x0] =	vst.idx.msk $0xffff, v40  }
0x1a0: {  	v17 =	vmul.f32 $8.000000000e+00, v17;
	v49 =	vadd.s32 v5, v13;
	v47 =	vld [tilespmem:s29+$0x50];
	[tilespmem:v36+s19+$0x0] =	vst.idx.msk $0xffff, v43  }
0x1a1: {  	v56 =	vadd.s32 v6, v8;
	v51 =	vmul.f32 $8.000000000e+00, v39;
	[tilespmem:v41+s19+$0x0] =	vst.idx.msk $0xffff, v48;
	v21 =	vld [tilespmem:s29+$0x10]  }
0x1a2: {  	[tilespmem:v19+s19+$0x0] =	vst.idx.msk $0xffff, v17;
	v52 =	vadd.s32 v5, v14;
	v57 =	vld [tilespmem:s26+$0x60];
	v54 =	vmul.f32 $8.000000000e+00, v42  }
0x1a3: {  	v55 =	vadd.s32 v5, v15;
	v53 =	vld [tilespmem:s25+$0x20];
	[tilespmem:v44+s19+$0x0] =	vst.idx.msk $0xffff, v51;
	v58 =	vmul.f32 $8.000000000e+00, v45  }
0x1a4: {  	v62 =	vadd.s32 v6, v10;
	v60 =	vld [tilespmem:s26+$0x20];
	[tilespmem:v46+s19+$0x0] =	vst.idx.msk $0xffff, v54;
	v33 =	vmul.f32 $8.000000000e+00, v50  }
0x1a5: {  	v59 =	vadd.s32 v6, v9;
	[tilespmem:v49+s19+$0x0] =	vst.idx.msk $0xffff, v58;
	v63 =	vld [tilespmem:s28+$0x60];
	v61 =	vmul.f32 $8.000000000e+00, v47  }
0x1a6: {  	v35 =	vld [tilespmem:s28+$0x20];
	v34 =	vadd.s32 v6, v11;
	[tilespmem:v56+s19+$0x0] =	vst.idx.msk $0xffff, v33;
	v32 =	vmul.f32 $8.000000000e+00, v21  }
0x1a7: {  	v37 =	vadd.s32 v6, v12;
	v39 =	vmul.f32 $8.000000000e+00, v57;
	v26 =	vld [tilespmem:s25+$0x70];
	[tilespmem:v52+s19+$0x0] =	vst.idx.msk $0xffff, v61  }
0x1a8: {  	v40 =	vadd.s32 v6, v13;
	v36 =	vmul.f32 $8.000000000e+00, v53;
	v38 =	vld [tilespmem:s29+$0x60];
	[tilespmem:v55+s19+$0x0] =	vst.idx.msk $0xffff, v32  }
0x1a9: {  	v8 =	vadd.s32 v7, v8;
	v41 =	vmul.f32 $8.000000000e+00, v60;
	[tilespmem:v62+s19+$0x0] =	vst.idx.msk $0xffff, v39;
	v23 =	vld [tilespmem:s29+$0x20]  }
0x1aa: {  	v42 =	vadd.s32 v6, v14;
	[tilespmem:v59+s19+$0x0] =	vst.idx.msk $0xffff, v36;
	v44 =	vmul.f32 $8.000000000e+00, v63  }
0x1ab: {  	v45 =	vadd.s32 v6, v15;
	v46 =	vld [tilespmem:s26+$0x70];
	[tilespmem:v34+s19+$0x0] =	vst.idx.msk $0xffff, v41;
	v47 =	vmul.f32 $8.000000000e+00, v35  }
0x1ac: {  	v43 =	vld [tilespmem:s25+$0x30];
	[tilespmem:v37+s19+$0x0] =	vst.idx.msk $0xffff, v44;
	v52 =	vmul.f32 $8.000000000e+00, v26  }
0x1ad: {  	v50 =	vadd.s32 v7, v10;
	v19 =	vld [tilespmem:s28+$0x70];
	[tilespmem:v40+s19+$0x0] =	vst.idx.msk $0xffff, v47;
	v49 =	vmul.f32 $8.000000000e+00, v38  }
0x1ae: {  	v48 =	vadd.s32 v7, v9;
	v21 =	vld [tilespmem:s26+$0x30];
	[tilespmem:v8+s19+$0x0] =	vst.idx.msk $0xffff, v52;
	v51 =	vmul.f32 $8.000000000e+00, v23  }
0x1af: {  	v56 =	vadd.s32 v7, v12;
	v54 =	vld [tilespmem:s28+$0x30];
	[tilespmem:v42+s19+$0x0] =	vst.idx.msk $0xffff, v49  }
0x1b0: {  	v53 =	vadd.s32 v7, v11;
	v8 =	vmul.f32 $8.000000000e+00, v46;
	v57 =	vld [tilespmem:s29+$0x70];
	[tilespmem:v45+s19+$0x0] =	vst.idx.msk $0xffff, v51  }
0x1b1: {  	v58 =	vadd.s32 v7, v13;
	v55 =	vmul.f32 $8.000000000e+00, v43;
	v16 =	vld [tilespmem:s29+$0x30]  }
0x1b2: {  	v60 =	vadd.s32 v7, v14;
	[tilespmem:v50+s19+$0x0] =	vst.idx.msk $0xffff, v8;
	v8 =	vmul.f32 $8.000000000e+00, v19  }
0x1b3: {  	v61 =	vadd.s32 v7, v15;
	[tilespmem:v48+s19+$0x0] =	vst.idx.msk $0xffff, v55;
	v59 =	vmul.f32 $8.000000000e+00, v21  }
0x1b4: {  	v62 =	vmul.f32 $8.000000000e+00, v54;
	[tilespmem:v56+s19+$0x0] =	vst.idx.msk $0xffff, v8  }
0x1b5: {  	[tilespmem:v53+s19+$0x0] =	vst.idx.msk $0xffff, v59;
	v8 =	vmul.f32 $8.000000000e+00, v57  }
0x1b6: {  	[tilespmem:v58+s19+$0x0] =	vst.idx.msk $0xffff, v62;
	v63 =	vmul.f32 $8.000000000e+00, v16  }
0x1b7: {  	[tilespmem:v60+s19+$0x0] =	vst.idx.msk $0xffff, v8  }
0x1b8: {  	s1 =	sadd.s32 s24, s6;
	s25 =	simm.s32 $0x14A00;
	[tilespmem:v61+s19+$0x0] =	vst.idx.msk $0xffff, v63  }
0x1b9: {  	[hbm4b:s1+s2] =	stream.linear.scatter [tilespmem:s25], [sflag:$0x4], $0x80, $0x38;
	[tilespmem:$0x1B000] =	vst v63  }
0x1ba: {  	s24 =	sadd.s32 $0x10, s1;
	s26 =	simm.s32 $0x14A88  }
0x1bb: {  	[hbm4b:s24+s2] =	stream.linear.scatter [tilespmem:s26], [sflag:$0x4], $0x80, $0x38;
	[tilespmem:$0x1B000] =	vst v63  }
0x1bc: {  	s31 =	sadd.s32 $0x20, s1;
	s30 =	simm.s32 $0x14B10  }
0x1bd: {  	[hbm4b:s31+s2] =	stream.linear.scatter [tilespmem:s30], [sflag:$0x4], $0x80, $0x38;
	[tilespmem:$0x1B000] =	vst v63  }
0x1be: {  	s25 =	simm.s32 $0x14B98;
	s26 =	sadd.s32 $0x30, s1  }
0x1bf: {  	[hbm4b:s26+s2] =	stream.linear.scatter [tilespmem:s25], [sflag:$0x4], $0x80, $0x38;
	[tilespmem:$0x1B000] =	vst v63  }
0x1c0: {  	s30 =	simm.s32 $0x14C20;
	s31 =	sadd.s32 $0x40, s1  }
0x1c1: {  	[hbm4b:s31+s2] =	stream.linear.scatter [tilespmem:s30], [sflag:$0x4], $0x80, $0x38;
	[tilespmem:$0x1B000] =	vst v63  }
0x1c2: {  	s25 =	simm.s32 $0x14CA8;
	s26 =	sadd.s32 $0x50, s1  }
0x1c3: {  	[hbm4b:s26+s2] =	stream.linear.scatter [tilespmem:s25], [sflag:$0x4], $0x80, $0x38;
	[tilespmem:$0x1B000] =	vst v63  }
0x1c4: {  	s30 =	simm.s32 $0x14D30;
	s31 =	sadd.s32 $0x60, s1  }
0x1c5: {  	[hbm4b:s31+s2] =	stream.linear.scatter [tilespmem:s30], [sflag:$0x4], $0x80, $0x38;
	[tilespmem:$0x1B000] =	vst v63  }
0x1c6: {  	s25 =	simm.s32 $0x14DB8;
	s26 =	sadd.s32 $0x70, s1  }
0x1c7: {  	[hbm4b:s26+s2] =	stream.linear.scatter [tilespmem:s25], [sflag:$0x4], $0x80, $0x38;
	[tilespmem:$0x1B000] =	vst v63  }
0x1c8: {  	s30 =	simm.s32 $0x15060;
	s31 =	sadd.s32 $0x80, s1  }
0x1c9: {  	[hbm4b:s31+s2] =	stream.linear.scatter [tilespmem:s30], [sflag:$0x4], $0x80, $0x38;
	[tilespmem:$0x1B000] =	vst v63  }
0x1ca: {  	s25 =	simm.s32 $0x150E8;
	s26 =	sadd.s32 $0x90, s1  }
0x1cb: {  	[hbm4b:s26+s2] =	stream.linear.scatter [tilespmem:s25], [sflag:$0x4], $0x80, $0x38;
	[tilespmem:$0x1B000] =	vst v63  }
0x1cc: {  	s0 =	simm.s32 $0x15418;
	s30 =	simm.s32 $0x15170;
	s31 =	sadd.s32 $0xA0, s1  }
0x1cd: {  	[hbm4b:s31+s2] =	stream.linear.scatter [tilespmem:s30], [sflag:$0x4], $0x80, $0x38;
	[tilespmem:$0x1B000] =	vst v63  }
0x1ce: {  	s28 =	simm.s32 $0x6600;
	s25 =	simm.s32 $0x151F8;
	s26 =	sadd.s32 $0xB0, s1  }
0x1cf: {  	[hbm4b:s26+s2] =	stream.linear.scatter [tilespmem:s25], [sflag:$0x4], $0x80, $0x38;
	[tilespmem:$0x1B000] =	vst v63  }
0x1d0: {  	s29 =	sadd.s32 $0xF0, s1;
	s30 =	simm.s32 $0x15280;
	s31 =	sadd.s32 $0xC0, s1  }
0x1d1: {  	[hbm4b:s31+s2] =	stream.linear.scatter [tilespmem:s30], [sflag:$0x4], $0x80, $0x38;
	[tilespmem:$0x1B000] =	vst v63  }
0x1d2: {  	s24 =	simm.s32 $0xCC0;
	s25 =	simm.s32 $0x15308;
	s26 =	sadd.s32 $0xD0, s1  }
0x1d3: {  	[hbm4b:s26+s2] =	stream.linear.scatter [tilespmem:s25], [sflag:$0x4], $0x80, $0x38;
	[tilespmem:$0x1B000] =	vst v63  }
0x1d4: {  	s30 =	simm.s32 $0x15390;
	s31 =	sadd.s32 $0xE0, s1;
	s25 =	sadd.s32 $0x4000, s1  }
0x1d5: {  	[hbm4b:s31+s2] =	stream.linear.scatter [tilespmem:s30], [sflag:$0x4], $0x80, $0x38;
	[tilespmem:$0x1B000] =	vst v63  }
.LBB2_9:
0x1d6: {  	[hbm4b:s29+s2] =	stream.linear.scatter [tilespmem:s0], [sflag:$0x4], $0x80, $0x38;
	[tilespmem:$0x1B000] =	vst v63  }
0x1d7: {  	s0 =	smov.u32 s24;
	s1 =	smov.u32 s28  }
0x1d8: {  	s26 =	sadd.s32 $0x3300, s28;
	s24 =	sshra.s32 s1, $0x2;
	s1 =	sadd.s32 $0x14A00, s0  }
0x1d9: {  	[hbm4b:s25+s2] =	stream.linear.scatter [tilespmem:s1], [sflag:$0x4], $0x80, $0x38;
	[tilespmem:$0x1B000] =	vst v63  }
0x1da: {  	p0 =	sne.s32 s28, $0x16500;
	s28 =	sadd.s32 $0x10, s25;
	s1 =	sadd.s32 $0x14A88, s0  }
0x1db: {  	[hbm4b:s28+s2] =	stream.linear.scatter [tilespmem:s1], [sflag:$0x4], $0x80, $0x38;
	[tilespmem:$0x1B000] =	vst v63  }
0x1dc: {  	s1 =	sadd.s32 $0x14B10, s0;
	s28 =	sadd.s32 $0x20, s25  }
0x1dd: {  	[hbm4b:s28+s2] =	stream.linear.scatter [tilespmem:s1], [sflag:$0x4], $0x80, $0x38;
	[tilespmem:$0x1B000] =	vst v63  }
0x1de: {  	s1 =	sadd.s32 $0x14B98, s0;
	s28 =	sadd.s32 $0x30, s25  }
0x1df: {  	[hbm4b:s28+s2] =	stream.linear.scatter [tilespmem:s1], [sflag:$0x4], $0x80, $0x38;
	[tilespmem:$0x1B000] =	vst v63  }
0x1e0: {  	s1 =	sadd.s32 $0x14C20, s0;
	s28 =	sadd.s32 $0x40, s25  }
0x1e1: {  	[hbm4b:s28+s2] =	stream.linear.scatter [tilespmem:s1], [sflag:$0x4], $0x80, $0x38;
	[tilespmem:$0x1B000] =	vst v63  }
0x1e2: {  	s1 =	sadd.s32 $0x14CA8, s0;
	s28 =	sadd.s32 $0x50, s25  }
0x1e3: {  	[hbm4b:s28+s2] =	stream.linear.scatter [tilespmem:s1], [sflag:$0x4], $0x80, $0x38;
	[tilespmem:$0x1B000] =	vst v63  }
0x1e4: {  	s1 =	sadd.s32 $0x14D30, s0;
	s28 =	sadd.s32 $0x60, s25  }
0x1e5: {  	[hbm4b:s28+s2] =	stream.linear.scatter [tilespmem:s1], [sflag:$0x4], $0x80, $0x38;
	[tilespmem:$0x1B000] =	vst v63  }
0x1e6: {  	s1 =	sadd.s32 $0x14DB8, s0;
	s28 =	sadd.s32 $0x70, s25  }
0x1e7: {  	[hbm4b:s28+s2] =	stream.linear.scatter [tilespmem:s1], [sflag:$0x4], $0x80, $0x38;
	[tilespmem:$0x1B000] =	vst v63  }
0x1e8: {  	s1 =	sadd.s32 $0x15060, s0;
	s28 =	sadd.s32 $0x80, s25  }
0x1e9: {  	[hbm4b:s28+s2] =	stream.linear.scatter [tilespmem:s1], [sflag:$0x4], $0x80, $0x38;
	[tilespmem:$0x1B000] =	vst v63  }
0x1ea: {  	s1 =	sadd.s32 $0x150E8, s0;
	s28 =	sadd.s32 $0x90, s25  }
0x1eb: {  	[hbm4b:s28+s2] =	stream.linear.scatter [tilespmem:s1], [sflag:$0x4], $0x80, $0x38;
	[tilespmem:$0x1B000] =	vst v63  }
0x1ec: {  	s1 =	sadd.s32 $0x15170, s0;
	s28 =	sadd.s32 $0xA0, s25  }
0x1ed: {  	[hbm4b:s28+s2] =	stream.linear.scatter [tilespmem:s1], [sflag:$0x4], $0x80, $0x38;
	[tilespmem:$0x1B000] =	vst v63  }
0x1ee: {  	s1 =	sadd.s32 $0x151F8, s0;
	s28 =	sadd.s32 $0xB0, s25  }
0x1ef: {  	[hbm4b:s28+s2] =	stream.linear.scatter [tilespmem:s1], [sflag:$0x4], $0x80, $0x38;
	[tilespmem:$0x1B000] =	vst v63  }
0x1f0: {  	s1 =	sadd.s32 $0x15280, s0;
	s28 =	sadd.s32 $0xC0, s25  }
0x1f1: {  	[hbm4b:s28+s2] =	stream.linear.scatter [tilespmem:s1], [sflag:$0x4], $0x80, $0x38;
	[tilespmem:$0x1B000] =	vst v63  }
.Ltmp3:
0x1f2: {  	s1 =	sadd.s32 $0x15308, s0;
	s28 =	sadd.s32 $0xD0, s25;
	(pc) =	sbr.rel @p0 .LBB2_9-.Ltmp3, $4  }
0x1f3: {  	[hbm4b:s28+s2] =	stream.linear.scatter [tilespmem:s1], [sflag:$0x4], $0x80, $0x38;
	[tilespmem:$0x1B000] =	vst v63  }
0x1f4: {  	s29 =	sadd.s32 $0xF0, s25;
	s1 =	sadd.s32 $0x15390, s0;
	s28 =	sadd.s32 $0xE0, s25  }
0x1f5: {  	[hbm4b:s28+s2] =	stream.linear.scatter [tilespmem:s1], [sflag:$0x4], $0x80, $0x38;
	[tilespmem:$0x1B000] =	vst v63  }
0x1f6: {  	s0 =	sadd.s32 $0x15418, s0;
	s25 =	sadd.s32 $0x4000, s25;
	s28 =	smov.u32 s26  }
0x1f7: {  	[hbm4b:s29+s2] =	stream.linear.scatter [tilespmem:s0], [sflag:$0x4], $0x80, $0x38;
	[tilespmem:$0x1B000] =	vst v63  }
0x1f8: {  	s30 =	sadd.s32 $0x14A00, s24  }
0x1f9: {  	[hbm4b:s25+s2] =	stream.linear.scatter [tilespmem:s30], [sflag:$0x4], $0x80, $0x38;
	[tilespmem:$0x1B000] =	vst v63  }
0x1fa: {  	s31 =	sadd.s32 $0x14A88, s24;
	s1 =	sadd.s32 $0x10, s25  }
0x1fb: {  	[hbm4b:s1+s2] =	stream.linear.scatter [tilespmem:s31], [sflag:$0x4], $0x80, $0x38;
	[tilespmem:$0x1B000] =	vst v63  }
0x1fc: {  	s26 =	sadd.s32 $0x20, s25;
	s1 =	sadd.s32 $0x14B10, s24  }
0x1fd: {  	[hbm4b:s26+s2] =	stream.linear.scatter [tilespmem:s1], [sflag:$0x4], $0x80, $0x38;
	[tilespmem:$0x1B000] =	vst v63  }
0x1fe: {  	s28 =	sadd.s32 $0x14B98, s24;
	s29 =	sadd.s32 $0x30, s25  }
0x1ff: {  	[hbm4b:s29+s2] =	stream.linear.scatter [tilespmem:s28], [sflag:$0x4], $0x80, $0x38;
	[tilespmem:$0x1B000] =	vst v63  }
0x200: {  	s30 =	sadd.s32 $0x14C20, s24;
	s31 =	sadd.s32 $0x40, s25  }
0x201: {  	[hbm4b:s31+s2] =	stream.linear.scatter [tilespmem:s30], [sflag:$0x4], $0x80, $0x38;
	[tilespmem:$0x1B000] =	vst v63  }
0x202: {  	s1 =	sadd.s32 $0x14CA8, s24;
	s26 =	sadd.s32 $0x50, s25  }
0x203: {  	[hbm4b:s26+s2] =	stream.linear.scatter [tilespmem:s1], [sflag:$0x4], $0x80, $0x38;
	[tilespmem:$0x1B000] =	vst v63  }
0x204: {  	s28 =	sadd.s32 $0x14D30, s24;
	s29 =	sadd.s32 $0x60, s25  }
0x205: {  	[hbm4b:s29+s2] =	stream.linear.scatter [tilespmem:s28], [sflag:$0x4], $0x80, $0x38;
	[tilespmem:$0x1B000] =	vst v63  }
0x206: {  	s30 =	sadd.s32 $0x14DB8, s24;
	s31 =	sadd.s32 $0x70, s25  }
0x207: {  	[hbm4b:s31+s2] =	stream.linear.scatter [tilespmem:s30], [sflag:$0x4], $0x80, $0x38;
	[tilespmem:$0x1B000] =	vst v63  }
0x208: {  	s1 =	sadd.s32 $0x15060, s24;
	s26 =	sadd.s32 $0x80, s25  }
0x209: {  	[hbm4b:s26+s2] =	stream.linear.scatter [tilespmem:s1], [sflag:$0x4], $0x80, $0x38;
	[tilespmem:$0x1B000] =	vst v63  }
0x20a: {  	s28 =	sadd.s32 $0x150E8, s24;
	s29 =	sadd.s32 $0x90, s25  }
0x20b: {  	[hbm4b:s29+s2] =	stream.linear.scatter [tilespmem:s28], [sflag:$0x4], $0x80, $0x38;
	[tilespmem:$0x1B000] =	vst v63  }
0x20c: {  	s30 =	sadd.s32 $0x15170, s24;
	s31 =	sadd.s32 $0xA0, s25  }
0x20d: {  	[hbm4b:s31+s2] =	stream.linear.scatter [tilespmem:s30], [sflag:$0x4], $0x80, $0x38;
	[tilespmem:$0x1B000] =	vst v63  }
0x20e: {  	s1 =	sadd.s32 $0x151F8, s24;
	s26 =	sadd.s32 $0xB0, s25  }
0x20f: {  	[hbm4b:s26+s2] =	stream.linear.scatter [tilespmem:s1], [sflag:$0x4], $0x80, $0x38;
	[tilespmem:$0x1B000] =	vst v63  }
0x210: {  	s28 =	sadd.s32 $0x15280, s24;
	s29 =	sadd.s32 $0xC0, s25  }
0x211: {  	[hbm4b:s29+s2] =	stream.linear.scatter [tilespmem:s28], [sflag:$0x4], $0x80, $0x38;
	[tilespmem:$0x1B000] =	vst v63  }
0x212: {  	s30 =	sadd.s32 $0x15308, s24;
	s31 =	sadd.s32 $0xD0, s25  }
0x213: {  	[hbm4b:s31+s2] =	stream.linear.scatter [tilespmem:s30], [sflag:$0x4], $0x80, $0x38;
	[tilespmem:$0x1B000] =	vst v63  }
0x214: {  	s1 =	sadd.s32 $0x15390, s24;
	s26 =	sadd.s32 $0xE0, s25  }
0x215: {  	[hbm4b:s26+s2] =	stream.linear.scatter [tilespmem:s1], [sflag:$0x4], $0x80, $0x38;
	[tilespmem:$0x1B000] =	vst v63  }
0x216: {  	s28 =	sadd.s32 $0x15418, s24;
	s29 =	sadd.s32 $0xF0, s25  }
0x217: {  	[hbm4b:s29+s2] =	stream.linear.scatter [tilespmem:s28], [sflag:$0x4], $0x80, $0x38;
	[tilespmem:$0x1B000] =	vst v63  }
0x218: {  	s30 =	sshll.u32 s23, $0x9;
	_ =	swait.ge [sflag:s20], $0x4000  }
0x219: {  	s23 =	sadd.s32 $0x1, s23;
	s0 =	sand.u32 $0x3FFFFE00, s30;
	[sflag:s20] =	ssyncset.done $0x0  }
0x21a: {  	p0 =	sne.s32 s23, $0x31;
	s31 =	sadd.s32 $0x200, s0;
	[sflag:s20] =	ssyncadd.s32 $0xFFFFC000  }
0x21b: {  	[tilespmem:s14], [sflag:$0x1] =	stream.indirect.gather [hbm4b:s3+s13], $0x40, s31, s13, $0xb8;
	[tilespmem:$0x1B000] =	vst v63  }
.Ltmp4:
0x21c: {  	_ = 	snop;
	(pc) =	sbr.rel @p0 .LBB2_2-.Ltmp4, $4  }
0x21d: {  	_ =	swait.ge [sflag:s21], $0x4000  }
0x21e: {  	[sflag:s21] =	ssyncset.done $0x0  }
0x21f: {  	s0 =	sadd.s32 $0x300, s0;
	[sflag:s21] =	ssyncadd.s32 $0xFFFFC000  }
0x220: {  	[tilespmem:s15], [sflag:$0x2] =	stream.indirect.gather [hbm4b:s3+s13], $0x40, s0, s13, $0xb8;
	[tilespmem:$0x1B000] =	vst v63  }
0x221: {  	_ =	swait.ge [sflag:s16], $0x4000  }
0x222: {  	[sflag:s16] =	ssyncset.done $0x0  }
0x223: {  	s26 =	simm.s32 $0x8400;
	s0 =	simm.s32 $0x1;
	[sflag:s16] =	ssyncadd.s32 $0xFFFFC000  }
0x224: {  	v8 =	vmov s0;
	v9 =	vld [tilespmem:s26+$0xFFFFE040]  }
0x225: {  	v14 =	vand.u32 $0x7F, v8  }
0x226: {  	v8 =	vadd.s32 v0, v14  }
0x227: {  	s23 =	simm.s32 $0x0  }
0x228: {  	v10 =	vmov s23;
	v11 =	vld [tilespmem:s26+$0xFFFFE000]  }
0x229: {  	v15 =	vand.u32 $0x7E, v10;
	v9 =	vmul.f32 $8.000000000e+00, v9  }
0x22a: {  	v10 =	vadd.s32 v0, v15  }
0x22b: {  	[tilespmem:v8+s17+$0x0] =	vst.idx.msk $0xffff, v9  }
0x22c: {  	v8 =	vld [tilespmem:s26+$0xFFFFE050]  }
0x22d: {  	v9 =	vmul.f32 $8.000000000e+00, v11  }
0x22e: {  	v11 =	vadd.s32 v1, v14  }
0x22f: {  	[tilespmem:v10+s17+$0x0] =	vst.idx.msk $0xffff, v9  }
0x230: {  	v9 =	vld [tilespmem:s26+$0xFFFFE010]  }
0x231: {  	v8 =	vmul.f32 $8.000000000e+00, v8  }
0x232: {  	s24 =	simm.s32 $0x3;
	s23 =	simm.s32 $0x8480;
	v10 =	vadd.s32 v1, v15  }
0x233: {  	[tilespmem:v11+s17+$0x0] =	vst.idx.msk $0xffff, v8;
	v8 =	vmov s24;
	v11 =	vld [tilespmem:s23+$0xFFFFE040]  }
0x234: {  	v8 =	vand.u32 $0x7F, v8;
	v12 =	vld [tilespmem:s26+$0xFFFFE060]  }
0x235: {  	v9 =	vmul.f32 $8.000000000e+00, v9;
	v13 =	vadd.s32 v0, v8  }
0x236: {  	s25 =	simm.s32 $0x2;
	v16 =	vadd.s32 v2, v14  }
0x237: {  	[tilespmem:v10+s17+$0x0] =	vst.idx.msk $0xffff, v9;
	v9 =	vmov s25;
	v10 =	vld [tilespmem:s23+$0xFFFFE000]  }
0x238: {  	v9 =	vand.u32 $0x7E, v9;
	v17 =	vld [tilespmem:s26+$0xFFFFE020];
	v11 =	vmul.f32 $8.000000000e+00, v11  }
0x239: {  	v18 =	vadd.s32 v0, v9;
	v12 =	vmul.f32 $8.000000000e+00, v12  }
0x23a: {  	[tilespmem:v13+s17+$0x0] =	vst.idx.msk $0xffff, v11;
	v11 =	vadd.s32 v2, v15  }
0x23b: {  	v13 =	vld [tilespmem:s23+$0xFFFFE050];
	[tilespmem:v16+s17+$0x0] =	vst.idx.msk $0xffff, v12  }
0x23c: {  	v10 =	vmul.f32 $8.000000000e+00, v10;
	v12 =	vld [tilespmem:s26+$0xFFFFE070]  }
0x23d: {  	v16 =	vadd.s32 v1, v8;
	v17 =	vmul.f32 $8.000000000e+00, v17  }
0x23e: {  	[tilespmem:v18+s17+$0x0] =	vst.idx.msk $0xffff, v10;
	v10 =	vadd.s32 v3, v14  }
0x23f: {  	v18 =	vld [tilespmem:s23+$0xFFFFE010];
	[tilespmem:v11+s17+$0x0] =	vst.idx.msk $0xffff, v17  }
0x240: {  	v11 =	vmul.f32 $8.000000000e+00, v13;
	v13 =	vld [tilespmem:s26+$0xFFFFE030]  }
0x241: {  	s30 =	simm.s32 $0x5;
	s24 =	simm.s32 $0x8500;
	v17 =	vadd.s32 v1, v9;
	v12 =	vmul.f32 $8.000000000e+00, v12  }
0x242: {  	v19 =	vld [tilespmem:s24+$0xFFFFE040];
	[tilespmem:v16+s17+$0x0] =	vst.idx.msk $0xffff, v11;
	v11 =	vadd.s32 v3, v15;
	v16 =	vmov s30  }
0x243: {  	[tilespmem:v10+s17+$0x0] =	vst.idx.msk $0xffff, v12;
	v10 =	vand.u32 $0x7F, v16;
	v12 =	vld [tilespmem:s23+$0xFFFFE060]  }
0x244: {  	v16 =	vmul.f32 $8.000000000e+00, v18;
	v18 =	vadd.s32 v0, v10;
	v20 =	vld [tilespmem:s26+$0x40]  }
0x245: {  	s31 =	simm.s32 $0x4;
	v21 =	vadd.s32 v2, v8;
	v13 =	vmul.f32 $8.000000000e+00, v13  }
0x246: {  	v22 =	vadd.s32 v4, v14;
	[tilespmem:v17+s17+$0x0] =	vst.idx.msk $0xffff, v16;
	v16 =	vmov s31;
	v17 =	vld [tilespmem:s24+$0xFFFFE000]  }
0x247: {  	[tilespmem:v11+s17+$0x0] =	vst.idx.msk $0xffff, v13;
	v11 =	vand.u32 $0x7E, v16;
	v13 =	vmul.f32 $8.000000000e+00, v19;
	v16 =	vld [tilespmem:s23+$0xFFFFE020]  }
0x248: {  	v19 =	vadd.s32 v0, v11;
	v12 =	vmul.f32 $8.000000000e+00, v12;
	v23 =	vld [tilespmem:s26+$0x0]  }
0x249: {  	[tilespmem:v18+s17+$0x0] =	vst.idx.msk $0xffff, v13;
	v13 =	vadd.s32 v2, v9;
	v18 =	vmul.f32 $8.000000000e+00, v20  }
0x24a: {  	v20 =	vld [tilespmem:s24+$0xFFFFE050];
	[tilespmem:v21+s17+$0x0] =	vst.idx.msk $0xffff, v12;
	v12 =	vadd.s32 v4, v15  }
0x24b: {  	v17 =	vmul.f32 $8.000000000e+00, v17;
	v21 =	vld [tilespmem:s23+$0xFFFFE070];
	[tilespmem:v22+s17+$0x0] =	vst.idx.msk $0xffff, v18  }
0x24c: {  	v18 =	vadd.s32 v1, v10;
	v16 =	vmul.f32 $8.000000000e+00, v16;
	v22 =	vld [tilespmem:s26+$0x50]  }
0x24d: {  	[tilespmem:v19+s17+$0x0] =	vst.idx.msk $0xffff, v17;
	v17 =	vadd.s32 v3, v8;
	v19 =	vmul.f32 $8.000000000e+00, v23  }
0x24e: {  	v23 =	vld [tilespmem:s24+$0xFFFFE010];
	[tilespmem:v13+s17+$0x0] =	vst.idx.msk $0xffff, v16;
	v13 =	vadd.s32 v5, v14  }
0x24f: {  	v16 =	vmul.f32 $8.000000000e+00, v20;
	v20 =	vld [tilespmem:s23+$0xFFFFE030];
	[tilespmem:v12+s17+$0x0] =	vst.idx.msk $0xffff, v19  }
0x250: {  	s1 =	simm.s32 $0x7;
	s25 =	simm.s32 $0x8580;
	v19 =	vadd.s32 v1, v11;
	v12 =	vmul.f32 $8.000000000e+00, v21;
	v21 =	vld [tilespmem:s26+$0x10]  }
0x251: {  	v24 =	vld [tilespmem:s25+$0xFFFFE040];
	[tilespmem:v18+s17+$0x0] =	vst.idx.msk $0xffff, v16;
	v16 =	vadd.s32 v3, v9;
	v18 =	vmul.f32 $8.000000000e+00, v22;
	v22 =	vmov s1  }
0x252: {  	[tilespmem:v17+s17+$0x0] =	vst.idx.msk $0xffff, v12;
	v17 =	vadd.s32 v5, v15;
	v12 =	vand.u32 $0x7F, v22;
	v22 =	vld [tilespmem:s24+$0xFFFFE060]  }
0x253: {  	v23 =	vmul.f32 $8.000000000e+00, v23;
	[tilespmem:v13+s17+$0x0] =	vst.idx.msk $0xffff, v18;
	v18 =	vadd.s32 v0, v12;
	v25 =	vld [tilespmem:s23+$0x40]  }
0x254: {  	s30 =	simm.s32 $0x6;
	v13 =	vmul.f32 $8.000000000e+00, v20;
	v20 =	vadd.s32 v2, v10;
	v26 =	vld [tilespmem:s26+$0x60]  }
0x255: {  	v27 =	vadd.s32 v4, v8;
	[tilespmem:v19+s17+$0x0] =	vst.idx.msk $0xffff, v23;
	v19 =	vmul.f32 $8.000000000e+00, v21;
	v21 =	vmov s30;
	v23 =	vld [tilespmem:s25+$0xFFFFE000]  }
0x256: {  	[tilespmem:v16+s17+$0x0] =	vst.idx.msk $0xffff, v13;
	v13 =	vand.u32 $0x7E, v21;
	v16 =	vmul.f32 $8.000000000e+00, v24;
	v21 =	vld [tilespmem:s24+$0xFFFFE020];
	v24 =	vadd.s32 v6, v14  }
0x257: {  	[tilespmem:v17+s17+$0x0] =	vst.idx.msk $0xffff, v19;
	v17 =	vadd.s32 v0, v13;
	v19 =	vmul.f32 $8.000000000e+00, v22;
	v22 =	vld [tilespmem:s23+$0x0]  }
0x258: {  	[tilespmem:v18+s17+$0x0] =	vst.idx.msk $0xffff, v16;
	v16 =	vadd.s32 v2, v11;
	v18 =	vmul.f32 $8.000000000e+00, v25;
	v25 =	vld [tilespmem:s26+$0x20]  }
0x259: {  	v28 =	vld [tilespmem:s25+$0xFFFFE050];
	[tilespmem:v20+s17+$0x0] =	vst.idx.msk $0xffff, v19;
	v19 =	vadd.s32 v4, v9;
	v20 =	vmul.f32 $8.000000000e+00, v26  }
0x25a: {  	v23 =	vmul.f32 $8.000000000e+00, v23;
	v26 =	vld [tilespmem:s24+$0xFFFFE070];
	[tilespmem:v27+s17+$0x0] =	vst.idx.msk $0xffff, v18;
	v18 =	vadd.s32 v6, v15  }
0x25b: {  	v27 =	vadd.s32 v1, v12;
	v21 =	vmul.f32 $8.000000000e+00, v21;
	v29 =	vld [tilespmem:s23+$0x50];
	[tilespmem:v24+s17+$0x0] =	vst.idx.msk $0xffff, v20  }
0x25c: {  	[tilespmem:v17+s17+$0x0] =	vst.idx.msk $0xffff, v23;
	v23 =	vadd.s32 v3, v10;
	v17 =	vmul.f32 $8.000000000e+00, v22;
	v24 =	vld [tilespmem:s26+$0x70]  }
0x25d: {  	v30 =	vld [tilespmem:s25+$0xFFFFE010];
	[tilespmem:v16+s17+$0x0] =	vst.idx.msk $0xffff, v21;
	v21 =	vadd.s32 v5, v8;
	v20 =	vmul.f32 $8.000000000e+00, v25  }
0x25e: {  	v31 =	vadd.s32 v7, v14;
	v25 =	vmul.f32 $8.000000000e+00, v28;
	v28 =	vld [tilespmem:s24+$0xFFFFE030];
	[tilespmem:v19+s17+$0x0] =	vst.idx.msk $0xffff, v17  }
0x25f: {  	v22 =	vadd.s32 v1, v13;
	v14 =	vmul.f32 $8.000000000e+00, v26;
	v16 =	vld [tilespmem:s23+$0x10];
	[tilespmem:v18+s17+$0x0] =	vst.idx.msk $0xffff, v20  }
0x260: {  	s28 =	simm.s32 $0x8600;
	s31 =	simm.s32 $0x9;
	v20 =	vadd.s32 v3, v11;
	[tilespmem:v27+s17+$0x0] =	vst.idx.msk $0xffff, v25;
	v19 =	vmul.f32 $8.000000000e+00, v29;
	v17 =	vld [tilespmem:s26+$0x30]  }
0x261: {  	v26 =	vmov s31;
	v18 =	vadd.s32 v5, v9;
	v25 =	vld [tilespmem:s28+$0xFFFFE040];
	[tilespmem:v23+s17+$0x0] =	vst.idx.msk $0xffff, v14;
	v29 =	vmul.f32 $8.000000000e+00, v24  }
0x262: {  	v14 =	vand.u32 $0x7F, v26;
	v23 =	vld [tilespmem:s25+$0xFFFFE060];
	v27 =	vmul.f32 $8.000000000e+00, v30;
	[tilespmem:v21+s17+$0x0] =	vst.idx.msk $0xffff, v19;
	v19 =	vadd.s32 v7, v15  }
0x263: {  	s29 =	simm.s32 $0xA;
	s0 =	simm.s32 $0x8;
	s26 =	simm.s32 $0x8600;
	v26 =	vadd.s32 v0, v14;
	v21 =	vld [tilespmem:s24+$0x40];
	v24 =	vmul.f32 $8.000000000e+00, v28;
	[tilespmem:v31+s17+$0x0] =	vst.idx.msk $0xffff, v29  }
.LBB2_12:
0x264: {  	p0 =	slt.u32 s29, $0x7E;
	[tilespmem:v22+s17+$0x0] =	vst.idx.msk $0xffff, v27;
	v15 =	vadd.s32 v2, v12;
	v16 =	vmul.f32 $8.000000000e+00, v16;
	v22 =	vld [tilespmem:s23+$0x60]  }
0x265: {  	v27 =	vmov s0;
	s0 =	smov.u32 s29;
	v28 =	vld [tilespmem:s28+$0xFFFFE000];
	[tilespmem:v20+s17+$0x0] =	vst.idx.msk $0xffff, v24;
	v20 =	vadd.s32 v4, v10;
	v17 =	vmul.f32 $8.000000000e+00, v17  }
0x266: {  	v29 =	vand.u32 $0x7E, v27;
	v24 =	vmul.f32 $8.000000000e+00, v25;
	v25 =	vld [tilespmem:s25+$0xFFFFE020];
	[tilespmem:v18+s17+$0x0] =	vst.idx.msk $0xffff, v16;
	v16 =	vadd.s32 v6, v8  }
0x267: {  	v18 =	vadd.s32 v0, v29;
	v23 =	vmul.f32 $8.000000000e+00, v23;
	v27 =	vld [tilespmem:s24+$0x0];
	[tilespmem:v19+s17+$0x0] =	vst.idx.msk $0xffff, v17  }
0x268: {  	v17 =	vadd.s32 v2, v13;
	[tilespmem:v26+s17+$0x0] =	vst.idx.msk $0xffff, v24;
	v19 =	vmul.f32 $8.000000000e+00, v21;
	v21 =	vld [tilespmem:s23+$0x20]  }
0x269: {  	v24 =	vld [tilespmem:s28+$0xFFFFE050];
	[tilespmem:v15+s17+$0x0] =	vst.idx.msk $0xffff, v23;
	v15 =	vadd.s32 v4, v11;
	v22 =	vmul.f32 $8.000000000e+00, v22  }
0x26a: {  	v23 =	vmul.f32 $8.000000000e+00, v28;
	v26 =	vld [tilespmem:s25+$0xFFFFE070];
	[tilespmem:v20+s17+$0x0] =	vst.idx.msk $0xffff, v19;
	v19 =	vadd.s32 v6, v9  }
0x26b: {  	v20 =	vadd.s32 v1, v14;
	v25 =	vmul.f32 $8.000000000e+00, v25;
	v28 =	vld [tilespmem:s24+$0x50];
	[tilespmem:v16+s17+$0x0] =	vst.idx.msk $0xffff, v22  }
0x26c: {  	[tilespmem:v18+s17+$0x0] =	vst.idx.msk $0xffff, v23;
	v18 =	vadd.s32 v3, v12;
	v16 =	vmul.f32 $8.000000000e+00, v27;
	v23 =	vld [tilespmem:s23+$0x70]  }
0x26d: {  	v30 =	vadd.s32 v5, v10;
	v27 =	vld [tilespmem:s28+$0xFFFFE010];
	[tilespmem:v17+s17+$0x0] =	vst.idx.msk $0xffff, v25;
	v17 =	vmul.f32 $8.000000000e+00, v21  }
0x26e: {  	v21 =	vmul.f32 $8.000000000e+00, v24;
	v24 =	vld [tilespmem:s25+$0xFFFFE030];
	[tilespmem:v15+s17+$0x0] =	vst.idx.msk $0xffff, v16;
	v15 =	vadd.s32 v7, v8;
	v8 =	vmovc v10;
	v10 =	vmov v12  }
.Ltmp5:
0x26f: {  	v22 =	vadd.s32 v1, v29;
	v12 =	vmov v14;
	v26 =	vmul.f32 $8.000000000e+00, v26;
	v16 =	vld [tilespmem:s24+$0x10];
	[tilespmem:v19+s17+$0x0] =	vst.idx.msk $0xffff, v17;
	(pc) =	sbr.rel @p0 .LBB2_12-.Ltmp5, $4  }
0x270: {  	s1 =	sadd.s32 $0x1, s29;
	s28 =	sadd.s32 $0x80, s28;
	[tilespmem:v20+s17+$0x0] =	vst.idx.msk $0xffff, v21;
	v20 =	vadd.s32 v3, v13;
	v19 =	vmul.f32 $8.000000000e+00, v28;
	v17 =	vld [tilespmem:s23+$0x30];
	s23 =	smov.u32 s24  }
0x271: {  	v14 =	vmov s1;
	s24 =	smov.u32 s25;
	s25 =	smov.u32 s26;
	s26 =	smov.u32 s28;
	v25 =	vld [tilespmem:s28+$0xFFFFE040];
	[tilespmem:v18+s17+$0x0] =	vst.idx.msk $0xffff, v26;
	v18 =	vadd.s32 v5, v11;
	v28 =	vmul.f32 $8.000000000e+00, v23  }
0x272: {  	v14 =	vand.u32 $0x7F, v14;
	v27 =	vmul.f32 $8.000000000e+00, v27;
	v23 =	vld [tilespmem:s25+$0xFFFFE060];
	[tilespmem:v30+s17+$0x0] =	vst.idx.msk $0xffff, v19;
	v19 =	vadd.s32 v7, v9;
	v9 =	vmovc v11  }
0x273: {  	s29 =	sadd.s32 $0x2, s29;
	v26 =	vadd.s32 v0, v14;
	v11 =	vmovc v13;
	v13 =	vmov v29;
	v24 =	vmul.f32 $8.000000000e+00, v24;
	v21 =	vld [tilespmem:s24+$0x40];
	[tilespmem:v15+s17+$0x0] =	vst.idx.msk $0xffff, v28  }
0x274: {  	v15 =	vmov s0;
	v28 =	vld [tilespmem:s28+$0xFFFFE000]  }
0x275: {  	v15 =	vand.u32 $0x7E, v15  }
0x276: {  	v29 =	vadd.s32 v0, v15;
	_ =	sdelay $0x1  }
0x277: {  	v25 =	vmul.f32 $8.000000000e+00, v25  }
0x278: {  	v28 =	vmul.f32 $8.000000000e+00, v28  }
0x279: {  	[tilespmem:v26+s17+$0x0] =	vst.idx.msk $0xffff, v25  }
0x27a: {  	v25 =	vld [tilespmem:s28+$0xFFFFE050];
	[tilespmem:v29+s17+$0x0] =	vst.idx.msk $0xffff, v28  }
0x27b: {  	v35 =	vld [tilespmem:s28+$0xFFFFE010]  }
0x27c: {  	v36 =	vadd.s32 v1, v14  }
0x27d: {  	v37 =	vadd.s32 v1, v15;
	_ =	sdelay $0x1  }
0x27e: {  	[tilespmem:v22+s17+$0x0] =	vst.idx.msk $0xffff, v27;
	v25 =	vmul.f32 $8.000000000e+00, v25  }
0x27f: {  	v39 =	vld [tilespmem:s25+$0xFFFFE020];
	v38 =	vmul.f32 $8.000000000e+00, v35  }
0x280: {  	v40 =	vadd.s32 v2, v12;
	[tilespmem:v36+s17+$0x0] =	vst.idx.msk $0xffff, v25  }
0x281: {  	v42 =	vadd.s32 v2, v13;
	v41 =	vld [tilespmem:s26+$0xFFFFE060];
	[tilespmem:v37+s17+$0x0] =	vst.idx.msk $0xffff, v38  }
0x282: {  	v43 =	vld [tilespmem:s26+$0xFFFFE020]  }
0x283: {  	v44 =	vadd.s32 v2, v14;
	v23 =	vmul.f32 $8.000000000e+00, v23  }
0x284: {  	v30 =	vadd.s32 v2, v15;
	v26 =	vmul.f32 $8.000000000e+00, v39  }
0x285: {  	[tilespmem:v40+s17+$0x0] =	vst.idx.msk $0xffff, v23  }
0x286: {  	[tilespmem:v42+s17+$0x0] =	vst.idx.msk $0xffff, v26;
	v25 =	vld [tilespmem:s25+$0xFFFFE070];
	v45 =	vmul.f32 $8.000000000e+00, v41  }
0x287: {  	v26 =	vld [tilespmem:s25+$0xFFFFE030];
	v46 =	vmul.f32 $8.000000000e+00, v43  }
0x288: {  	v47 =	vadd.s32 v3, v12;
	[tilespmem:v44+s17+$0x0] =	vst.idx.msk $0xffff, v45  }
0x289: {  	v49 =	vadd.s32 v3, v13;
	v48 =	vld [tilespmem:s26+$0xFFFFE070];
	[tilespmem:v30+s17+$0x0] =	vst.idx.msk $0xffff, v46  }
0x28a: {  	v50 =	vld [tilespmem:s26+$0xFFFFE030]  }
0x28b: {  	v51 =	vadd.s32 v3, v14;
	v25 =	vmul.f32 $8.000000000e+00, v25  }
0x28c: {  	[tilespmem:v20+s17+$0x0] =	vst.idx.msk $0xffff, v24;
	v52 =	vadd.s32 v3, v15;
	v53 =	vmul.f32 $8.000000000e+00, v26  }
0x28d: {  	v55 =	vadd.s32 v4, v10;
	v24 =	vld [tilespmem:s24+$0x0];
	[tilespmem:v47+s17+$0x0] =	vst.idx.msk $0xffff, v25  }
0x28e: {  	[tilespmem:v49+s17+$0x0] =	vst.idx.msk $0xffff, v53;
	v56 =	vld [tilespmem:s25+$0x40];
	v54 =	vmul.f32 $8.000000000e+00, v48  }
0x28f: {  	v58 =	vadd.s32 v4, v11;
	v59 =	vld [tilespmem:s25+$0x0];
	v57 =	vmul.f32 $8.000000000e+00, v50  }
0x290: {  	v60 =	vadd.s32 v4, v12;
	v62 =	vmul.f32 $8.000000000e+00, v21;
	[tilespmem:v51+s17+$0x0] =	vst.idx.msk $0xffff, v54  }
0x291: {  	v63 =	vadd.s32 v4, v13;
	v61 =	vld [tilespmem:s26+$0x40];
	[tilespmem:v52+s17+$0x0] =	vst.idx.msk $0xffff, v57  }
0x292: {  	[tilespmem:v55+s17+$0x0] =	vst.idx.msk $0xffff, v62;
	v24 =	vmul.f32 $8.000000000e+00, v24;
	v33 =	vld [tilespmem:s26+$0x0]  }
0x293: {  	v34 =	vadd.s32 v4, v14;
	v37 =	vld [tilespmem:s24+$0x50];
	v35 =	vmul.f32 $8.000000000e+00, v56  }
0x294: {  	[tilespmem:v58+s17+$0x0] =	vst.idx.msk $0xffff, v24;
	v36 =	vadd.s32 v4, v15;
	v38 =	vmul.f32 $8.000000000e+00, v59  }
0x295: {  	v16 =	vmul.f32 $8.000000000e+00, v16;
	v39 =	vld [tilespmem:s24+$0x10];
	v41 =	vadd.s32 v5, v10;
	[tilespmem:v60+s17+$0x0] =	vst.idx.msk $0xffff, v35  }
0x296: {  	[tilespmem:v63+s17+$0x0] =	vst.idx.msk $0xffff, v38;
	v42 =	vld [tilespmem:s25+$0x50];
	v40 =	vmul.f32 $8.000000000e+00, v61  }
0x297: {  	[tilespmem:v18+s17+$0x0] =	vst.idx.msk $0xffff, v16;
	v44 =	vadd.s32 v5, v11;
	v45 =	vld [tilespmem:s25+$0x10];
	v43 =	vmul.f32 $8.000000000e+00, v33  }
0x298: {  	v46 =	vadd.s32 v5, v12;
	v48 =	vmul.f32 $8.000000000e+00, v37;
	v50 =	vld [tilespmem:s23+$0x60];
	[tilespmem:v34+s17+$0x0] =	vst.idx.msk $0xffff, v40  }
0x299: {  	v17 =	vmul.f32 $8.000000000e+00, v17;
	v49 =	vadd.s32 v5, v13;
	v47 =	vld [tilespmem:s26+$0x50];
	[tilespmem:v36+s17+$0x0] =	vst.idx.msk $0xffff, v43  }
0x29a: {  	v56 =	vadd.s32 v6, v8;
	v51 =	vmul.f32 $8.000000000e+00, v39;
	[tilespmem:v41+s17+$0x0] =	vst.idx.msk $0xffff, v48;
	v21 =	vld [tilespmem:s26+$0x10]  }
0x29b: {  	[tilespmem:v19+s17+$0x0] =	vst.idx.msk $0xffff, v17;
	v52 =	vadd.s32 v5, v14;
	v57 =	vld [tilespmem:s24+$0x60];
	v54 =	vmul.f32 $8.000000000e+00, v42  }
0x29c: {  	v55 =	vadd.s32 v5, v15;
	v53 =	vld [tilespmem:s23+$0x20];
	[tilespmem:v44+s17+$0x0] =	vst.idx.msk $0xffff, v51;
	v58 =	vmul.f32 $8.000000000e+00, v45  }
0x29d: {  	v62 =	vadd.s32 v6, v10;
	v60 =	vld [tilespmem:s24+$0x20];
	[tilespmem:v46+s17+$0x0] =	vst.idx.msk $0xffff, v54;
	v33 =	vmul.f32 $8.000000000e+00, v50  }
0x29e: {  	v59 =	vadd.s32 v6, v9;
	[tilespmem:v49+s17+$0x0] =	vst.idx.msk $0xffff, v58;
	v63 =	vld [tilespmem:s25+$0x60];
	v61 =	vmul.f32 $8.000000000e+00, v47  }
0x29f: {  	v35 =	vld [tilespmem:s25+$0x20];
	v34 =	vadd.s32 v6, v11;
	[tilespmem:v56+s17+$0x0] =	vst.idx.msk $0xffff, v33;
	v32 =	vmul.f32 $8.000000000e+00, v21  }
0x2a0: {  	v37 =	vadd.s32 v6, v12;
	v39 =	vmul.f32 $8.000000000e+00, v57;
	v26 =	vld [tilespmem:s23+$0x70];
	[tilespmem:v52+s17+$0x0] =	vst.idx.msk $0xffff, v61  }
0x2a1: {  	v40 =	vadd.s32 v6, v13;
	v36 =	vmul.f32 $8.000000000e+00, v53;
	v38 =	vld [tilespmem:s26+$0x60];
	[tilespmem:v55+s17+$0x0] =	vst.idx.msk $0xffff, v32  }
0x2a2: {  	v8 =	vadd.s32 v7, v8;
	v41 =	vmul.f32 $8.000000000e+00, v60;
	[tilespmem:v62+s17+$0x0] =	vst.idx.msk $0xffff, v39;
	v23 =	vld [tilespmem:s26+$0x20]  }
0x2a3: {  	v42 =	vadd.s32 v6, v14;
	[tilespmem:v59+s17+$0x0] =	vst.idx.msk $0xffff, v36;
	v44 =	vmul.f32 $8.000000000e+00, v63  }
0x2a4: {  	v45 =	vadd.s32 v6, v15;
	v46 =	vld [tilespmem:s24+$0x70];
	[tilespmem:v34+s17+$0x0] =	vst.idx.msk $0xffff, v41;
	v47 =	vmul.f32 $8.000000000e+00, v35  }
0x2a5: {  	v43 =	vld [tilespmem:s23+$0x30];
	[tilespmem:v37+s17+$0x0] =	vst.idx.msk $0xffff, v44;
	v52 =	vmul.f32 $8.000000000e+00, v26  }
0x2a6: {  	v50 =	vadd.s32 v7, v10;
	v19 =	vld [tilespmem:s25+$0x70];
	[tilespmem:v40+s17+$0x0] =	vst.idx.msk $0xffff, v47;
	v49 =	vmul.f32 $8.000000000e+00, v38  }
0x2a7: {  	v48 =	vadd.s32 v7, v9;
	v21 =	vld [tilespmem:s24+$0x30];
	[tilespmem:v8+s17+$0x0] =	vst.idx.msk $0xffff, v52;
	v51 =	vmul.f32 $8.000000000e+00, v23  }
0x2a8: {  	v56 =	vadd.s32 v7, v12;
	v54 =	vld [tilespmem:s25+$0x30];
	[tilespmem:v42+s17+$0x0] =	vst.idx.msk $0xffff, v49  }
0x2a9: {  	v53 =	vadd.s32 v7, v11;
	v8 =	vmul.f32 $8.000000000e+00, v46;
	v57 =	vld [tilespmem:s26+$0x70];
	[tilespmem:v45+s17+$0x0] =	vst.idx.msk $0xffff, v51  }
0x2aa: {  	v58 =	vadd.s32 v7, v13;
	v55 =	vmul.f32 $8.000000000e+00, v43;
	v16 =	vld [tilespmem:s26+$0x30]  }
0x2ab: {  	v60 =	vadd.s32 v7, v14;
	[tilespmem:v50+s17+$0x0] =	vst.idx.msk $0xffff, v8;
	v8 =	vmul.f32 $8.000000000e+00, v19  }
0x2ac: {  	v61 =	vadd.s32 v7, v15;
	[tilespmem:v48+s17+$0x0] =	vst.idx.msk $0xffff, v55;
	v59 =	vmul.f32 $8.000000000e+00, v21  }
0x2ad: {  	v62 =	vmul.f32 $8.000000000e+00, v54;
	[tilespmem:v56+s17+$0x0] =	vst.idx.msk $0xffff, v8  }
0x2ae: {  	[tilespmem:v53+s17+$0x0] =	vst.idx.msk $0xffff, v59;
	v8 =	vmul.f32 $8.000000000e+00, v57  }
0x2af: {  	[tilespmem:v58+s17+$0x0] =	vst.idx.msk $0xffff, v62;
	v63 =	vmul.f32 $8.000000000e+00, v16  }
0x2b0: {  	[tilespmem:v60+s17+$0x0] =	vst.idx.msk $0xffff, v8  }
0x2b1: {  	s26 =	simm.s32 $0xE400;
	[tilespmem:v61+s17+$0x0] =	vst.idx.msk $0xffff, v63  }
0x2b2: {  	[hbm4b:s7+s2] =	stream.linear.scatter [tilespmem:s26], [sflag:$0x3], $0x80, $0x38;
	[tilespmem:$0x1B000] =	vst v63  }
0x2b3: {  	s29 =	simm.s32 $0xE488;
	s1 =	sadd.s32 $0x10, s7  }
0x2b4: {  	[hbm4b:s1+s2] =	stream.linear.scatter [tilespmem:s29], [sflag:$0x3], $0x80, $0x38;
	[tilespmem:$0x1B000] =	vst v63  }
0x2b5: {  	s30 =	simm.s32 $0xE510;
	s31 =	sadd.s32 $0x20, s7  }
0x2b6: {  	[hbm4b:s31+s2] =	stream.linear.scatter [tilespmem:s30], [sflag:$0x3], $0x80, $0x38;
	[tilespmem:$0x1B000] =	vst v63  }
0x2b7: {  	s23 =	sadd.s32 $0x30, s7;
	s1 =	simm.s32 $0xE598  }
0x2b8: {  	[hbm4b:s23+s2] =	stream.linear.scatter [tilespmem:s1], [sflag:$0x3], $0x80, $0x38;
	[tilespmem:$0x1B000] =	vst v63  }
0x2b9: {  	s24 =	simm.s32 $0xE620;
	s25 =	sadd.s32 $0x40, s7  }
0x2ba: {  	[hbm4b:s25+s2] =	stream.linear.scatter [tilespmem:s24], [sflag:$0x3], $0x80, $0x38;
	[tilespmem:$0x1B000] =	vst v63  }
0x2bb: {  	s26 =	simm.s32 $0xE6A8;
	s29 =	sadd.s32 $0x50, s7  }
0x2bc: {  	[hbm4b:s29+s2] =	stream.linear.scatter [tilespmem:s26], [sflag:$0x3], $0x80, $0x38;
	[tilespmem:$0x1B000] =	vst v63  }
0x2bd: {  	s30 =	simm.s32 $0xE730;
	s31 =	sadd.s32 $0x60, s7  }
0x2be: {  	[hbm4b:s31+s2] =	stream.linear.scatter [tilespmem:s30], [sflag:$0x3], $0x80, $0x38;
	[tilespmem:$0x1B000] =	vst v63  }
0x2bf: {  	s1 =	simm.s32 $0xE7B8;
	s23 =	sadd.s32 $0x70, s7  }
0x2c0: {  	[hbm4b:s23+s2] =	stream.linear.scatter [tilespmem:s1], [sflag:$0x3], $0x80, $0x38;
	[tilespmem:$0x1B000] =	vst v63  }
0x2c1: {  	s24 =	simm.s32 $0xEA60;
	s25 =	sadd.s32 $0x80, s7  }
0x2c2: {  	[hbm4b:s25+s2] =	stream.linear.scatter [tilespmem:s24], [sflag:$0x3], $0x80, $0x38;
	[tilespmem:$0x1B000] =	vst v63  }
0x2c3: {  	s26 =	simm.s32 $0xEAE8;
	s29 =	sadd.s32 $0x90, s7  }
0x2c4: {  	[hbm4b:s29+s2] =	stream.linear.scatter [tilespmem:s26], [sflag:$0x3], $0x80, $0x38;
	[tilespmem:$0x1B000] =	vst v63  }
0x2c5: {  	s0 =	simm.s32 $0xEE18;
	s30 =	simm.s32 $0xEB70;
	s31 =	sadd.s32 $0xA0, s7  }
0x2c6: {  	[hbm4b:s31+s2] =	stream.linear.scatter [tilespmem:s30], [sflag:$0x3], $0x80, $0x38;
	[tilespmem:$0x1B000] =	vst v63  }
0x2c7: {  	s28 =	sadd.s32 $0xF0, s7;
	s1 =	simm.s32 $0xEBF8;
	s23 =	sadd.s32 $0xB0, s7  }
0x2c8: {  	[hbm4b:s23+s2] =	stream.linear.scatter [tilespmem:s1], [sflag:$0x3], $0x80, $0x38;
	[tilespmem:$0x1B000] =	vst v63  }
0x2c9: {  	s24 =	simm.s32 $0xEC80;
	s25 =	sadd.s32 $0xC0, s7;
	s26 =	simm.s32 $0xED08  }
0x2ca: {  	[hbm4b:s25+s2] =	stream.linear.scatter [tilespmem:s24], [sflag:$0x3], $0x80, $0x38;
	[tilespmem:$0x1B000] =	vst v63  }
0x2cb: {  	s29 =	sadd.s32 $0xD0, s7;
	s30 =	simm.s32 $0xED90;
	s31 =	sadd.s32 $0xE0, s7  }
0x2cc: {  	[hbm4b:s29+s2] =	stream.linear.scatter [tilespmem:s26], [sflag:$0x3], $0x80, $0x38;
	[tilespmem:$0x1B000] =	vst v63  }
0x2cd: {  	s23 =	simm.s32 $0xCC0;
	s24 =	sadd.s32 $0x4000, s7;
	s26 =	simm.s32 $0x6600  }
0x2ce: {  	[hbm4b:s31+s2] =	stream.linear.scatter [tilespmem:s30], [sflag:$0x3], $0x80, $0x38;
	[tilespmem:$0x1B000] =	vst v63  }
.LBB2_14:
0x2cf: {  	[hbm4b:s28+s2] =	stream.linear.scatter [tilespmem:s0], [sflag:$0x3], $0x80, $0x38;
	[tilespmem:$0x1B000] =	vst v63  }
0x2d0: {  	s0 =	smov.u32 s23;
	s1 =	smov.u32 s26  }
0x2d1: {  	s25 =	sadd.s32 $0x3300, s26;
	s23 =	sshra.s32 s1, $0x2;
	s1 =	sadd.s32 $0xE400, s0  }
0x2d2: {  	[hbm4b:s24+s2] =	stream.linear.scatter [tilespmem:s1], [sflag:$0x3], $0x80, $0x38;
	[tilespmem:$0x1B000] =	vst v63  }
0x2d3: {  	p0 =	sne.s32 s26, $0x16500;
	s26 =	sadd.s32 $0x10, s24;
	s1 =	sadd.s32 $0xE488, s0  }
0x2d4: {  	[hbm4b:s26+s2] =	stream.linear.scatter [tilespmem:s1], [sflag:$0x3], $0x80, $0x38;
	[tilespmem:$0x1B000] =	vst v63  }
0x2d5: {  	s1 =	sadd.s32 $0xE510, s0;
	s26 =	sadd.s32 $0x20, s24  }
0x2d6: {  	[hbm4b:s26+s2] =	stream.linear.scatter [tilespmem:s1], [sflag:$0x3], $0x80, $0x38;
	[tilespmem:$0x1B000] =	vst v63  }
0x2d7: {  	s1 =	sadd.s32 $0xE598, s0;
	s26 =	sadd.s32 $0x30, s24  }
0x2d8: {  	[hbm4b:s26+s2] =	stream.linear.scatter [tilespmem:s1], [sflag:$0x3], $0x80, $0x38;
	[tilespmem:$0x1B000] =	vst v63  }
0x2d9: {  	s1 =	sadd.s32 $0xE620, s0;
	s26 =	sadd.s32 $0x40, s24  }
0x2da: {  	[hbm4b:s26+s2] =	stream.linear.scatter [tilespmem:s1], [sflag:$0x3], $0x80, $0x38;
	[tilespmem:$0x1B000] =	vst v63  }
0x2db: {  	s1 =	sadd.s32 $0xE6A8, s0;
	s26 =	sadd.s32 $0x50, s24  }
0x2dc: {  	[hbm4b:s26+s2] =	stream.linear.scatter [tilespmem:s1], [sflag:$0x3], $0x80, $0x38;
	[tilespmem:$0x1B000] =	vst v63  }
0x2dd: {  	s1 =	sadd.s32 $0xE730, s0;
	s26 =	sadd.s32 $0x60, s24  }
0x2de: {  	[hbm4b:s26+s2] =	stream.linear.scatter [tilespmem:s1], [sflag:$0x3], $0x80, $0x38;
	[tilespmem:$0x1B000] =	vst v63  }
0x2df: {  	s1 =	sadd.s32 $0xE7B8, s0;
	s26 =	sadd.s32 $0x70, s24  }
0x2e0: {  	[hbm4b:s26+s2] =	stream.linear.scatter [tilespmem:s1], [sflag:$0x3], $0x80, $0x38;
	[tilespmem:$0x1B000] =	vst v63  }
0x2e1: {  	s1 =	sadd.s32 $0xEA60, s0;
	s26 =	sadd.s32 $0x80, s24  }
0x2e2: {  	[hbm4b:s26+s2] =	stream.linear.scatter [tilespmem:s1], [sflag:$0x3], $0x80, $0x38;
	[tilespmem:$0x1B000] =	vst v63  }
0x2e3: {  	s1 =	sadd.s32 $0xEAE8, s0;
	s26 =	sadd.s32 $0x90, s24  }
0x2e4: {  	[hbm4b:s26+s2] =	stream.linear.scatter [tilespmem:s1], [sflag:$0x3], $0x80, $0x38;
	[tilespmem:$0x1B000] =	vst v63  }
0x2e5: {  	s1 =	sadd.s32 $0xEB70, s0;
	s26 =	sadd.s32 $0xA0, s24  }
0x2e6: {  	[hbm4b:s26+s2] =	stream.linear.scatter [tilespmem:s1], [sflag:$0x3], $0x80, $0x38;
	[tilespmem:$0x1B000] =	vst v63  }
0x2e7: {  	s1 =	sadd.s32 $0xEBF8, s0;
	s26 =	sadd.s32 $0xB0, s24  }
0x2e8: {  	[hbm4b:s26+s2] =	stream.linear.scatter [tilespmem:s1], [sflag:$0x3], $0x80, $0x38;
	[tilespmem:$0x1B000] =	vst v63  }
0x2e9: {  	s1 =	sadd.s32 $0xEC80, s0;
	s26 =	sadd.s32 $0xC0, s24  }
0x2ea: {  	[hbm4b:s26+s2] =	stream.linear.scatter [tilespmem:s1], [sflag:$0x3], $0x80, $0x38;
	[tilespmem:$0x1B000] =	vst v63  }
.Ltmp6:
0x2eb: {  	s1 =	sadd.s32 $0xED08, s0;
	s26 =	sadd.s32 $0xD0, s24;
	(pc) =	sbr.rel @p0 .LBB2_14-.Ltmp6, $4  }
0x2ec: {  	[hbm4b:s26+s2] =	stream.linear.scatter [tilespmem:s1], [sflag:$0x3], $0x80, $0x38;
	[tilespmem:$0x1B000] =	vst v63  }
0x2ed: {  	s28 =	sadd.s32 $0xF0, s24;
	s1 =	sadd.s32 $0xED90, s0;
	s26 =	sadd.s32 $0xE0, s24  }
0x2ee: {  	[hbm4b:s26+s2] =	stream.linear.scatter [tilespmem:s1], [sflag:$0x3], $0x80, $0x38;
	[tilespmem:$0x1B000] =	vst v63  }
0x2ef: {  	s0 =	sadd.s32 $0xEE18, s0;
	s24 =	sadd.s32 $0x4000, s24;
	s26 =	smov.u32 s25  }
0x2f0: {  	[hbm4b:s28+s2] =	stream.linear.scatter [tilespmem:s0], [sflag:$0x3], $0x80, $0x38;
	[tilespmem:$0x1B000] =	vst v63  }
0x2f1: {  	s30 =	sadd.s32 $0xE400, s23  }
0x2f2: {  	[hbm4b:s24+s2] =	stream.linear.scatter [tilespmem:s30], [sflag:$0x3], $0x80, $0x38;
	[tilespmem:$0x1B000] =	vst v63  }
0x2f3: {  	s31 =	sadd.s32 $0xE488, s23;
	s1 =	sadd.s32 $0x10, s24  }
0x2f4: {  	[hbm4b:s1+s2] =	stream.linear.scatter [tilespmem:s31], [sflag:$0x3], $0x80, $0x38;
	[tilespmem:$0x1B000] =	vst v63  }
0x2f5: {  	s25 =	sadd.s32 $0xE510, s23;
	s26 =	sadd.s32 $0x20, s24  }
0x2f6: {  	[hbm4b:s26+s2] =	stream.linear.scatter [tilespmem:s25], [sflag:$0x3], $0x80, $0x38;
	[tilespmem:$0x1B000] =	vst v63  }
0x2f7: {  	s30 =	sadd.s32 $0xE598, s23;
	s31 =	sadd.s32 $0x30, s24  }
0x2f8: {  	[hbm4b:s31+s2] =	stream.linear.scatter [tilespmem:s30], [sflag:$0x3], $0x80, $0x38;
	[tilespmem:$0x1B000] =	vst v63  }
0x2f9: {  	s25 =	sadd.s32 $0xE620, s23;
	s26 =	sadd.s32 $0x40, s24  }
0x2fa: {  	[hbm4b:s26+s2] =	stream.linear.scatter [tilespmem:s25], [sflag:$0x3], $0x80, $0x38;
	[tilespmem:$0x1B000] =	vst v63  }
0x2fb: {  	s30 =	sadd.s32 $0xE6A8, s23;
	s31 =	sadd.s32 $0x50, s24  }
0x2fc: {  	[hbm4b:s31+s2] =	stream.linear.scatter [tilespmem:s30], [sflag:$0x3], $0x80, $0x38;
	[tilespmem:$0x1B000] =	vst v63  }
0x2fd: {  	s25 =	sadd.s32 $0xE730, s23;
	s26 =	sadd.s32 $0x60, s24  }
0x2fe: {  	[hbm4b:s26+s2] =	stream.linear.scatter [tilespmem:s25], [sflag:$0x3], $0x80, $0x38;
	[tilespmem:$0x1B000] =	vst v63  }
0x2ff: {  	s30 =	sadd.s32 $0xE7B8, s23;
	s31 =	sadd.s32 $0x70, s24  }
0x300: {  	[hbm4b:s31+s2] =	stream.linear.scatter [tilespmem:s30], [sflag:$0x3], $0x80, $0x38;
	[tilespmem:$0x1B000] =	vst v63  }
0x301: {  	s25 =	sadd.s32 $0xEA60, s23;
	s26 =	sadd.s32 $0x80, s24  }
0x302: {  	[hbm4b:s26+s2] =	stream.linear.scatter [tilespmem:s25], [sflag:$0x3], $0x80, $0x38;
	[tilespmem:$0x1B000] =	vst v63  }
0x303: {  	s30 =	sadd.s32 $0xEAE8, s23;
	s31 =	sadd.s32 $0x90, s24  }
0x304: {  	[hbm4b:s31+s2] =	stream.linear.scatter [tilespmem:s30], [sflag:$0x3], $0x80, $0x38;
	[tilespmem:$0x1B000] =	vst v63  }
0x305: {  	s25 =	sadd.s32 $0xEB70, s23;
	s26 =	sadd.s32 $0xA0, s24  }
0x306: {  	[hbm4b:s26+s2] =	stream.linear.scatter [tilespmem:s25], [sflag:$0x3], $0x80, $0x38;
	[tilespmem:$0x1B000] =	vst v63  }
0x307: {  	s30 =	sadd.s32 $0xEBF8, s23;
	s31 =	sadd.s32 $0xB0, s24  }
0x308: {  	[hbm4b:s31+s2] =	stream.linear.scatter [tilespmem:s30], [sflag:$0x3], $0x80, $0x38;
	[tilespmem:$0x1B000] =	vst v63  }
0x309: {  	s25 =	sadd.s32 $0xEC80, s23;
	s26 =	sadd.s32 $0xC0, s24  }
0x30a: {  	[hbm4b:s26+s2] =	stream.linear.scatter [tilespmem:s25], [sflag:$0x3], $0x80, $0x38;
	[tilespmem:$0x1B000] =	vst v63  }
0x30b: {  	s30 =	sadd.s32 $0xED08, s23;
	s31 =	sadd.s32 $0xD0, s24  }
0x30c: {  	[hbm4b:s31+s2] =	stream.linear.scatter [tilespmem:s30], [sflag:$0x3], $0x80, $0x38;
	[tilespmem:$0x1B000] =	vst v63  }
0x30d: {  	s25 =	sadd.s32 $0xED90, s23;
	s26 =	sadd.s32 $0xE0, s24  }
0x30e: {  	[hbm4b:s26+s2] =	stream.linear.scatter [tilespmem:s25], [sflag:$0x3], $0x80, $0x38;
	[tilespmem:$0x1B000] =	vst v63  }
0x30f: {  	s30 =	sadd.s32 $0xEE18, s23;
	s31 =	sadd.s32 $0xF0, s24  }
0x310: {  	[hbm4b:s31+s2] =	stream.linear.scatter [tilespmem:s30], [sflag:$0x3], $0x80, $0x38;
	[tilespmem:$0x1B000] =	vst v63  }
0x311: {  	_ =	swait.ge [sflag:s18], $0x4000  }
0x312: {  	[sflag:s18] =	ssyncset.done $0x0  }
0x313: {  	s1 =	simm.s32 $0x1;
	s26 =	simm.s32 $0xC400;
	[sflag:s18] =	ssyncadd.s32 $0xFFFFC000  }
0x314: {  	v8 =	vmov s1;
	v9 =	vld [tilespmem:s26+$0xFFFFE040]  }
0x315: {  	v14 =	vand.u32 $0x7F, v8  }
0x316: {  	v8 =	vadd.s32 v0, v14  }
0x317: {  	s23 =	simm.s32 $0x0  }
0x318: {  	v10 =	vmov s23;
	v11 =	vld [tilespmem:s26+$0xFFFFE000]  }
0x319: {  	v15 =	vand.u32 $0x7E, v10;
	v9 =	vmul.f32 $8.000000000e+00, v9  }
0x31a: {  	v10 =	vadd.s32 v0, v15  }
0x31b: {  	[tilespmem:v8+s19+$0x0] =	vst.idx.msk $0xffff, v9  }
0x31c: {  	v8 =	vld [tilespmem:s26+$0xFFFFE050]  }
0x31d: {  	v9 =	vmul.f32 $8.000000000e+00, v11  }
0x31e: {  	v11 =	vadd.s32 v1, v14  }
0x31f: {  	[tilespmem:v10+s19+$0x0] =	vst.idx.msk $0xffff, v9  }
0x320: {  	v9 =	vld [tilespmem:s26+$0xFFFFE010]  }
0x321: {  	v8 =	vmul.f32 $8.000000000e+00, v8  }
0x322: {  	s24 =	simm.s32 $0x3;
	s23 =	simm.s32 $0xC480;
	v10 =	vadd.s32 v1, v15  }
0x323: {  	[tilespmem:v11+s19+$0x0] =	vst.idx.msk $0xffff, v8;
	v8 =	vmov s24;
	v11 =	vld [tilespmem:s23+$0xFFFFE040]  }
0x324: {  	v8 =	vand.u32 $0x7F, v8;
	v12 =	vld [tilespmem:s26+$0xFFFFE060]  }
0x325: {  	v9 =	vmul.f32 $8.000000000e+00, v9;
	v13 =	vadd.s32 v0, v8  }
0x326: {  	v16 =	vadd.s32 v2, v14;
	s25 =	simm.s32 $0x2  }
0x327: {  	[tilespmem:v10+s19+$0x0] =	vst.idx.msk $0xffff, v9;
	v9 =	vmov s25;
	v10 =	vld [tilespmem:s23+$0xFFFFE000]  }
0x328: {  	v9 =	vand.u32 $0x7E, v9;
	v17 =	vld [tilespmem:s26+$0xFFFFE020];
	v11 =	vmul.f32 $8.000000000e+00, v11  }
0x329: {  	v18 =	vadd.s32 v0, v9;
	v12 =	vmul.f32 $8.000000000e+00, v12  }
0x32a: {  	[tilespmem:v13+s19+$0x0] =	vst.idx.msk $0xffff, v11;
	v11 =	vadd.s32 v2, v15  }
0x32b: {  	v13 =	vld [tilespmem:s23+$0xFFFFE050];
	[tilespmem:v16+s19+$0x0] =	vst.idx.msk $0xffff, v12  }
0x32c: {  	v10 =	vmul.f32 $8.000000000e+00, v10;
	v12 =	vld [tilespmem:s26+$0xFFFFE070]  }
0x32d: {  	v16 =	vadd.s32 v1, v8;
	v17 =	vmul.f32 $8.000000000e+00, v17  }
0x32e: {  	[tilespmem:v18+s19+$0x0] =	vst.idx.msk $0xffff, v10;
	v10 =	vadd.s32 v3, v14  }
0x32f: {  	v18 =	vld [tilespmem:s23+$0xFFFFE010];
	[tilespmem:v11+s19+$0x0] =	vst.idx.msk $0xffff, v17  }
0x330: {  	v11 =	vmul.f32 $8.000000000e+00, v13;
	v13 =	vld [tilespmem:s26+$0xFFFFE030]  }
0x331: {  	s30 =	simm.s32 $0x5;
	s24 =	simm.s32 $0xC500;
	v17 =	vadd.s32 v1, v9;
	v12 =	vmul.f32 $8.000000000e+00, v12  }
0x332: {  	v19 =	vld [tilespmem:s24+$0xFFFFE040];
	[tilespmem:v16+s19+$0x0] =	vst.idx.msk $0xffff, v11;
	v11 =	vadd.s32 v3, v15;
	v16 =	vmov s30  }
0x333: {  	[tilespmem:v10+s19+$0x0] =	vst.idx.msk $0xffff, v12;
	v10 =	vand.u32 $0x7F, v16;
	v12 =	vld [tilespmem:s23+$0xFFFFE060]  }
0x334: {  	v16 =	vmul.f32 $8.000000000e+00, v18;
	v18 =	vadd.s32 v0, v10;
	v20 =	vld [tilespmem:s26+$0x40]  }
0x335: {  	s31 =	simm.s32 $0x4;
	v21 =	vadd.s32 v2, v8;
	v13 =	vmul.f32 $8.000000000e+00, v13  }
0x336: {  	v22 =	vadd.s32 v4, v14;
	[tilespmem:v17+s19+$0x0] =	vst.idx.msk $0xffff, v16;
	v16 =	vmov s31;
	v17 =	vld [tilespmem:s24+$0xFFFFE000]  }
0x337: {  	[tilespmem:v11+s19+$0x0] =	vst.idx.msk $0xffff, v13;
	v11 =	vand.u32 $0x7E, v16;
	v13 =	vmul.f32 $8.000000000e+00, v19;
	v16 =	vld [tilespmem:s23+$0xFFFFE020]  }
0x338: {  	v19 =	vadd.s32 v0, v11;
	v12 =	vmul.f32 $8.000000000e+00, v12;
	v23 =	vld [tilespmem:s26+$0x0]  }
0x339: {  	[tilespmem:v18+s19+$0x0] =	vst.idx.msk $0xffff, v13;
	v13 =	vadd.s32 v2, v9;
	v18 =	vmul.f32 $8.000000000e+00, v20  }
0x33a: {  	v20 =	vld [tilespmem:s24+$0xFFFFE050];
	[tilespmem:v21+s19+$0x0] =	vst.idx.msk $0xffff, v12;
	v12 =	vadd.s32 v4, v15  }
0x33b: {  	v17 =	vmul.f32 $8.000000000e+00, v17;
	v21 =	vld [tilespmem:s23+$0xFFFFE070];
	[tilespmem:v22+s19+$0x0] =	vst.idx.msk $0xffff, v18  }
0x33c: {  	v18 =	vadd.s32 v1, v10;
	v16 =	vmul.f32 $8.000000000e+00, v16;
	v22 =	vld [tilespmem:s26+$0x50]  }
0x33d: {  	[tilespmem:v19+s19+$0x0] =	vst.idx.msk $0xffff, v17;
	v17 =	vadd.s32 v3, v8;
	v19 =	vmul.f32 $8.000000000e+00, v23  }
0x33e: {  	v23 =	vld [tilespmem:s24+$0xFFFFE010];
	[tilespmem:v13+s19+$0x0] =	vst.idx.msk $0xffff, v16;
	v13 =	vadd.s32 v5, v14  }
0x33f: {  	v16 =	vmul.f32 $8.000000000e+00, v20;
	v20 =	vld [tilespmem:s23+$0xFFFFE030];
	[tilespmem:v12+s19+$0x0] =	vst.idx.msk $0xffff, v19  }
0x340: {  	s1 =	simm.s32 $0x7;
	s25 =	simm.s32 $0xC580;
	v19 =	vadd.s32 v1, v11;
	v12 =	vmul.f32 $8.000000000e+00, v21;
	v21 =	vld [tilespmem:s26+$0x10]  }
0x341: {  	v24 =	vld [tilespmem:s25+$0xFFFFE040];
	[tilespmem:v18+s19+$0x0] =	vst.idx.msk $0xffff, v16;
	v16 =	vadd.s32 v3, v9;
	v18 =	vmul.f32 $8.000000000e+00, v22;
	v22 =	vmov s1  }
0x342: {  	[tilespmem:v17+s19+$0x0] =	vst.idx.msk $0xffff, v12;
	v17 =	vadd.s32 v5, v15;
	v12 =	vand.u32 $0x7F, v22;
	v22 =	vld [tilespmem:s24+$0xFFFFE060]  }
0x343: {  	v23 =	vmul.f32 $8.000000000e+00, v23;
	[tilespmem:v13+s19+$0x0] =	vst.idx.msk $0xffff, v18;
	v18 =	vadd.s32 v0, v12;
	v25 =	vld [tilespmem:s23+$0x40]  }
0x344: {  	s30 =	simm.s32 $0x6;
	v13 =	vmul.f32 $8.000000000e+00, v20;
	v20 =	vadd.s32 v2, v10;
	v26 =	vld [tilespmem:s26+$0x60]  }
0x345: {  	v27 =	vadd.s32 v4, v8;
	[tilespmem:v19+s19+$0x0] =	vst.idx.msk $0xffff, v23;
	v19 =	vmul.f32 $8.000000000e+00, v21;
	v21 =	vmov s30;
	v23 =	vld [tilespmem:s25+$0xFFFFE000]  }
0x346: {  	[tilespmem:v16+s19+$0x0] =	vst.idx.msk $0xffff, v13;
	v13 =	vand.u32 $0x7E, v21;
	v16 =	vmul.f32 $8.000000000e+00, v24;
	v21 =	vld [tilespmem:s24+$0xFFFFE020];
	v24 =	vadd.s32 v6, v14  }
0x347: {  	[tilespmem:v17+s19+$0x0] =	vst.idx.msk $0xffff, v19;
	v17 =	vadd.s32 v0, v13;
	v19 =	vmul.f32 $8.000000000e+00, v22;
	v22 =	vld [tilespmem:s23+$0x0]  }
0x348: {  	[tilespmem:v18+s19+$0x0] =	vst.idx.msk $0xffff, v16;
	v16 =	vadd.s32 v2, v11;
	v18 =	vmul.f32 $8.000000000e+00, v25;
	v25 =	vld [tilespmem:s26+$0x20]  }
0x349: {  	v28 =	vld [tilespmem:s25+$0xFFFFE050];
	[tilespmem:v20+s19+$0x0] =	vst.idx.msk $0xffff, v19;
	v19 =	vadd.s32 v4, v9;
	v20 =	vmul.f32 $8.000000000e+00, v26  }
0x34a: {  	v23 =	vmul.f32 $8.000000000e+00, v23;
	v26 =	vld [tilespmem:s24+$0xFFFFE070];
	[tilespmem:v27+s19+$0x0] =	vst.idx.msk $0xffff, v18;
	v18 =	vadd.s32 v6, v15  }
0x34b: {  	v27 =	vadd.s32 v1, v12;
	v21 =	vmul.f32 $8.000000000e+00, v21;
	v29 =	vld [tilespmem:s23+$0x50];
	[tilespmem:v24+s19+$0x0] =	vst.idx.msk $0xffff, v20  }
0x34c: {  	[tilespmem:v17+s19+$0x0] =	vst.idx.msk $0xffff, v23;
	v23 =	vadd.s32 v3, v10;
	v17 =	vmul.f32 $8.000000000e+00, v22;
	v24 =	vld [tilespmem:s26+$0x70]  }
0x34d: {  	v30 =	vld [tilespmem:s25+$0xFFFFE010];
	[tilespmem:v16+s19+$0x0] =	vst.idx.msk $0xffff, v21;
	v21 =	vadd.s32 v5, v8;
	v20 =	vmul.f32 $8.000000000e+00, v25  }
0x34e: {  	v31 =	vadd.s32 v7, v14;
	v25 =	vmul.f32 $8.000000000e+00, v28;
	v28 =	vld [tilespmem:s24+$0xFFFFE030];
	[tilespmem:v19+s19+$0x0] =	vst.idx.msk $0xffff, v17  }
0x34f: {  	v22 =	vadd.s32 v1, v13;
	v14 =	vmul.f32 $8.000000000e+00, v26;
	v16 =	vld [tilespmem:s23+$0x10];
	[tilespmem:v18+s19+$0x0] =	vst.idx.msk $0xffff, v20  }
0x350: {  	s28 =	simm.s32 $0xC600;
	s31 =	simm.s32 $0x9;
	v20 =	vadd.s32 v3, v11;
	[tilespmem:v27+s19+$0x0] =	vst.idx.msk $0xffff, v25;
	v19 =	vmul.f32 $8.000000000e+00, v29;
	v17 =	vld [tilespmem:s26+$0x30]  }
0x351: {  	v26 =	vmov s31;
	v18 =	vadd.s32 v5, v9;
	v25 =	vld [tilespmem:s28+$0xFFFFE040];
	[tilespmem:v23+s19+$0x0] =	vst.idx.msk $0xffff, v14;
	v29 =	vmul.f32 $8.000000000e+00, v24  }
0x352: {  	v14 =	vand.u32 $0x7F, v26;
	v23 =	vld [tilespmem:s25+$0xFFFFE060];
	v27 =	vmul.f32 $8.000000000e+00, v30;
	[tilespmem:v21+s19+$0x0] =	vst.idx.msk $0xffff, v19;
	v19 =	vadd.s32 v7, v15  }
0x353: {  	s0 =	simm.s32 $0x8;
	s29 =	simm.s32 $0xA;
	s26 =	simm.s32 $0xC600;
	v26 =	vadd.s32 v0, v14;
	v21 =	vld [tilespmem:s24+$0x40];
	v24 =	vmul.f32 $8.000000000e+00, v28;
	[tilespmem:v31+s19+$0x0] =	vst.idx.msk $0xffff, v29  }
.LBB2_16:
0x354: {  	p0 =	slt.u32 s29, $0x7E;
	[tilespmem:v22+s19+$0x0] =	vst.idx.msk $0xffff, v27;
	v15 =	vadd.s32 v2, v12;
	v16 =	vmul.f32 $8.000000000e+00, v16;
	v22 =	vld [tilespmem:s23+$0x60]  }
0x355: {  	v27 =	vmov s0;
	s0 =	smov.u32 s29;
	v28 =	vld [tilespmem:s28+$0xFFFFE000];
	[tilespmem:v20+s19+$0x0] =	vst.idx.msk $0xffff, v24;
	v20 =	vadd.s32 v4, v10;
	v17 =	vmul.f32 $8.000000000e+00, v17  }
0x356: {  	v29 =	vand.u32 $0x7E, v27;
	v24 =	vmul.f32 $8.000000000e+00, v25;
	v25 =	vld [tilespmem:s25+$0xFFFFE020];
	[tilespmem:v18+s19+$0x0] =	vst.idx.msk $0xffff, v16;
	v16 =	vadd.s32 v6, v8  }
0x357: {  	v18 =	vadd.s32 v0, v29;
	v23 =	vmul.f32 $8.000000000e+00, v23;
	v27 =	vld [tilespmem:s24+$0x0];
	[tilespmem:v19+s19+$0x0] =	vst.idx.msk $0xffff, v17  }
0x358: {  	v17 =	vadd.s32 v2, v13;
	[tilespmem:v26+s19+$0x0] =	vst.idx.msk $0xffff, v24;
	v19 =	vmul.f32 $8.000000000e+00, v21;
	v21 =	vld [tilespmem:s23+$0x20]  }
0x359: {  	v24 =	vld [tilespmem:s28+$0xFFFFE050];
	[tilespmem:v15+s19+$0x0] =	vst.idx.msk $0xffff, v23;
	v15 =	vadd.s32 v4, v11;
	v22 =	vmul.f32 $8.000000000e+00, v22  }
0x35a: {  	v23 =	vmul.f32 $8.000000000e+00, v28;
	v26 =	vld [tilespmem:s25+$0xFFFFE070];
	[tilespmem:v20+s19+$0x0] =	vst.idx.msk $0xffff, v19;
	v19 =	vadd.s32 v6, v9  }
0x35b: {  	v20 =	vadd.s32 v1, v14;
	v25 =	vmul.f32 $8.000000000e+00, v25;
	v28 =	vld [tilespmem:s24+$0x50];
	[tilespmem:v16+s19+$0x0] =	vst.idx.msk $0xffff, v22  }
0x35c: {  	[tilespmem:v18+s19+$0x0] =	vst.idx.msk $0xffff, v23;
	v18 =	vadd.s32 v3, v12;
	v16 =	vmul.f32 $8.000000000e+00, v27;
	v23 =	vld [tilespmem:s23+$0x70]  }
0x35d: {  	v30 =	vadd.s32 v5, v10;
	v27 =	vld [tilespmem:s28+$0xFFFFE010];
	[tilespmem:v17+s19+$0x0] =	vst.idx.msk $0xffff, v25;
	v17 =	vmul.f32 $8.000000000e+00, v21  }
0x35e: {  	v21 =	vmul.f32 $8.000000000e+00, v24;
	v24 =	vld [tilespmem:s25+$0xFFFFE030];
	[tilespmem:v15+s19+$0x0] =	vst.idx.msk $0xffff, v16;
	v15 =	vadd.s32 v7, v8;
	v8 =	vmovc v10;
	v10 =	vmov v12  }
.Ltmp7:
0x35f: {  	v22 =	vadd.s32 v1, v29;
	v12 =	vmov v14;
	v26 =	vmul.f32 $8.000000000e+00, v26;
	v16 =	vld [tilespmem:s24+$0x10];
	[tilespmem:v19+s19+$0x0] =	vst.idx.msk $0xffff, v17;
	(pc) =	sbr.rel @p0 .LBB2_16-.Ltmp7, $4  }
0x360: {  	s1 =	sadd.s32 $0x1, s29;
	s28 =	sadd.s32 $0x80, s28;
	[tilespmem:v20+s19+$0x0] =	vst.idx.msk $0xffff, v21;
	v20 =	vadd.s32 v3, v13;
	v19 =	vmul.f32 $8.000000000e+00, v28;
	v17 =	vld [tilespmem:s23+$0x30];
	s23 =	smov.u32 s24  }
0x361: {  	v14 =	vmov s1;
	s24 =	smov.u32 s25;
	s25 =	smov.u32 s26;
	s26 =	smov.u32 s28;
	v25 =	vld [tilespmem:s28+$0xFFFFE040];
	[tilespmem:v18+s19+$0x0] =	vst.idx.msk $0xffff, v26;
	v18 =	vadd.s32 v5, v11;
	v28 =	vmul.f32 $8.000000000e+00, v23  }
0x362: {  	v14 =	vand.u32 $0x7F, v14;
	v27 =	vmul.f32 $8.000000000e+00, v27;
	v23 =	vld [tilespmem:s25+$0xFFFFE060];
	[tilespmem:v30+s19+$0x0] =	vst.idx.msk $0xffff, v19;
	v19 =	vadd.s32 v7, v9;
	v9 =	vmovc v11  }
0x363: {  	s29 =	sadd.s32 $0x2, s29;
	v26 =	vadd.s32 v0, v14;
	v11 =	vmovc v13;
	v13 =	vmov v29;
	v24 =	vmul.f32 $8.000000000e+00, v24;
	v21 =	vld [tilespmem:s24+$0x40];
	[tilespmem:v15+s19+$0x0] =	vst.idx.msk $0xffff, v28  }
0x364: {  	v15 =	vmov s0;
	v28 =	vld [tilespmem:s28+$0xFFFFE000]  }
0x365: {  	v15 =	vand.u32 $0x7E, v15  }
0x366: {  	v29 =	vadd.s32 v0, v15;
	_ =	sdelay $0x1  }
0x367: {  	v25 =	vmul.f32 $8.000000000e+00, v25  }
0x368: {  	v28 =	vmul.f32 $8.000000000e+00, v28  }
0x369: {  	[tilespmem:v26+s19+$0x0] =	vst.idx.msk $0xffff, v25  }
0x36a: {  	v25 =	vld [tilespmem:s28+$0xFFFFE050];
	[tilespmem:v29+s19+$0x0] =	vst.idx.msk $0xffff, v28  }
0x36b: {  	v35 =	vld [tilespmem:s28+$0xFFFFE010]  }
0x36c: {  	v36 =	vadd.s32 v1, v14  }
0x36d: {  	v37 =	vadd.s32 v1, v15;
	_ =	sdelay $0x1  }
0x36e: {  	[tilespmem:v22+s19+$0x0] =	vst.idx.msk $0xffff, v27;
	v25 =	vmul.f32 $8.000000000e+00, v25  }
0x36f: {  	v39 =	vld [tilespmem:s25+$0xFFFFE020];
	v38 =	vmul.f32 $8.000000000e+00, v35  }
0x370: {  	v40 =	vadd.s32 v2, v12;
	[tilespmem:v36+s19+$0x0] =	vst.idx.msk $0xffff, v25  }
0x371: {  	v42 =	vadd.s32 v2, v13;
	v41 =	vld [tilespmem:s26+$0xFFFFE060];
	[tilespmem:v37+s19+$0x0] =	vst.idx.msk $0xffff, v38  }
0x372: {  	v43 =	vld [tilespmem:s26+$0xFFFFE020]  }
0x373: {  	v44 =	vadd.s32 v2, v14;
	v23 =	vmul.f32 $8.000000000e+00, v23  }
0x374: {  	v30 =	vadd.s32 v2, v15;
	v26 =	vmul.f32 $8.000000000e+00, v39  }
0x375: {  	[tilespmem:v40+s19+$0x0] =	vst.idx.msk $0xffff, v23  }
0x376: {  	[tilespmem:v42+s19+$0x0] =	vst.idx.msk $0xffff, v26;
	v25 =	vld [tilespmem:s25+$0xFFFFE070];
	v45 =	vmul.f32 $8.000000000e+00, v41  }
0x377: {  	v26 =	vld [tilespmem:s25+$0xFFFFE030];
	v46 =	vmul.f32 $8.000000000e+00, v43  }
0x378: {  	v47 =	vadd.s32 v3, v12;
	[tilespmem:v44+s19+$0x0] =	vst.idx.msk $0xffff, v45  }
0x379: {  	v49 =	vadd.s32 v3, v13;
	v48 =	vld [tilespmem:s26+$0xFFFFE070];
	[tilespmem:v30+s19+$0x0] =	vst.idx.msk $0xffff, v46  }
0x37a: {  	v50 =	vld [tilespmem:s26+$0xFFFFE030]  }
0x37b: {  	v51 =	vadd.s32 v3, v14;
	v25 =	vmul.f32 $8.000000000e+00, v25  }
0x37c: {  	[tilespmem:v20+s19+$0x0] =	vst.idx.msk $0xffff, v24;
	v52 =	vadd.s32 v3, v15;
	v53 =	vmul.f32 $8.000000000e+00, v26  }
0x37d: {  	v55 =	vadd.s32 v4, v10;
	v24 =	vld [tilespmem:s24+$0x0];
	[tilespmem:v47+s19+$0x0] =	vst.idx.msk $0xffff, v25  }
0x37e: {  	[tilespmem:v49+s19+$0x0] =	vst.idx.msk $0xffff, v53;
	v56 =	vld [tilespmem:s25+$0x40];
	v54 =	vmul.f32 $8.000000000e+00, v48  }
0x37f: {  	v58 =	vadd.s32 v4, v11;
	v59 =	vld [tilespmem:s25+$0x0];
	v57 =	vmul.f32 $8.000000000e+00, v50  }
0x380: {  	v60 =	vadd.s32 v4, v12;
	v62 =	vmul.f32 $8.000000000e+00, v21;
	[tilespmem:v51+s19+$0x0] =	vst.idx.msk $0xffff, v54  }
0x381: {  	v63 =	vadd.s32 v4, v13;
	v61 =	vld [tilespmem:s26+$0x40];
	[tilespmem:v52+s19+$0x0] =	vst.idx.msk $0xffff, v57  }
0x382: {  	[tilespmem:v55+s19+$0x0] =	vst.idx.msk $0xffff, v62;
	v24 =	vmul.f32 $8.000000000e+00, v24;
	v33 =	vld [tilespmem:s26+$0x0]  }
0x383: {  	v34 =	vadd.s32 v4, v14;
	v37 =	vld [tilespmem:s24+$0x50];
	v35 =	vmul.f32 $8.000000000e+00, v56  }
0x384: {  	[tilespmem:v58+s19+$0x0] =	vst.idx.msk $0xffff, v24;
	v36 =	vadd.s32 v4, v15;
	v38 =	vmul.f32 $8.000000000e+00, v59  }
0x385: {  	v16 =	vmul.f32 $8.000000000e+00, v16;
	v39 =	vld [tilespmem:s24+$0x10];
	v41 =	vadd.s32 v5, v10;
	[tilespmem:v60+s19+$0x0] =	vst.idx.msk $0xffff, v35  }
0x386: {  	[tilespmem:v63+s19+$0x0] =	vst.idx.msk $0xffff, v38;
	v42 =	vld [tilespmem:s25+$0x50];
	v40 =	vmul.f32 $8.000000000e+00, v61  }
0x387: {  	[tilespmem:v18+s19+$0x0] =	vst.idx.msk $0xffff, v16;
	v44 =	vadd.s32 v5, v11;
	v45 =	vld [tilespmem:s25+$0x10];
	v43 =	vmul.f32 $8.000000000e+00, v33  }
0x388: {  	v46 =	vadd.s32 v5, v12;
	v48 =	vmul.f32 $8.000000000e+00, v37;
	v50 =	vld [tilespmem:s23+$0x60];
	[tilespmem:v34+s19+$0x0] =	vst.idx.msk $0xffff, v40  }
0x389: {  	v17 =	vmul.f32 $8.000000000e+00, v17;
	v49 =	vadd.s32 v5, v13;
	v47 =	vld [tilespmem:s26+$0x50];
	[tilespmem:v36+s19+$0x0] =	vst.idx.msk $0xffff, v43  }
0x38a: {  	v56 =	vadd.s32 v6, v8;
	v51 =	vmul.f32 $8.000000000e+00, v39;
	[tilespmem:v41+s19+$0x0] =	vst.idx.msk $0xffff, v48;
	v21 =	vld [tilespmem:s26+$0x10]  }
0x38b: {  	[tilespmem:v19+s19+$0x0] =	vst.idx.msk $0xffff, v17;
	v52 =	vadd.s32 v5, v14;
	v57 =	vld [tilespmem:s24+$0x60];
	v54 =	vmul.f32 $8.000000000e+00, v42  }
0x38c: {  	v55 =	vadd.s32 v5, v15;
	v53 =	vld [tilespmem:s23+$0x20];
	[tilespmem:v44+s19+$0x0] =	vst.idx.msk $0xffff, v51;
	v58 =	vmul.f32 $8.000000000e+00, v45  }
0x38d: {  	v62 =	vadd.s32 v6, v10;
	v60 =	vld [tilespmem:s24+$0x20];
	[tilespmem:v46+s19+$0x0] =	vst.idx.msk $0xffff, v54;
	v33 =	vmul.f32 $8.000000000e+00, v50  }
0x38e: {  	v59 =	vadd.s32 v6, v9;
	[tilespmem:v49+s19+$0x0] =	vst.idx.msk $0xffff, v58;
	v63 =	vld [tilespmem:s25+$0x60];
	v61 =	vmul.f32 $8.000000000e+00, v47  }
0x38f: {  	v35 =	vld [tilespmem:s25+$0x20];
	v34 =	vadd.s32 v6, v11;
	[tilespmem:v56+s19+$0x0] =	vst.idx.msk $0xffff, v33;
	v32 =	vmul.f32 $8.000000000e+00, v21  }
0x390: {  	v37 =	vadd.s32 v6, v12;
	v39 =	vmul.f32 $8.000000000e+00, v57;
	v26 =	vld [tilespmem:s23+$0x70];
	[tilespmem:v52+s19+$0x0] =	vst.idx.msk $0xffff, v61  }
0x391: {  	v40 =	vadd.s32 v6, v13;
	v36 =	vmul.f32 $8.000000000e+00, v53;
	v38 =	vld [tilespmem:s26+$0x60];
	[tilespmem:v55+s19+$0x0] =	vst.idx.msk $0xffff, v32  }
0x392: {  	v8 =	vadd.s32 v7, v8;
	v41 =	vmul.f32 $8.000000000e+00, v60;
	[tilespmem:v62+s19+$0x0] =	vst.idx.msk $0xffff, v39;
	v23 =	vld [tilespmem:s26+$0x20]  }
0x393: {  	v42 =	vadd.s32 v6, v14;
	[tilespmem:v59+s19+$0x0] =	vst.idx.msk $0xffff, v36;
	v44 =	vmul.f32 $8.000000000e+00, v63  }
0x394: {  	v45 =	vadd.s32 v6, v15;
	v46 =	vld [tilespmem:s24+$0x70];
	[tilespmem:v34+s19+$0x0] =	vst.idx.msk $0xffff, v41;
	v47 =	vmul.f32 $8.000000000e+00, v35  }
0x395: {  	v43 =	vld [tilespmem:s23+$0x30];
	[tilespmem:v37+s19+$0x0] =	vst.idx.msk $0xffff, v44;
	v52 =	vmul.f32 $8.000000000e+00, v26  }
0x396: {  	v50 =	vadd.s32 v7, v10;
	v19 =	vld [tilespmem:s25+$0x70];
	[tilespmem:v40+s19+$0x0] =	vst.idx.msk $0xffff, v47;
	v49 =	vmul.f32 $8.000000000e+00, v38  }
0x397: {  	v48 =	vadd.s32 v7, v9;
	v21 =	vld [tilespmem:s24+$0x30];
	[tilespmem:v8+s19+$0x0] =	vst.idx.msk $0xffff, v52;
	v51 =	vmul.f32 $8.000000000e+00, v23  }
0x398: {  	v56 =	vadd.s32 v7, v12;
	v54 =	vld [tilespmem:s25+$0x30];
	[tilespmem:v42+s19+$0x0] =	vst.idx.msk $0xffff, v49  }
0x399: {  	v53 =	vadd.s32 v7, v11;
	v8 =	vmul.f32 $8.000000000e+00, v46;
	v57 =	vld [tilespmem:s26+$0x70];
	[tilespmem:v45+s19+$0x0] =	vst.idx.msk $0xffff, v51  }
0x39a: {  	v58 =	vadd.s32 v7, v13;
	v55 =	vmul.f32 $8.000000000e+00, v43;
	v16 =	vld [tilespmem:s26+$0x30]  }
0x39b: {  	v60 =	vadd.s32 v7, v14;
	[tilespmem:v50+s19+$0x0] =	vst.idx.msk $0xffff, v8;
	v8 =	vmul.f32 $8.000000000e+00, v19  }
0x39c: {  	v61 =	vadd.s32 v7, v15;
	[tilespmem:v48+s19+$0x0] =	vst.idx.msk $0xffff, v55;
	v59 =	vmul.f32 $8.000000000e+00, v21  }
0x39d: {  	v62 =	vmul.f32 $8.000000000e+00, v54;
	[tilespmem:v56+s19+$0x0] =	vst.idx.msk $0xffff, v8  }
0x39e: {  	[tilespmem:v53+s19+$0x0] =	vst.idx.msk $0xffff, v59;
	v8 =	vmul.f32 $8.000000000e+00, v57  }
0x39f: {  	[tilespmem:v58+s19+$0x0] =	vst.idx.msk $0xffff, v62;
	v63 =	vmul.f32 $8.000000000e+00, v16  }
0x3a0: {  	[tilespmem:v60+s19+$0x0] =	vst.idx.msk $0xffff, v8  }
0x3a1: {  	s26 =	simm.s32 $0x14A00;
	[tilespmem:v61+s19+$0x0] =	vst.idx.msk $0xffff, v63  }
0x3a2: {  	[hbm4b:s8+s2] =	stream.linear.scatter [tilespmem:s26], [sflag:$0x4], $0x80, $0x38;
	[tilespmem:$0x1B000] =	vst v63  }
0x3a3: {  	s29 =	simm.s32 $0x14A88;
	s1 =	sadd.s32 $0x10, s8  }
0x3a4: {  	[hbm4b:s1+s2] =	stream.linear.scatter [tilespmem:s29], [sflag:$0x4], $0x80, $0x38;
	[tilespmem:$0x1B000] =	vst v63  }
0x3a5: {  	s30 =	simm.s32 $0x14B10;
	s31 =	sadd.s32 $0x20, s8  }
0x3a6: {  	[hbm4b:s31+s2] =	stream.linear.scatter [tilespmem:s30], [sflag:$0x4], $0x80, $0x38;
	[tilespmem:$0x1B000] =	vst v63  }
0x3a7: {  	s23 =	sadd.s32 $0x30, s8;
	s1 =	simm.s32 $0x14B98  }
0x3a8: {  	[hbm4b:s23+s2] =	stream.linear.scatter [tilespmem:s1], [sflag:$0x4], $0x80, $0x38;
	[tilespmem:$0x1B000] =	vst v63  }
0x3a9: {  	s24 =	simm.s32 $0x14C20;
	s25 =	sadd.s32 $0x40, s8  }
0x3aa: {  	[hbm4b:s25+s2] =	stream.linear.scatter [tilespmem:s24], [sflag:$0x4], $0x80, $0x38;
	[tilespmem:$0x1B000] =	vst v63  }
0x3ab: {  	s26 =	simm.s32 $0x14CA8;
	s29 =	sadd.s32 $0x50, s8  }
0x3ac: {  	[hbm4b:s29+s2] =	stream.linear.scatter [tilespmem:s26], [sflag:$0x4], $0x80, $0x38;
	[tilespmem:$0x1B000] =	vst v63  }
0x3ad: {  	s30 =	simm.s32 $0x14D30;
	s31 =	sadd.s32 $0x60, s8  }
0x3ae: {  	[hbm4b:s31+s2] =	stream.linear.scatter [tilespmem:s30], [sflag:$0x4], $0x80, $0x38;
	[tilespmem:$0x1B000] =	vst v63  }
0x3af: {  	s1 =	simm.s32 $0x14DB8;
	s23 =	sadd.s32 $0x70, s8  }
0x3b0: {  	[hbm4b:s23+s2] =	stream.linear.scatter [tilespmem:s1], [sflag:$0x4], $0x80, $0x38;
	[tilespmem:$0x1B000] =	vst v63  }
0x3b1: {  	s24 =	simm.s32 $0x15060;
	s25 =	sadd.s32 $0x80, s8  }
0x3b2: {  	[hbm4b:s25+s2] =	stream.linear.scatter [tilespmem:s24], [sflag:$0x4], $0x80, $0x38;
	[tilespmem:$0x1B000] =	vst v63  }
0x3b3: {  	s26 =	simm.s32 $0x150E8;
	s29 =	sadd.s32 $0x90, s8  }
0x3b4: {  	[hbm4b:s29+s2] =	stream.linear.scatter [tilespmem:s26], [sflag:$0x4], $0x80, $0x38;
	[tilespmem:$0x1B000] =	vst v63  }
0x3b5: {  	s0 =	simm.s32 $0x15418;
	s30 =	simm.s32 $0x15170;
	s31 =	sadd.s32 $0xA0, s8  }
0x3b6: {  	[hbm4b:s31+s2] =	stream.linear.scatter [tilespmem:s30], [sflag:$0x4], $0x80, $0x38;
	[tilespmem:$0x1B000] =	vst v63  }
0x3b7: {  	s28 =	sadd.s32 $0xF0, s8;
	s1 =	simm.s32 $0x151F8;
	s23 =	sadd.s32 $0xB0, s8  }
0x3b8: {  	[hbm4b:s23+s2] =	stream.linear.scatter [tilespmem:s1], [sflag:$0x4], $0x80, $0x38;
	[tilespmem:$0x1B000] =	vst v63  }
0x3b9: {  	s24 =	simm.s32 $0x15280;
	s25 =	sadd.s32 $0xC0, s8;
	s26 =	simm.s32 $0x15308  }
0x3ba: {  	[hbm4b:s25+s2] =	stream.linear.scatter [tilespmem:s24], [sflag:$0x4], $0x80, $0x38;
	[tilespmem:$0x1B000] =	vst v63  }
0x3bb: {  	s29 =	sadd.s32 $0xD0, s8;
	s30 =	simm.s32 $0x15390;
	s31 =	sadd.s32 $0xE0, s8  }
0x3bc: {  	[hbm4b:s29+s2] =	stream.linear.scatter [tilespmem:s26], [sflag:$0x4], $0x80, $0x38;
	[tilespmem:$0x1B000] =	vst v63  }
0x3bd: {  	s23 =	simm.s32 $0xCC0;
	s24 =	sadd.s32 $0x4000, s8;
	s26 =	simm.s32 $0x6600  }
0x3be: {  	[hbm4b:s31+s2] =	stream.linear.scatter [tilespmem:s30], [sflag:$0x4], $0x80, $0x38;
	[tilespmem:$0x1B000] =	vst v63  }
.LBB2_18:
0x3bf: {  	[hbm4b:s28+s2] =	stream.linear.scatter [tilespmem:s0], [sflag:$0x4], $0x80, $0x38;
	[tilespmem:$0x1B000] =	vst v63  }
0x3c0: {  	s0 =	smov.u32 s23;
	s1 =	smov.u32 s26  }
0x3c1: {  	s25 =	sadd.s32 $0x3300, s26;
	s23 =	sshra.s32 s1, $0x2;
	s1 =	sadd.s32 $0x14A00, s0  }
0x3c2: {  	[hbm4b:s24+s2] =	stream.linear.scatter [tilespmem:s1], [sflag:$0x4], $0x80, $0x38;
	[tilespmem:$0x1B000] =	vst v63  }
0x3c3: {  	p0 =	sne.s32 s26, $0x16500;
	s26 =	sadd.s32 $0x10, s24;
	s1 =	sadd.s32 $0x14A88, s0  }
0x3c4: {  	[hbm4b:s26+s2] =	stream.linear.scatter [tilespmem:s1], [sflag:$0x4], $0x80, $0x38;
	[tilespmem:$0x1B000] =	vst v63  }
0x3c5: {  	s1 =	sadd.s32 $0x14B10, s0;
	s26 =	sadd.s32 $0x20, s24  }
0x3c6: {  	[hbm4b:s26+s2] =	stream.linear.scatter [tilespmem:s1], [sflag:$0x4], $0x80, $0x38;
	[tilespmem:$0x1B000] =	vst v63  }
0x3c7: {  	s1 =	sadd.s32 $0x14B98, s0;
	s26 =	sadd.s32 $0x30, s24  }
0x3c8: {  	[hbm4b:s26+s2] =	stream.linear.scatter [tilespmem:s1], [sflag:$0x4], $0x80, $0x38;
	[tilespmem:$0x1B000] =	vst v63  }
0x3c9: {  	s1 =	sadd.s32 $0x14C20, s0;
	s26 =	sadd.s32 $0x40, s24  }
0x3ca: {  	[hbm4b:s26+s2] =	stream.linear.scatter [tilespmem:s1], [sflag:$0x4], $0x80, $0x38;
	[tilespmem:$0x1B000] =	vst v63  }
0x3cb: {  	s1 =	sadd.s32 $0x14CA8, s0;
	s26 =	sadd.s32 $0x50, s24  }
0x3cc: {  	[hbm4b:s26+s2] =	stream.linear.scatter [tilespmem:s1], [sflag:$0x4], $0x80, $0x38;
	[tilespmem:$0x1B000] =	vst v63  }
0x3cd: {  	s1 =	sadd.s32 $0x14D30, s0;
	s26 =	sadd.s32 $0x60, s24  }
0x3ce: {  	[hbm4b:s26+s2] =	stream.linear.scatter [tilespmem:s1], [sflag:$0x4], $0x80, $0x38;
	[tilespmem:$0x1B000] =	vst v63  }
0x3cf: {  	s1 =	sadd.s32 $0x14DB8, s0;
	s26 =	sadd.s32 $0x70, s24  }
0x3d0: {  	[hbm4b:s26+s2] =	stream.linear.scatter [tilespmem:s1], [sflag:$0x4], $0x80, $0x38;
	[tilespmem:$0x1B000] =	vst v63  }
0x3d1: {  	s1 =	sadd.s32 $0x15060, s0;
	s26 =	sadd.s32 $0x80, s24  }
0x3d2: {  	[hbm4b:s26+s2] =	stream.linear.scatter [tilespmem:s1], [sflag:$0x4], $0x80, $0x38;
	[tilespmem:$0x1B000] =	vst v63  }
0x3d3: {  	s1 =	sadd.s32 $0x150E8, s0;
	s26 =	sadd.s32 $0x90, s24  }
0x3d4: {  	[hbm4b:s26+s2] =	stream.linear.scatter [tilespmem:s1], [sflag:$0x4], $0x80, $0x38;
	[tilespmem:$0x1B000] =	vst v63  }
0x3d5: {  	s1 =	sadd.s32 $0x15170, s0;
	s26 =	sadd.s32 $0xA0, s24  }
0x3d6: {  	[hbm4b:s26+s2] =	stream.linear.scatter [tilespmem:s1], [sflag:$0x4], $0x80, $0x38;
	[tilespmem:$0x1B000] =	vst v63  }
0x3d7: {  	s1 =	sadd.s32 $0x151F8, s0;
	s26 =	sadd.s32 $0xB0, s24  }
0x3d8: {  	[hbm4b:s26+s2] =	stream.linear.scatter [tilespmem:s1], [sflag:$0x4], $0x80, $0x38;
	[tilespmem:$0x1B000] =	vst v63  }
0x3d9: {  	s1 =	sadd.s32 $0x15280, s0;
	s26 =	sadd.s32 $0xC0, s24  }
0x3da: {  	[hbm4b:s26+s2] =	stream.linear.scatter [tilespmem:s1], [sflag:$0x4], $0x80, $0x38;
	[tilespmem:$0x1B000] =	vst v63  }
.Ltmp8:
0x3db: {  	s1 =	sadd.s32 $0x15308, s0;
	s26 =	sadd.s32 $0xD0, s24;
	(pc) =	sbr.rel @p0 .LBB2_18-.Ltmp8, $4  }
0x3dc: {  	[hbm4b:s26+s2] =	stream.linear.scatter [tilespmem:s1], [sflag:$0x4], $0x80, $0x38;
	[tilespmem:$0x1B000] =	vst v63  }
0x3dd: {  	s28 =	sadd.s32 $0xF0, s24;
	s1 =	sadd.s32 $0x15390, s0;
	s26 =	sadd.s32 $0xE0, s24  }
0x3de: {  	[hbm4b:s26+s2] =	stream.linear.scatter [tilespmem:s1], [sflag:$0x4], $0x80, $0x38;
	[tilespmem:$0x1B000] =	vst v63  }
0x3df: {  	s0 =	sadd.s32 $0x15418, s0;
	s24 =	sadd.s32 $0x4000, s24;
	s26 =	smov.u32 s25  }
0x3e0: {  	[hbm4b:s28+s2] =	stream.linear.scatter [tilespmem:s0], [sflag:$0x4], $0x80, $0x38;
	[tilespmem:$0x1B000] =	vst v63  }
0x3e1: {  	s25 =	sadd.s32 $0x14A00, s23  }
0x3e2: {  	[hbm4b:s24+s2] =	stream.linear.scatter [tilespmem:s25], [sflag:$0x4], $0x80, $0x38;
	[tilespmem:$0x1B000] =	vst v63  }
0x3e3: {  	s26 =	sadd.s32 $0x14A88, s23;
	s1 =	sadd.s32 $0x10, s24  }
0x3e4: {  	[hbm4b:s1+s2] =	stream.linear.scatter [tilespmem:s26], [sflag:$0x4], $0x80, $0x38;
	[tilespmem:$0x1B000] =	vst v63  }
0x3e5: {  	s28 =	sadd.s32 $0x14B10, s23;
	s29 =	sadd.s32 $0x20, s24  }
0x3e6: {  	[hbm4b:s29+s2] =	stream.linear.scatter [tilespmem:s28], [sflag:$0x4], $0x80, $0x38;
	[tilespmem:$0x1B000] =	vst v63  }
0x3e7: {  	s30 =	sadd.s32 $0x14B98, s23;
	s31 =	sadd.s32 $0x30, s24  }
0x3e8: {  	[hbm4b:s31+s2] =	stream.linear.scatter [tilespmem:s30], [sflag:$0x4], $0x80, $0x38;
	[tilespmem:$0x1B000] =	vst v63  }
0x3e9: {  	s25 =	sadd.s32 $0x14C20, s23;
	s26 =	sadd.s32 $0x40, s24  }
0x3ea: {  	[hbm4b:s26+s2] =	stream.linear.scatter [tilespmem:s25], [sflag:$0x4], $0x80, $0x38;
	[tilespmem:$0x1B000] =	vst v63  }
0x3eb: {  	s28 =	sadd.s32 $0x14CA8, s23;
	s29 =	sadd.s32 $0x50, s24  }
0x3ec: {  	[hbm4b:s29+s2] =	stream.linear.scatter [tilespmem:s28], [sflag:$0x4], $0x80, $0x38;
	[tilespmem:$0x1B000] =	vst v63  }
0x3ed: {  	s30 =	sadd.s32 $0x14D30, s23;
	s31 =	sadd.s32 $0x60, s24  }
0x3ee: {  	[hbm4b:s31+s2] =	stream.linear.scatter [tilespmem:s30], [sflag:$0x4], $0x80, $0x38;
	[tilespmem:$0x1B000] =	vst v63  }
0x3ef: {  	s25 =	sadd.s32 $0x14DB8, s23;
	s26 =	sadd.s32 $0x70, s24  }
0x3f0: {  	[hbm4b:s26+s2] =	stream.linear.scatter [tilespmem:s25], [sflag:$0x4], $0x80, $0x38;
	[tilespmem:$0x1B000] =	vst v63  }
0x3f1: {  	s28 =	sadd.s32 $0x15060, s23;
	s29 =	sadd.s32 $0x80, s24  }
0x3f2: {  	[hbm4b:s29+s2] =	stream.linear.scatter [tilespmem:s28], [sflag:$0x4], $0x80, $0x38;
	[tilespmem:$0x1B000] =	vst v63  }
0x3f3: {  	s30 =	sadd.s32 $0x150E8, s23;
	s31 =	sadd.s32 $0x90, s24  }
0x3f4: {  	[hbm4b:s31+s2] =	stream.linear.scatter [tilespmem:s30], [sflag:$0x4], $0x80, $0x38;
	[tilespmem:$0x1B000] =	vst v63  }
0x3f5: {  	s25 =	sadd.s32 $0x15170, s23;
	s26 =	sadd.s32 $0xA0, s24  }
0x3f6: {  	[hbm4b:s26+s2] =	stream.linear.scatter [tilespmem:s25], [sflag:$0x4], $0x80, $0x38;
	[tilespmem:$0x1B000] =	vst v63  }
0x3f7: {  	s28 =	sadd.s32 $0x151F8, s23;
	s29 =	sadd.s32 $0xB0, s24  }
0x3f8: {  	[hbm4b:s29+s2] =	stream.linear.scatter [tilespmem:s28], [sflag:$0x4], $0x80, $0x38;
	[tilespmem:$0x1B000] =	vst v63  }
0x3f9: {  	s30 =	sadd.s32 $0x15280, s23;
	s31 =	sadd.s32 $0xC0, s24  }
0x3fa: {  	[hbm4b:s31+s2] =	stream.linear.scatter [tilespmem:s30], [sflag:$0x4], $0x80, $0x38;
	[tilespmem:$0x1B000] =	vst v63  }
0x3fb: {  	s25 =	sadd.s32 $0x15308, s23;
	s26 =	sadd.s32 $0xD0, s24  }
0x3fc: {  	[hbm4b:s26+s2] =	stream.linear.scatter [tilespmem:s25], [sflag:$0x4], $0x80, $0x38;
	[tilespmem:$0x1B000] =	vst v63  }
0x3fd: {  	s28 =	sadd.s32 $0x15390, s23;
	s29 =	sadd.s32 $0xE0, s24  }
0x3fe: {  	[hbm4b:s29+s2] =	stream.linear.scatter [tilespmem:s28], [sflag:$0x4], $0x80, $0x38;
	[tilespmem:$0x1B000] =	vst v63  }
0x3ff: {  	s22 =	sadd.s32 $0x1, s22;
	s30 =	sadd.s32 $0x15418, s23;
	s31 =	sadd.s32 $0xF0, s24  }
0x400: {  	[hbm4b:s31+s2] =	stream.linear.scatter [tilespmem:s30], [sflag:$0x4], $0x80, $0x38;
	[tilespmem:$0x1B000] =	vst v63  }
0x401: {  	p0 =	sne.s32 s22, s9;
	_ =	swait.ge [sflag:s20], $0x4000  }
.Ltmp9:
0x402: {  	[sflag:s20] =	ssyncset.done $0x0;
	(pc) =	sbr.rel @p0 .LBB2_1-.Ltmp9, $4  }
0x403: {  	[sflag:s20] =	ssyncadd.s32 $0xFFFFC000  }
0x404: {  	_ =	swait.ge [sflag:s21], $0x4000  }
0x405: {  	[sflag:s21] =	ssyncset.done $0x0  }
0x406: {  	[sflag:s21] =	ssyncadd.s32 $0xFFFFC000  }
0x407: {  	_ =	sfence.sel $0x180000  }
0x408: {  	[bflag:$0x0] =	sbarrier.arrive $0xFFFF  }
0x409: {  	_ =	strace $0x90000047  }
0x40a: {  	s0 =	stileid.u32;
	[bflag:$0x2] =	sbarrier.arrive $0xFFFF  }
0x40b: {  	p0 =	sne.s32 s0, $0x0;
	s0 =	rddreg [dreg:$0x2]  }
0x40c: {  	s0 =	sadd.s32 @!p0 $0x100000, s0  }
0x40d: {  	[sflag:s0] =	ssyncadd.tile.s32 @!p0 $0x1;
	_ =	shalt  }
.Lfunc_end2:
_tile_overlayer_lowered:
.L_overlay_start_2:
0x40e: {  	(tag) =	ssettag $0x2  }
0x40f: {  	s0 =	rddreg [dreg:$0x0];
	s2 =	stileid.u32  }
0x410: {  	s1 =	rddreg [dreg:$0x1];
	p0 =	sne.s32 s2, $0x0  }
0x411: {  	s3 =	rddreg [dreg:$0x2];
	[bflag:$0x3] =	sbarrier.arrive $0xFFFF;
	s2 =	simm.s32 @!p0 $0x1C05  }
0x412: {  	[timem:s3], [sflag:s2] =	dma.local @!p0 [hbm:s0], s1  }
0x413: {  	s0 =	simm.s32 @!p0 $0x5  }
0x414: {  	_ =	swait.ge @!p0 [sflag:s0], s1  }
0x415: {  	s1 =	ssub.s32 @!p0 $0x0, s1;
	[sflag:s0] =	ssyncset.done @!p0 $0x0  }
0x416: {  	[sflag:s0] =	ssyncadd.s32 @!p0 s1  }
0x417: {  	[bflag:$0x3] =	sbarrier.arrive $0xFFFF  }
0x418: {  	_ =	shalt  }

</sc_bundles>
